<compile_context>
chip_gen: v7x
topology: tpu7x:2x2x1
jax: 0.10.2.dev20260603
libtpu: 0.0.44.dev20260713+nightly
codegen_flags: <defaults>
</compile_context>

<pallas_src>
import functools

import jax
import jax.numpy as jnp
from jax import lax
from jax.experimental import pallas as pl
from jax.experimental.pallas import tpu as pltpu
from jax.experimental.pallas import tpu_sc as plsc

_N_EMBED = 128
_BATCH = 16384
_N_SAMPLES = 3
_NOISE = _BATCH * _N_SAMPLES

_NC, _NS = 2, 16
_NW = _NC * _NS
_CH = 128
_CB = _BATCH // (_NW * _CH)
_CZ = _NOISE // (_NW * _CH)
_ZPW = _CZ * _CH

_mesh = plsc.VectorSubcoreMesh(core_axis_name="c", subcore_axis_name="s")


@functools.partial(
    pl.kernel,
    mesh=_mesh,
    out_type=(
        jax.ShapeDtypeStruct((_BATCH // _CH, _CH, _N_EMBED), jnp.float32),
        jax.ShapeDtypeStruct((_BATCH // _CH, _CH, _N_EMBED), jnp.float32),
        jax.ShapeDtypeStruct((_NOISE // _CH, _CH, _N_EMBED), jnp.float32),
    ),
    scratch_types=[
        pltpu.VMEM((_CB, _CH), jnp.int32),
        pltpu.VMEM((_CB, _CH), jnp.int32),
        pltpu.VMEM((_ZPW,), jnp.int32),
        pltpu.VMEM((_ZPW,), jnp.int32),
        pltpu.VMEM((4, _CH, _N_EMBED), jnp.float32),
        [pltpu.SemaphoreType.DMA] * 4,
        [pltpu.SemaphoreType.DMA] * 4,
    ],
    compiler_params=pltpu.CompilerParams(needs_layout_passes=False),
)
def _sc_gather(in_tab, out_tab, iw, ow, zw, iv, ov, nv,
               bi, bo, bzr, bz, rows, gsem, ssem):
    wid = lax.axis_index("s") * _NC + lax.axis_index("c")
    pltpu.sync_copy(iw.at[wid], bi)
    items = []
    for tab, buf, nch, dst in (
        (in_tab, bi, _CB, iv),
        (out_tab, bo, _CB, ov),
    ):
        for c in range(nch):
            items.append((tab, buf.at[c], dst.at[wid * nch + c]))
    for t in range(_N_SAMPLES):
        for c in range(_CB):
            items.append((out_tab, bz.at[pl.ds((t * _CB + c) * _CH, _CH)],
                          nv.at[t * (_BATCH // _CH) + wid * _CB + c]))
    n = len(items)
    g_cp = [None] * n
    s_cp = [None] * n

    def start_gather(j):
        tab, idx, _ = items[j]
        g_cp[j] = pltpu.async_copy(tab.at[idx], rows.at[j % 4], gsem[j % 4])

    def start_store(j):
        _, _, dst = items[j]
        s_cp[j] = pltpu.async_copy(rows.at[j % 4], dst, ssem[j % 4])

    def deinterleave():
        iota3 = lax.iota(jnp.int32, 16) * 3
        for t in range(_N_SAMPLES):
            for k in range(_ZPW // _N_SAMPLES // 16):
                q = iota3 + (48 * k + t)
                v = plsc.load_gather(bzr, [q])
                bz[pl.ds(t * (_ZPW // _N_SAMPLES) + 16 * k, 16)] = v

    _D = 3
    for j in range(_D):
        start_gather(j)
    pltpu.sync_copy(ow.at[wid], bo)
    pltpu.sync_copy(zw.at[pl.ds(wid * _ZPW, _ZPW)], bzr)
    deinterleave()
    for j in range(n):
        if j + _D < n:
            if j + _D - 4 >= 0:
                s_cp[j + _D - 4].wait()
            start_gather(j + _D)
        g_cp[j].wait()
        start_store(j)
    for j in range(n - 4, n):
        s_cp[j].wait()


def kernel(input_words, output_words, noise_words, in_embed_weight, out_embed_weight):
    iw = input_words.astype(jnp.int32).reshape(_NW, _CB, _CH)
    ow = output_words.astype(jnp.int32).reshape(_NW, _CB, _CH)
    zw = noise_words.astype(jnp.int32)
    iv, ov, nv = _sc_gather(in_embed_weight, out_embed_weight, iw, ow, zw)
    return (iv.reshape(_BATCH, _N_EMBED),
            ov.reshape(_BATCH, _N_EMBED),
            nv.reshape(_N_SAMPLES, _BATCH, _N_EMBED).transpose(1, 0, 2))

# --- scband reference (transcript-rebuilt; emitter-appended) ---
"""Pipeline reference for scband-skip-gram-neg-32624571580607 (READ-ONLY COPY).

The authoritative reference and input builder live on the scoring server;
editing this copy changes nothing except your own understanding.
"""

import jax, jax.numpy as jnp
import numpy as np

N_VOCAB = 100000
N_EMBED = 128
BATCH = 16384
N_SAMPLES = 3

def setup_inputs(seed: int = 0) -> dict:
    key = jax.random.key(seed)
    k1, k2, k3, k4, k5 = jax.random.split(key, 5)
    input_words = jax.random.randint(k1, (BATCH,), 0, N_VOCAB, dtype=jnp.int64 if jax.config.jax_enable_x64 else jnp.int32)
    output_words = jax.random.randint(k2, (BATCH,), 0, N_VOCAB, dtype=jnp.int64 if jax.config.jax_enable_x64 else jnp.int32)
    # noise_words: pre-sampled stand-in for torch.multinomial(noise_dist, size*N_SAMPLES)
    noise_words = jax.random.randint(k3, (BATCH * N_SAMPLES,), 0, N_VOCAB, dtype=jnp.int64 if jax.config.jax_enable_x64 else jnp.int32)
    # learned parameters, initialized uniform(-1, 1) as in the torch module
    in_embed_weight = jax.random.uniform(k4, (N_VOCAB, N_EMBED), dtype=jnp.float32, minval=-1.0, maxval=1.0)
    out_embed_weight = jax.random.uniform(k5, (N_VOCAB, N_EMBED), dtype=jnp.float32, minval=-1.0, maxval=1.0)
    return {
        "input_words": input_words,
        "output_words": output_words,
        "noise_words": noise_words,
        "in_embed_weight": in_embed_weight,
        "out_embed_weight": out_embed_weight,
    }

def reference(input_words, output_words, noise_words, in_embed_weight, out_embed_weight):
    # forward_input: in_embed(input_words)
    input_vectors = jnp.take(in_embed_weight, input_words, axis=0)
    # forward_output: out_embed(output_words)
    output_vectors = jnp.take(out_embed_weight, output_words, axis=0)
    # forward_noise: out_embed(noise_words).view(size, N_SAMPLES, n_embed)
    noise_vectors = jnp.take(out_embed_weight, noise_words, axis=0).reshape(BATCH, N_SAMPLES, N_EMBED)
    return (input_vectors, output_vectors, noise_vectors)

if __name__ == "__main__":
    import jax
    _d = setup_inputs()
    print(jax.jit(kernel)(*tuple(_d.values())))

</pallas_src>

<mosaic_0001>
#map = affine_map<(d0, d1) -> (0, 0)>
#map1 = affine_map<(d0, d1) -> (0, 0, 0)>
#map2 = affine_map<(d0, d1) -> (0)>
module attributes {stable_mosaic.version = 14 : i64} {
  func.func @_sc_gather(%arg0: i32, %arg1: i32, %arg2: memref<100000x128xf32, #tpu.memory_space<hbm>>, %arg3: memref<100000x128xf32, #tpu.memory_space<hbm>>, %arg4: memref<32x4x128xi32, #tpu.memory_space<hbm>>, %arg5: memref<32x4x128xi32, #tpu.memory_space<hbm>>, %arg6: memref<49152xi32, #tpu.memory_space<hbm>>, %arg7: memref<128x128x128xf32, #tpu.memory_space<hbm>>, %arg8: memref<128x128x128xf32, #tpu.memory_space<hbm>>, %arg9: memref<384x128x128xf32, #tpu.memory_space<hbm>>, %arg10: memref<4x128xi32, #tpu.memory_space<vmem>>, %arg11: memref<4x128xi32, #tpu.memory_space<vmem>>, %arg12: memref<1536xi32, #tpu.memory_space<vmem>>, %arg13: memref<1536xi32, #tpu.memory_space<vmem>>, %arg14: memref<4x128x128xf32, #tpu.memory_space<vmem>>, %arg15: memref<!tpu.dma_semaphore, #tpu.memory_space<semaphore_mem>>, %arg16: memref<!tpu.dma_semaphore, #tpu.memory_space<semaphore_mem>>, %arg17: memref<!tpu.dma_semaphore, #tpu.memory_space<semaphore_mem>>, %arg18: memref<!tpu.dma_semaphore, #tpu.memory_space<semaphore_mem>>, %arg19: memref<!tpu.dma_semaphore, #tpu.memory_space<semaphore_mem>>, %arg20: memref<!tpu.dma_semaphore, #tpu.memory_space<semaphore_mem>>, %arg21: memref<!tpu.dma_semaphore, #tpu.memory_space<semaphore_mem>>, %arg22: memref<!tpu.dma_semaphore, #tpu.memory_space<semaphore_mem>>) attributes {dimension_semantics = [#tpu.dimension_semantics<core_parallel>, #tpu.dimension_semantics<subcore_parallel>], iteration_bounds = array<i64: 2, 16>, scalar_prefetch = 0 : i64, scratch_operands = 13 : i64, tpu.core_type = #tpu.core_type<sc_vector_subcore>, window_params = [{transform_indices = #map}, {transform_indices = #map}, {transform_indices = #map1}, {transform_indices = #map1}, {transform_indices = #map2}, {transform_indices = #map1}, {transform_indices = #map1}, {transform_indices = #map1}]} {
    %mul3A = arith.constant 2 : i32
    %mul3A_0 = arith.muli %arg1, %mul3A : i32
    %add3A = arith.addi %mul3A_0, %arg0 : i32
    "tpu.region"() ({
      %run_scoped3A = tpu.sem_alloc : memref<!tpu.dma_semaphore, #tpu.memory_space<semaphore_mem>>
      %dma_start3A_1794 = arith.constant 0 : i32
      %dma_start3A_1795 = arith.constant 0 : i32
      %dma_start3A_1796 = tpu.memref_slice %arg4[%add3A, %dma_start3A_1794, %dma_start3A_1795] : memref<32x4x128xi32, #tpu.memory_space<hbm>> -> memref<1x4x128xi32, #tpu.memory_space<hbm>>
      %dma_start3A_1797 = tpu.memref_squeeze %dma_start3A_1796 : memref<1x4x128xi32, #tpu.memory_space<hbm>> -> memref<4x128xi32, #tpu.memory_space<hbm>>
      %dma_start3A_1798 = arith.constant 0 : i32
      %dma_start3A_1799 = arith.constant 0 : i32
      %dma_start3A_1800 = tpu.memref_slice %arg4[%add3A, %dma_start3A_1798, %dma_start3A_1799] : memref<32x4x128xi32, #tpu.memory_space<hbm>> -> memref<1x4x128xi32, #tpu.memory_space<hbm>>
      %dma_start3A_1801 = tpu.memref_squeeze %dma_start3A_1800 : memref<1x4x128xi32, #tpu.memory_space<hbm>> -> memref<4x128xi32, #tpu.memory_space<hbm>>
      tpu.enqueue_dma source(%dma_start3A_1801 : memref<4x128xi32, #tpu.memory_space<hbm>>) target(%arg10 : memref<4x128xi32, #tpu.memory_space<vmem>>) target_semaphore(%run_scoped3A : memref<!tpu.dma_semaphore, #tpu.memory_space<semaphore_mem>>)
      %dma_wait3A_1802 = arith.constant 0 : i32
      %dma_wait3A_1803 = arith.constant 0 : i32
      %dma_wait3A_1804 = tpu.memref_slice %arg4[%add3A, %dma_wait3A_1802, %dma_wait3A_1803] : memref<32x4x128xi32, #tpu.memory_space<hbm>> -> memref<1x4x128xi32, #tpu.memory_space<hbm>>
      %dma_wait3A_1805 = tpu.memref_squeeze %dma_wait3A_1804 : memref<1x4x128xi32, #tpu.memory_space<hbm>> -> memref<4x128xi32, #tpu.memory_space<hbm>>
      %dma_wait3A_1806 = arith.constant 0 : i32
      %dma_wait3A_1807 = arith.constant 0 : i32
      %dma_wait3A_1808 = tpu.memref_slice %arg4[%add3A, %dma_wait3A_1806, %dma_wait3A_1807] : memref<32x4x128xi32, #tpu.memory_space<hbm>> -> memref<1x4x128xi32, #tpu.memory_space<hbm>>
      %dma_wait3A_1809 = tpu.memref_squeeze %dma_wait3A_1808 : memref<1x4x128xi32, #tpu.memory_space<hbm>> -> memref<4x128xi32, #tpu.memory_space<hbm>>
      tpu.wait_dma2 semaphore(%run_scoped3A : memref<!tpu.dma_semaphore, #tpu.memory_space<semaphore_mem>>) src(%dma_wait3A_1809 : memref<4x128xi32, #tpu.memory_space<hbm>>) dst(%arg10 : memref<4x128xi32, #tpu.memory_space<vmem>>)
      tpu.yield
    }) : () -> ()
    %mul3A_1 = arith.constant 4 : i32
    %mul3A_2 = arith.muli %add3A, %mul3A_1 : i32
    %add3A_3 = arith.constant 0 : i32
    %add3A_4 = arith.addi %mul3A_2, %add3A_3 : i32
    %mul3A_5 = arith.constant 4 : i32
    %mul3A_6 = arith.muli %add3A, %mul3A_5 : i32
    %add3A_7 = arith.constant 1 : i32
    %add3A_8 = arith.addi %mul3A_6, %add3A_7 : i32
    %mul3A_9 = arith.constant 4 : i32
    %mul3A_10 = arith.muli %add3A, %mul3A_9 : i32
    %add3A_11 = arith.constant 2 : i32
    %add3A_12 = arith.addi %mul3A_10, %add3A_11 : i32
    %mul3A_13 = arith.constant 4 : i32
    %mul3A_14 = arith.muli %add3A, %mul3A_13 : i32
    %add3A_15 = arith.constant 3 : i32
    %add3A_16 = arith.addi %mul3A_14, %add3A_15 : i32
    %mul3A_17 = arith.constant 4 : i32
    %mul3A_18 = arith.muli %add3A, %mul3A_17 : i32
    %add3A_19 = arith.constant 0 : i32
    %add3A_20 = arith.addi %mul3A_18, %add3A_19 : i32
    %mul3A_21 = arith.constant 4 : i32
    %mul3A_22 = arith.muli %add3A, %mul3A_21 : i32
    %add3A_23 = arith.constant 1 : i32
    %add3A_24 = arith.addi %mul3A_22, %add3A_23 : i32
    %mul3A_25 = arith.constant 4 : i32
    %mul3A_26 = arith.muli %add3A, %mul3A_25 : i32
    %add3A_27 = arith.constant 2 : i32
    %add3A_28 = arith.addi %mul3A_26, %add3A_27 : i32
    %mul3A_29 = arith.constant 4 : i32
    %mul3A_30 = arith.muli %add3A, %mul3A_29 : i32
    %add3A_31 = arith.constant 3 : i32
    %add3A_32 = arith.addi %mul3A_30, %add3A_31 : i32
    %mul3A_33 = arith.constant 4 : i32
    %mul3A_34 = arith.muli %add3A, %mul3A_33 : i32
    %add3A_35 = arith.constant 0 : i32
    %add3A_36 = arith.addi %add3A_35, %mul3A_34 : i32
    %add3A_37 = arith.constant 0 : i32
    %add3A_38 = arith.addi %add3A_36, %add3A_37 : i32
    %mul3A_39 = arith.constant 4 : i32
    %mul3A_40 = arith.muli %add3A, %mul3A_39 : i32
    %add3A_41 = arith.constant 0 : i32
    %add3A_42 = arith.addi %add3A_41, %mul3A_40 : i32
    %add3A_43 = arith.constant 1 : i32
    %add3A_44 = arith.addi %add3A_42, %add3A_43 : i32
    %mul3A_45 = arith.constant 4 : i32
    %mul3A_46 = arith.muli %add3A, %mul3A_45 : i32
    %add3A_47 = arith.constant 0 : i32
    %add3A_48 = arith.addi %add3A_47, %mul3A_46 : i32
    %add3A_49 = arith.constant 2 : i32
    %add3A_50 = arith.addi %add3A_48, %add3A_49 : i32
    %mul3A_51 = arith.constant 4 : i32
    %mul3A_52 = arith.muli %add3A, %mul3A_51 : i32
    %add3A_53 = arith.constant 0 : i32
    %add3A_54 = arith.addi %add3A_53, %mul3A_52 : i32
    %add3A_55 = arith.constant 3 : i32
    %add3A_56 = arith.addi %add3A_54, %add3A_55 : i32
    %mul3A_57 = arith.constant 4 : i32
    %mul3A_58 = arith.muli %add3A, %mul3A_57 : i32
    %add3A_59 = arith.constant 128 : i32
    %add3A_60 = arith.addi %add3A_59, %mul3A_58 : i32
    %add3A_61 = arith.constant 0 : i32
    %add3A_62 = arith.addi %add3A_60, %add3A_61 : i32
    %mul3A_63 = arith.constant 4 : i32
    %mul3A_64 = arith.muli %add3A, %mul3A_63 : i32
    %add3A_65 = arith.constant 128 : i32
    %add3A_66 = arith.addi %add3A_65, %mul3A_64 : i32
    %add3A_67 = arith.constant 1 : i32
    %add3A_68 = arith.addi %add3A_66, %add3A_67 : i32
    %mul3A_69 = arith.constant 4 : i32
    %mul3A_70 = arith.muli %add3A, %mul3A_69 : i32
    %add3A_71 = arith.constant 128 : i32
    %add3A_72 = arith.addi %add3A_71, %mul3A_70 : i32
    %add3A_73 = arith.constant 2 : i32
    %add3A_74 = arith.addi %add3A_72, %add3A_73 : i32
    %mul3A_75 = arith.constant 4 : i32
    %mul3A_76 = arith.muli %add3A, %mul3A_75 : i32
    %add3A_77 = arith.constant 128 : i32
    %add3A_78 = arith.addi %add3A_77, %mul3A_76 : i32
    %add3A_79 = arith.constant 3 : i32
    %add3A_80 = arith.addi %add3A_78, %add3A_79 : i32
    %mul3A_81 = arith.constant 4 : i32
    %mul3A_82 = arith.muli %add3A, %mul3A_81 : i32
    %add3A_83 = arith.constant 256 : i32
    %add3A_84 = arith.addi %add3A_83, %mul3A_82 : i32
    %add3A_85 = arith.constant 0 : i32
    %add3A_86 = arith.addi %add3A_84, %add3A_85 : i32
    %mul3A_87 = arith.constant 4 : i32
    %mul3A_88 = arith.muli %add3A, %mul3A_87 : i32
    %add3A_89 = arith.constant 256 : i32
    %add3A_90 = arith.addi %add3A_89, %mul3A_88 : i32
    %add3A_91 = arith.constant 1 : i32
    %add3A_92 = arith.addi %add3A_90, %add3A_91 : i32
    %mul3A_93 = arith.constant 4 : i32
    %mul3A_94 = arith.muli %add3A, %mul3A_93 : i32
    %add3A_95 = arith.constant 256 : i32
    %add3A_96 = arith.addi %add3A_95, %mul3A_94 : i32
    %add3A_97 = arith.constant 2 : i32
    %add3A_98 = arith.addi %add3A_96, %add3A_97 : i32
    %mul3A_99 = arith.constant 4 : i32
    %mul3A_100 = arith.muli %add3A, %mul3A_99 : i32
    %add3A_101 = arith.constant 256 : i32
    %add3A_102 = arith.addi %add3A_101, %mul3A_100 : i32
    %add3A_103 = arith.constant 3 : i32
    %add3A_104 = arith.addi %add3A_102, %add3A_103 : i32
    %dma_start3A = arith.constant 0 : i32
    %dma_start3A_105 = arith.constant 0 : i32
    %dma_start3A_106 = arith.constant 0 : i32
    %dma_start3A_107 = arith.constant 0 : i32
    %dma_start3A_108 = tpu.memref_slice %arg14[%dma_start3A_105, %dma_start3A_106, %dma_start3A_107] : memref<4x128x128xf32, #tpu.memory_space<vmem>> -> memref<1x128x128xf32, #tpu.memory_space<vmem>>
    %dma_start3A_109 = tpu.memref_squeeze %dma_start3A_108 : memref<1x128x128xf32, #tpu.memory_space<vmem>> -> memref<128x128xf32, #tpu.memory_space<vmem>>
    %dma_start3A_110 = arith.constant 0 : i32
    %dma_start3A_111 = tpu.memref_slice %arg10[%dma_start3A, %dma_start3A_110] : memref<4x128xi32, #tpu.memory_space<vmem>> -> memref<1x128xi32, #tpu.memory_space<vmem>>
    %dma_start3A_112 = tpu.memref_squeeze %dma_start3A_111 : memref<1x128xi32, #tpu.memory_space<vmem>> -> memref<128xi32, #tpu.memory_space<vmem>>
    %dma_start3A_113 = arith.constant 0 : i32
    %dma_start3A_114 = arith.constant 0 : i32
    %dma_start3A_115 = tpu.memref_slice %arg2[%dma_start3A_113, %dma_start3A_114] : memref<100000x128xf32, #tpu.memory_space<hbm>> -> memref<100000x128xf32, #tpu.memory_space<hbm>>
    tpu.enqueue_indirect_dma source(%dma_start3A_115 : memref<100000x128xf32, #tpu.memory_space<hbm>>) target(%dma_start3A_109 : memref<128x128xf32, #tpu.memory_space<vmem>>) offsets(%dma_start3A_112 : memref<128xi32, #tpu.memory_space<vmem>>) semaphore(%arg15 : memref<!tpu.dma_semaphore, #tpu.memory_space<semaphore_mem>>)
    %dma_start3A_116 = arith.constant 1 : i32
    %dma_start3A_117 = arith.constant 1 : i32
    %dma_start3A_118 = arith.constant 0 : i32
    %dma_start3A_119 = arith.constant 0 : i32
    %dma_start3A_120 = tpu.memref_slice %arg14[%dma_start3A_117, %dma_start3A_118, %dma_start3A_119] : memref<4x128x128xf32, #tpu.memory_space<vmem>> -> memref<1x128x128xf32, #tpu.memory_space<vmem>>
    %dma_start3A_121 = tpu.memref_squeeze %dma_start3A_120 : memref<1x128x128xf32, #tpu.memory_space<vmem>> -> memref<128x128xf32, #tpu.memory_space<vmem>>
    %dma_start3A_122 = arith.constant 0 : i32
    %dma_start3A_123 = tpu.memref_slice %arg10[%dma_start3A_116, %dma_start3A_122] : memref<4x128xi32, #tpu.memory_space<vmem>> -> memref<1x128xi32, #tpu.memory_space<vmem>>
    %dma_start3A_124 = tpu.memref_squeeze %dma_start3A_123 : memref<1x128xi32, #tpu.memory_space<vmem>> -> memref<128xi32, #tpu.memory_space<vmem>>
    %dma_start3A_125 = arith.constant 0 : i32
    %dma_start3A_126 = arith.constant 0 : i32
    %dma_start3A_127 = tpu.memref_slice %arg2[%dma_start3A_125, %dma_start3A_126] : memref<100000x128xf32, #tpu.memory_space<hbm>> -> memref<100000x128xf32, #tpu.memory_space<hbm>>
    tpu.enqueue_indirect_dma source(%dma_start3A_127 : memref<100000x128xf32, #tpu.memory_space<hbm>>) target(%dma_start3A_121 : memref<128x128xf32, #tpu.memory_space<vmem>>) offsets(%dma_start3A_124 : memref<128xi32, #tpu.memory_space<vmem>>) semaphore(%arg16 : memref<!tpu.dma_semaphore, #tpu.memory_space<semaphore_mem>>)
    %dma_start3A_128 = arith.constant 2 : i32
    %dma_start3A_129 = arith.constant 2 : i32
    %dma_start3A_130 = arith.constant 0 : i32
    %dma_start3A_131 = arith.constant 0 : i32
    %dma_start3A_132 = tpu.memref_slice %arg14[%dma_start3A_129, %dma_start3A_130, %dma_start3A_131] : memref<4x128x128xf32, #tpu.memory_space<vmem>> -> memref<1x128x128xf32, #tpu.memory_space<vmem>>
    %dma_start3A_133 = tpu.memref_squeeze %dma_start3A_132 : memref<1x128x128xf32, #tpu.memory_space<vmem>> -> memref<128x128xf32, #tpu.memory_space<vmem>>
    %dma_start3A_134 = arith.constant 0 : i32
    %dma_start3A_135 = tpu.memref_slice %arg10[%dma_start3A_128, %dma_start3A_134] : memref<4x128xi32, #tpu.memory_space<vmem>> -> memref<1x128xi32, #tpu.memory_space<vmem>>
    %dma_start3A_136 = tpu.memref_squeeze %dma_start3A_135 : memref<1x128xi32, #tpu.memory_space<vmem>> -> memref<128xi32, #tpu.memory_space<vmem>>
    %dma_start3A_137 = arith.constant 0 : i32
    %dma_start3A_138 = arith.constant 0 : i32
    %dma_start3A_139 = tpu.memref_slice %arg2[%dma_start3A_137, %dma_start3A_138] : memref<100000x128xf32, #tpu.memory_space<hbm>> -> memref<100000x128xf32, #tpu.memory_space<hbm>>
    tpu.enqueue_indirect_dma source(%dma_start3A_139 : memref<100000x128xf32, #tpu.memory_space<hbm>>) target(%dma_start3A_133 : memref<128x128xf32, #tpu.memory_space<vmem>>) offsets(%dma_start3A_136 : memref<128xi32, #tpu.memory_space<vmem>>) semaphore(%arg17 : memref<!tpu.dma_semaphore, #tpu.memory_space<semaphore_mem>>)
    "tpu.region"() ({
      %run_scoped3A = tpu.sem_alloc : memref<!tpu.dma_semaphore, #tpu.memory_space<semaphore_mem>>
      %dma_start3A_1794 = arith.constant 0 : i32
      %dma_start3A_1795 = arith.constant 0 : i32
      %dma_start3A_1796 = tpu.memref_slice %arg5[%add3A, %dma_start3A_1794, %dma_start3A_1795] : memref<32x4x128xi32, #tpu.memory_space<hbm>> -> memref<1x4x128xi32, #tpu.memory_space<hbm>>
      %dma_start3A_1797 = tpu.memref_squeeze %dma_start3A_1796 : memref<1x4x128xi32, #tpu.memory_space<hbm>> -> memref<4x128xi32, #tpu.memory_space<hbm>>
      %dma_start3A_1798 = arith.constant 0 : i32
      %dma_start3A_1799 = arith.constant 0 : i32
      %dma_start3A_1800 = tpu.memref_slice %arg5[%add3A, %dma_start3A_1798, %dma_start3A_1799] : memref<32x4x128xi32, #tpu.memory_space<hbm>> -> memref<1x4x128xi32, #tpu.memory_space<hbm>>
      %dma_start3A_1801 = tpu.memref_squeeze %dma_start3A_1800 : memref<1x4x128xi32, #tpu.memory_space<hbm>> -> memref<4x128xi32, #tpu.memory_space<hbm>>
      tpu.enqueue_dma source(%dma_start3A_1801 : memref<4x128xi32, #tpu.memory_space<hbm>>) target(%arg11 : memref<4x128xi32, #tpu.memory_space<vmem>>) target_semaphore(%run_scoped3A : memref<!tpu.dma_semaphore, #tpu.memory_space<semaphore_mem>>)
      %dma_wait3A_1802 = arith.constant 0 : i32
      %dma_wait3A_1803 = arith.constant 0 : i32
      %dma_wait3A_1804 = tpu.memref_slice %arg5[%add3A, %dma_wait3A_1802, %dma_wait3A_1803] : memref<32x4x128xi32, #tpu.memory_space<hbm>> -> memref<1x4x128xi32, #tpu.memory_space<hbm>>
      %dma_wait3A_1805 = tpu.memref_squeeze %dma_wait3A_1804 : memref<1x4x128xi32, #tpu.memory_space<hbm>> -> memref<4x128xi32, #tpu.memory_space<hbm>>
      %dma_wait3A_1806 = arith.constant 0 : i32
      %dma_wait3A_1807 = arith.constant 0 : i32
      %dma_wait3A_1808 = tpu.memref_slice %arg5[%add3A, %dma_wait3A_1806, %dma_wait3A_1807] : memref<32x4x128xi32, #tpu.memory_space<hbm>> -> memref<1x4x128xi32, #tpu.memory_space<hbm>>
      %dma_wait3A_1809 = tpu.memref_squeeze %dma_wait3A_1808 : memref<1x4x128xi32, #tpu.memory_space<hbm>> -> memref<4x128xi32, #tpu.memory_space<hbm>>
      tpu.wait_dma2 semaphore(%run_scoped3A : memref<!tpu.dma_semaphore, #tpu.memory_space<semaphore_mem>>) src(%dma_wait3A_1809 : memref<4x128xi32, #tpu.memory_space<hbm>>) dst(%arg11 : memref<4x128xi32, #tpu.memory_space<vmem>>)
      tpu.yield
    }) : () -> ()
    %mul3A_140 = arith.constant 1536 : i32
    %mul3A_141 = arith.muli %add3A, %mul3A_140 : i32
    "tpu.region"() ({
      %run_scoped3A = tpu.sem_alloc : memref<!tpu.dma_semaphore, #tpu.memory_space<semaphore_mem>>
      %dma_start3A_1794 = tpu.memref_slice %arg6[%mul3A_141] : memref<49152xi32, #tpu.memory_space<hbm>> -> memref<1536xi32, #tpu.memory_space<hbm>>
      %dma_start3A_1795 = tpu.memref_slice %arg6[%mul3A_141] : memref<49152xi32, #tpu.memory_space<hbm>> -> memref<1536xi32, #tpu.memory_space<hbm>>
      tpu.enqueue_dma source(%dma_start3A_1795 : memref<1536xi32, #tpu.memory_space<hbm>>) target(%arg12 : memref<1536xi32, #tpu.memory_space<vmem>>) target_semaphore(%run_scoped3A : memref<!tpu.dma_semaphore, #tpu.memory_space<semaphore_mem>>)
      %dma_wait3A_1796 = tpu.memref_slice %arg6[%mul3A_141] : memref<49152xi32, #tpu.memory_space<hbm>> -> memref<1536xi32, #tpu.memory_space<hbm>>
      %dma_wait3A_1797 = tpu.memref_slice %arg6[%mul3A_141] : memref<49152xi32, #tpu.memory_space<hbm>> -> memref<1536xi32, #tpu.memory_space<hbm>>
      tpu.wait_dma2 semaphore(%run_scoped3A : memref<!tpu.dma_semaphore, #tpu.memory_space<semaphore_mem>>) src(%dma_wait3A_1797 : memref<1536xi32, #tpu.memory_space<hbm>>) dst(%arg12 : memref<1536xi32, #tpu.memory_space<vmem>>)
      tpu.yield
    }) : () -> ()
    %iota3A = tpu.iota {dimensions = array<i32: 0>} : vector<16xi32>
    %mul3A_142 = arith.constant 3 : i32
    %mul3A_143 = vector.broadcast %mul3A_142 : i32 to vector<16xi32>
    %mul3A_144 = arith.muli %iota3A, %mul3A_143 : vector<16xi32>
    %add3A_145 = arith.constant 0 : i32
    %add3A_146 = vector.broadcast %add3A_145 : i32 to vector<16xi32>
    %add3A_147 = arith.addi %mul3A_144, %add3A_146 : vector<16xi32>
    %gather3A = tpu.vector_load_idx %arg12[%add3A_147] : memref<1536xi32, #tpu.memory_space<vmem>>[vector<16xi32>], vector<16xi32>,
    %swap3A = arith.constant 0 : index
    %swap3A_148 = tpu.vector_load %arg13[%swap3A] {strides = array<i32>} : memref<1536xi32, #tpu.memory_space<vmem>>, vector<16xi32>,
    tpu.vector_store %arg13[%swap3A], %gather3A {strides = array<i32>} : memref<1536xi32, #tpu.memory_space<vmem>>, vector<16xi32>,
    %add3A_149 = arith.constant 48 : i32
    %add3A_150 = vector.broadcast %add3A_149 : i32 to vector<16xi32>
    %add3A_151 = arith.addi %mul3A_144, %add3A_150 : vector<16xi32>
    %gather3A_152 = tpu.vector_load_idx %arg12[%add3A_151] : memref<1536xi32, #tpu.memory_space<vmem>>[vector<16xi32>], vector<16xi32>,
    %swap3A_153 = arith.constant 16 : index
    %swap3A_154 = tpu.vector_load %arg13[%swap3A_153] {strides = array<i32>} : memref<1536xi32, #tpu.memory_space<vmem>>, vector<16xi32>,
    tpu.vector_store %arg13[%swap3A_153], %gather3A_152 {strides = array<i32>} : memref<1536xi32, #tpu.memory_space<vmem>>, vector<16xi32>,
    %add3A_155 = arith.constant 96 : i32
    %add3A_156 = vector.broadcast %add3A_155 : i32 to vector<16xi32>
    %add3A_157 = arith.addi %mul3A_144, %add3A_156 : vector<16xi32>
    %gather3A_158 = tpu.vector_load_idx %arg12[%add3A_157] : memref<1536xi32, #tpu.memory_space<vmem>>[vector<16xi32>], vector<16xi32>,
    %swap3A_159 = arith.constant 32 : index
    %swap3A_160 = tpu.vector_load %arg13[%swap3A_159] {strides = array<i32>} : memref<1536xi32, #tpu.memory_space<vmem>>, vector<16xi32>,
    tpu.vector_store %arg13[%swap3A_159], %gather3A_158 {strides = array<i32>} : memref<1536xi32, #tpu.memory_space<vmem>>, vector<16xi32>,
    %add3A_161 = arith.constant 144 : i32
    %add3A_162 = vector.broadcast %add3A_161 : i32 to vector<16xi32>
    %add3A_163 = arith.addi %mul3A_144, %add3A_162 : vector<16xi32>
    %gather3A_164 = tpu.vector_load_idx %arg12[%add3A_163] : memref<1536xi32, #tpu.memory_space<vmem>>[vector<16xi32>], vector<16xi32>,
    %swap3A_165 = arith.constant 48 : index
    %swap3A_166 = tpu.vector_load %arg13[%swap3A_165] {strides = array<i32>} : memref<1536xi32, #tpu.memory_space<vmem>>, vector<16xi32>,
    tpu.vector_store %arg13[%swap3A_165], %gather3A_164 {strides = array<i32>} : memref<1536xi32, #tpu.memory_space<vmem>>, vector<16xi32>,
    %add3A_167 = arith.constant 192 : i32
    %add3A_168 = vector.broadcast %add3A_167 : i32 to vector<16xi32>
    %add3A_169 = arith.addi %mul3A_144, %add3A_168 : vector<16xi32>
    %gather3A_170 = tpu.vector_load_idx %arg12[%add3A_169] : memref<1536xi32, #tpu.memory_space<vmem>>[vector<16xi32>], vector<16xi32>,
    %swap3A_171 = arith.constant 64 : index
    %swap3A_172 = tpu.vector_load %arg13[%swap3A_171] {strides = array<i32>} : memref<1536xi32, #tpu.memory_space<vmem>>, vector<16xi32>,
    tpu.vector_store %arg13[%swap3A_171], %gather3A_170 {strides = array<i32>} : memref<1536xi32, #tpu.memory_space<vmem>>, vector<16xi32>,
    %add3A_173 = arith.constant 240 : i32
    %add3A_174 = vector.broadcast %add3A_173 : i32 to vector<16xi32>
    %add3A_175 = arith.addi %mul3A_144, %add3A_174 : vector<16xi32>
    %gather3A_176 = tpu.vector_load_idx %arg12[%add3A_175] : memref<1536xi32, #tpu.memory_space<vmem>>[vector<16xi32>], vector<16xi32>,
    %swap3A_177 = arith.constant 80 : index
    %swap3A_178 = tpu.vector_load %arg13[%swap3A_177] {strides = array<i32>} : memref<1536xi32, #tpu.memory_space<vmem>>, vector<16xi32>,
    tpu.vector_store %arg13[%swap3A_177], %gather3A_176 {strides = array<i32>} : memref<1536xi32, #tpu.memory_space<vmem>>, vector<16xi32>,
    %add3A_179 = arith.constant 288 : i32
    %add3A_180 = vector.broadcast %add3A_179 : i32 to vector<16xi32>
    %add3A_181 = arith.addi %mul3A_144, %add3A_180 : vector<16xi32>
    %gather3A_182 = tpu.vector_load_idx %arg12[%add3A_181] : memref<1536xi32, #tpu.memory_space<vmem>>[vector<16xi32>], vector<16xi32>,
    %swap3A_183 = arith.constant 96 : index
    %swap3A_184 = tpu.vector_load %arg13[%swap3A_183] {strides = array<i32>} : memref<1536xi32, #tpu.memory_space<vmem>>, vector<16xi32>,
    tpu.vector_store %arg13[%swap3A_183], %gather3A_182 {strides = array<i32>} : memref<1536xi32, #tpu.memory_space<vmem>>, vector<16xi32>,
    %add3A_185 = arith.constant 336 : i32
    %add3A_186 = vector.broadcast %add3A_185 : i32 to vector<16xi32>
    %add3A_187 = arith.addi %mul3A_144, %add3A_186 : vector<16xi32>
    %gather3A_188 = tpu.vector_load_idx %arg12[%add3A_187] : memref<1536xi32, #tpu.memory_space<vmem>>[vector<16xi32>], vector<16xi32>,
    %swap3A_189 = arith.constant 112 : index
    %swap3A_190 = tpu.vector_load %arg13[%swap3A_189] {strides = array<i32>} : memref<1536xi32, #tpu.memory_space<vmem>>, vector<16xi32>,
    tpu.vector_store %arg13[%swap3A_189], %gather3A_188 {strides = array<i32>} : memref<1536xi32, #tpu.memory_space<vmem>>, vector<16xi32>,
    %add3A_191 = arith.constant 384 : i32
    %add3A_192 = vector.broadcast %add3A_191 : i32 to vector<16xi32>
    %add3A_193 = arith.addi %mul3A_144, %add3A_192 : vector<16xi32>
    %gather3A_194 = tpu.vector_load_idx %arg12[%add3A_193] : memref<1536xi32, #tpu.memory_space<vmem>>[vector<16xi32>], vector<16xi32>,
    %swap3A_195 = arith.constant 128 : index
    %swap3A_196 = tpu.vector_load %arg13[%swap3A_195] {strides = array<i32>} : memref<1536xi32, #tpu.memory_space<vmem>>, vector<16xi32>,
    tpu.vector_store %arg13[%swap3A_195], %gather3A_194 {strides = array<i32>} : memref<1536xi32, #tpu.memory_space<vmem>>, vector<16xi32>,
    %add3A_197 = arith.constant 432 : i32
    %add3A_198 = vector.broadcast %add3A_197 : i32 to vector<16xi32>
    %add3A_199 = arith.addi %mul3A_144, %add3A_198 : vector<16xi32>
    %gather3A_200 = tpu.vector_load_idx %arg12[%add3A_199] : memref<1536xi32, #tpu.memory_space<vmem>>[vector<16xi32>], vector<16xi32>,
    %swap3A_201 = arith.constant 144 : index
    %swap3A_202 = tpu.vector_load %arg13[%swap3A_201] {strides = array<i32>} : memref<1536xi32, #tpu.memory_space<vmem>>, vector<16xi32>,
    tpu.vector_store %arg13[%swap3A_201], %gather3A_200 {strides = array<i32>} : memref<1536xi32, #tpu.memory_space<vmem>>, vector<16xi32>,
    %add3A_203 = arith.constant 480 : i32
    %add3A_204 = vector.broadcast %add3A_203 : i32 to vector<16xi32>
    %add3A_205 = arith.addi %mul3A_144, %add3A_204 : vector<16xi32>
    %gather3A_206 = tpu.vector_load_idx %arg12[%add3A_205] : memref<1536xi32, #tpu.memory_space<vmem>>[vector<16xi32>], vector<16xi32>,
    %swap3A_207 = arith.constant 160 : index
    %swap3A_208 = tpu.vector_load %arg13[%swap3A_207] {strides = array<i32>} : memref<1536xi32, #tpu.memory_space<vmem>>, vector<16xi32>,
    tpu.vector_store %arg13[%swap3A_207], %gather3A_206 {strides = array<i32>} : memref<1536xi32, #tpu.memory_space<vmem>>, vector<16xi32>,
    %add3A_209 = arith.constant 528 : i32
    %add3A_210 = vector.broadcast %add3A_209 : i32 to vector<16xi32>
    %add3A_211 = arith.addi %mul3A_144, %add3A_210 : vector<16xi32>
    %gather3A_212 = tpu.vector_load_idx %arg12[%add3A_211] : memref<1536xi32, #tpu.memory_space<vmem>>[vector<16xi32>], vector<16xi32>,
    %swap3A_213 = arith.constant 176 : index
    %swap3A_214 = tpu.vector_load %arg13[%swap3A_213] {strides = array<i32>} : memref<1536xi32, #tpu.memory_space<vmem>>, vector<16xi32>,
    tpu.vector_store %arg13[%swap3A_213], %gather3A_212 {strides = array<i32>} : memref<1536xi32, #tpu.memory_space<vmem>>, vector<16xi32>,
    %add3A_215 = arith.constant 576 : i32
    %add3A_216 = vector.broadcast %add3A_215 : i32 to vector<16xi32>
    %add3A_217 = arith.addi %mul3A_144, %add3A_216 : vector<16xi32>
    %gather3A_218 = tpu.vector_load_idx %arg12[%add3A_217] : memref<1536xi32, #tpu.memory_space<vmem>>[vector<16xi32>], vector<16xi32>,
    %swap3A_219 = arith.constant 192 : index
    %swap3A_220 = tpu.vector_load %arg13[%swap3A_219] {strides = array<i32>} : memref<1536xi32, #tpu.memory_space<vmem>>, vector<16xi32>,
    tpu.vector_store %arg13[%swap3A_219], %gather3A_218 {strides = array<i32>} : memref<1536xi32, #tpu.memory_space<vmem>>, vector<16xi32>,
    %add3A_221 = arith.constant 624 : i32
    %add3A_222 = vector.broadcast %add3A_221 : i32 to vector<16xi32>
    %add3A_223 = arith.addi %mul3A_144, %add3A_222 : vector<16xi32>
    %gather3A_224 = tpu.vector_load_idx %arg12[%add3A_223] : memref<1536xi32, #tpu.memory_space<vmem>>[vector<16xi32>], vector<16xi32>,
    %swap3A_225 = arith.constant 208 : index
    %swap3A_226 = tpu.vector_load %arg13[%swap3A_225] {strides = array<i32>} : memref<1536xi32, #tpu.memory_space<vmem>>, vector<16xi32>,
    tpu.vector_store %arg13[%swap3A_225], %gather3A_224 {strides = array<i32>} : memref<1536xi32, #tpu.memory_space<vmem>>, vector<16xi32>,
    %add3A_227 = arith.constant 672 : i32
    %add3A_228 = vector.broadcast %add3A_227 : i32 to vector<16xi32>
    %add3A_229 = arith.addi %mul3A_144, %add3A_228 : vector<16xi32>
    %gather3A_230 = tpu.vector_load_idx %arg12[%add3A_229] : memref<1536xi32, #tpu.memory_space<vmem>>[vector<16xi32>], vector<16xi32>,
    %swap3A_231 = arith.constant 224 : index
    %swap3A_232 = tpu.vector_load %arg13[%swap3A_231] {strides = array<i32>} : memref<1536xi32, #tpu.memory_space<vmem>>, vector<16xi32>,
    tpu.vector_store %arg13[%swap3A_231], %gather3A_230 {strides = array<i32>} : memref<1536xi32, #tpu.memory_space<vmem>>, vector<16xi32>,
    %add3A_233 = arith.constant 720 : i32
    %add3A_234 = vector.broadcast %add3A_233 : i32 to vector<16xi32>
    %add3A_235 = arith.addi %mul3A_144, %add3A_234 : vector<16xi32>
    %gather3A_236 = tpu.vector_load_idx %arg12[%add3A_235] : memref<1536xi32, #tpu.memory_space<vmem>>[vector<16xi32>], vector<16xi32>,
    %swap3A_237 = arith.constant 240 : index
    %swap3A_238 = tpu.vector_load %arg13[%swap3A_237] {strides = array<i32>} : memref<1536xi32, #tpu.memory_space<vmem>>, vector<16xi32>,
    tpu.vector_store %arg13[%swap3A_237], %gather3A_236 {strides = array<i32>} : memref<1536xi32, #tpu.memory_space<vmem>>, vector<16xi32>,
    %add3A_239 = arith.constant 768 : i32
    %add3A_240 = vector.broadcast %add3A_239 : i32 to vector<16xi32>
    %add3A_241 = arith.addi %mul3A_144, %add3A_240 : vector<16xi32>
    %gather3A_242 = tpu.vector_load_idx %arg12[%add3A_241] : memref<1536xi32, #tpu.memory_space<vmem>>[vector<16xi32>], vector<16xi32>,
    %swap3A_243 = arith.constant 256 : index
    %swap3A_244 = tpu.vector_load %arg13[%swap3A_243] {strides = array<i32>} : memref<1536xi32, #tpu.memory_space<vmem>>, vector<16xi32>,
    tpu.vector_store %arg13[%swap3A_243], %gather3A_242 {strides = array<i32>} : memref<1536xi32, #tpu.memory_space<vmem>>, vector<16xi32>,
    %add3A_245 = arith.constant 816 : i32
    %add3A_246 = vector.broadcast %add3A_245 : i32 to vector<16xi32>
    %add3A_247 = arith.addi %mul3A_144, %add3A_246 : vector<16xi32>
    %gather3A_248 = tpu.vector_load_idx %arg12[%add3A_247] : memref<1536xi32, #tpu.memory_space<vmem>>[vector<16xi32>], vector<16xi32>,
    %swap3A_249 = arith.constant 272 : index
    %swap3A_250 = tpu.vector_load %arg13[%swap3A_249] {strides = array<i32>} : memref<1536xi32, #tpu.memory_space<vmem>>, vector<16xi32>,
    tpu.vector_store %arg13[%swap3A_249], %gather3A_248 {strides = array<i32>} : memref<1536xi32, #tpu.memory_space<vmem>>, vector<16xi32>,
    %add3A_251 = arith.constant 864 : i32
    %add3A_252 = vector.broadcast %add3A_251 : i32 to vector<16xi32>
    %add3A_253 = arith.addi %mul3A_144, %add3A_252 : vector<16xi32>
    %gather3A_254 = tpu.vector_load_idx %arg12[%add3A_253] : memref<1536xi32, #tpu.memory_space<vmem>>[vector<16xi32>], vector<16xi32>,
    %swap3A_255 = arith.constant 288 : index
    %swap3A_256 = tpu.vector_load %arg13[%swap3A_255] {strides = array<i32>} : memref<1536xi32, #tpu.memory_space<vmem>>, vector<16xi32>,
    tpu.vector_store %arg13[%swap3A_255], %gather3A_254 {strides = array<i32>} : memref<1536xi32, #tpu.memory_space<vmem>>, vector<16xi32>,
    %add3A_257 = arith.constant 912 : i32
    %add3A_258 = vector.broadcast %add3A_257 : i32 to vector<16xi32>
    %add3A_259 = arith.addi %mul3A_144, %add3A_258 : vector<16xi32>
    %gather3A_260 = tpu.vector_load_idx %arg12[%add3A_259] : memref<1536xi32, #tpu.memory_space<vmem>>[vector<16xi32>], vector<16xi32>,
    %swap3A_261 = arith.constant 304 : index
    %swap3A_262 = tpu.vector_load %arg13[%swap3A_261] {strides = array<i32>} : memref<1536xi32, #tpu.memory_space<vmem>>, vector<16xi32>,
    tpu.vector_store %arg13[%swap3A_261], %gather3A_260 {strides = array<i32>} : memref<1536xi32, #tpu.memory_space<vmem>>, vector<16xi32>,
    %add3A_263 = arith.constant 960 : i32
    %add3A_264 = vector.broadcast %add3A_263 : i32 to vector<16xi32>
    %add3A_265 = arith.addi %mul3A_144, %add3A_264 : vector<16xi32>
    %gather3A_266 = tpu.vector_load_idx %arg12[%add3A_265] : memref<1536xi32, #tpu.memory_space<vmem>>[vector<16xi32>], vector<16xi32>,
    %swap3A_267 = arith.constant 320 : index
    %swap3A_268 = tpu.vector_load %arg13[%swap3A_267] {strides = array<i32>} : memref<1536xi32, #tpu.memory_space<vmem>>, vector<16xi32>,
    tpu.vector_store %arg13[%swap3A_267], %gather3A_266 {strides = array<i32>} : memref<1536xi32, #tpu.memory_space<vmem>>, vector<16xi32>,
    %add3A_269 = arith.constant 1008 : i32
    %add3A_270 = vector.broadcast %add3A_269 : i32 to vector<16xi32>
    %add3A_271 = arith.addi %mul3A_144, %add3A_270 : vector<16xi32>
    %gather3A_272 = tpu.vector_load_idx %arg12[%add3A_271] : memref<1536xi32, #tpu.memory_space<vmem>>[vector<16xi32>], vector<16xi32>,
    %swap3A_273 = arith.constant 336 : index
    %swap3A_274 = tpu.vector_load %arg13[%swap3A_273] {strides = array<i32>} : memref<1536xi32, #tpu.memory_space<vmem>>, vector<16xi32>,
    tpu.vector_store %arg13[%swap3A_273], %gather3A_272 {strides = array<i32>} : memref<1536xi32, #tpu.memory_space<vmem>>, vector<16xi32>,
    %add3A_275 = arith.constant 1056 : i32
    %add3A_276 = vector.broadcast %add3A_275 : i32 to vector<16xi32>
    %add3A_277 = arith.addi %mul3A_144, %add3A_276 : vector<16xi32>
    %gather3A_278 = tpu.vector_load_idx %arg12[%add3A_277] : memref<1536xi32, #tpu.memory_space<vmem>>[vector<16xi32>], vector<16xi32>,
    %swap3A_279 = arith.constant 352 : index
    %swap3A_280 = tpu.vector_load %arg13[%swap3A_279] {strides = array<i32>} : memref<1536xi32, #tpu.memory_space<vmem>>, vector<16xi32>,
    tpu.vector_store %arg13[%swap3A_279], %gather3A_278 {strides = array<i32>} : memref<1536xi32, #tpu.memory_space<vmem>>, vector<16xi32>,
    %add3A_281 = arith.constant 1104 : i32
    %add3A_282 = vector.broadcast %add3A_281 : i32 to vector<16xi32>
    %add3A_283 = arith.addi %mul3A_144, %add3A_282 : vector<16xi32>
    %gather3A_284 = tpu.vector_load_idx %arg12[%add3A_283] : memref<1536xi32, #tpu.memory_space<vmem>>[vector<16xi32>], vector<16xi32>,
    %swap3A_285 = arith.constant 368 : index
    %swap3A_286 = tpu.vector_load %arg13[%swap3A_285] {strides = array<i32>} : memref<1536xi32, #tpu.memory_space<vmem>>, vector<16xi32>,
    tpu.vector_store %arg13[%swap3A_285], %gather3A_284 {strides = array<i32>} : memref<1536xi32, #tpu.memory_space<vmem>>, vector<16xi32>,
    %add3A_287 = arith.constant 1152 : i32
    %add3A_288 = vector.broadcast %add3A_287 : i32 to vector<16xi32>
    %add3A_289 = arith.addi %mul3A_144, %add3A_288 : vector<16xi32>
    %gather3A_290 = tpu.vector_load_idx %arg12[%add3A_289] : memref<1536xi32, #tpu.memory_space<vmem>>[vector<16xi32>], vector<16xi32>,
    %swap3A_291 = arith.constant 384 : index
    %swap3A_292 = tpu.vector_load %arg13[%swap3A_291] {strides = array<i32>} : memref<1536xi32, #tpu.memory_space<vmem>>, vector<16xi32>,
    tpu.vector_store %arg13[%swap3A_291], %gather3A_290 {strides = array<i32>} : memref<1536xi32, #tpu.memory_space<vmem>>, vector<16xi32>,
    %add3A_293 = arith.constant 1200 : i32
    %add3A_294 = vector.broadcast %add3A_293 : i32 to vector<16xi32>
    %add3A_295 = arith.addi %mul3A_144, %add3A_294 : vector<16xi32>
    %gather3A_296 = tpu.vector_load_idx %arg12[%add3A_295] : memref<1536xi32, #tpu.memory_space<vmem>>[vector<16xi32>], vector<16xi32>,
    %swap3A_297 = arith.constant 400 : index
    %swap3A_298 = tpu.vector_load %arg13[%swap3A_297] {strides = array<i32>} : memref<1536xi32, #tpu.memory_space<vmem>>, vector<16xi32>,
    tpu.vector_store %arg13[%swap3A_297], %gather3A_296 {strides = array<i32>} : memref<1536xi32, #tpu.memory_space<vmem>>, vector<16xi32>,
    %add3A_299 = arith.constant 1248 : i32
    %add3A_300 = vector.broadcast %add3A_299 : i32 to vector<16xi32>
    %add3A_301 = arith.addi %mul3A_144, %add3A_300 : vector<16xi32>
    %gather3A_302 = tpu.vector_load_idx %arg12[%add3A_301] : memref<1536xi32, #tpu.memory_space<vmem>>[vector<16xi32>], vector<16xi32>,
    %swap3A_303 = arith.constant 416 : index
    %swap3A_304 = tpu.vector_load %arg13[%swap3A_303] {strides = array<i32>} : memref<1536xi32, #tpu.memory_space<vmem>>, vector<16xi32>,
    tpu.vector_store %arg13[%swap3A_303], %gather3A_302 {strides = array<i32>} : memref<1536xi32, #tpu.memory_space<vmem>>, vector<16xi32>,
    %add3A_305 = arith.constant 1296 : i32
    %add3A_306 = vector.broadcast %add3A_305 : i32 to vector<16xi32>
    %add3A_307 = arith.addi %mul3A_144, %add3A_306 : vector<16xi32>
    %gather3A_308 = tpu.vector_load_idx %arg12[%add3A_307] : memref<1536xi32, #tpu.memory_space<vmem>>[vector<16xi32>], vector<16xi32>,
    %swap3A_309 = arith.constant 432 : index
    %swap3A_310 = tpu.vector_load %arg13[%swap3A_309] {strides = array<i32>} : memref<1536xi32, #tpu.memory_space<vmem>>, vector<16xi32>,
    tpu.vector_store %arg13[%swap3A_309], %gather3A_308 {strides = array<i32>} : memref<1536xi32, #tpu.memory_space<vmem>>, vector<16xi32>,
    %add3A_311 = arith.constant 1344 : i32
    %add3A_312 = vector.broadcast %add3A_311 : i32 to vector<16xi32>
    %add3A_313 = arith.addi %mul3A_144, %add3A_312 : vector<16xi32>
    %gather3A_314 = tpu.vector_load_idx %arg12[%add3A_313] : memref<1536xi32, #tpu.memory_space<vmem>>[vector<16xi32>], vector<16xi32>,
    %swap3A_315 = arith.constant 448 : index
    %swap3A_316 = tpu.vector_load %arg13[%swap3A_315] {strides = array<i32>} : memref<1536xi32, #tpu.memory_space<vmem>>, vector<16xi32>,
    tpu.vector_store %arg13[%swap3A_315], %gather3A_314 {strides = array<i32>} : memref<1536xi32, #tpu.memory_space<vmem>>, vector<16xi32>,
    %add3A_317 = arith.constant 1392 : i32
    %add3A_318 = vector.broadcast %add3A_317 : i32 to vector<16xi32>
    %add3A_319 = arith.addi %mul3A_144, %add3A_318 : vector<16xi32>
    %gather3A_320 = tpu.vector_load_idx %arg12[%add3A_319] : memref<1536xi32, #tpu.memory_space<vmem>>[vector<16xi32>], vector<16xi32>,
    %swap3A_321 = arith.constant 464 : index
    %swap3A_322 = tpu.vector_load %arg13[%swap3A_321] {strides = array<i32>} : memref<1536xi32, #tpu.memory_space<vmem>>, vector<16xi32>,
    tpu.vector_store %arg13[%swap3A_321], %gather3A_320 {strides = array<i32>} : memref<1536xi32, #tpu.memory_space<vmem>>, vector<16xi32>,
    %add3A_323 = arith.constant 1440 : i32
    %add3A_324 = vector.broadcast %add3A_323 : i32 to vector<16xi32>
    %add3A_325 = arith.addi %mul3A_144, %add3A_324 : vector<16xi32>
    %gather3A_326 = tpu.vector_load_idx %arg12[%add3A_325] : memref<1536xi32, #tpu.memory_space<vmem>>[vector<16xi32>], vector<16xi32>,
    %swap3A_327 = arith.constant 480 : index
    %swap3A_328 = tpu.vector_load %arg13[%swap3A_327] {strides = array<i32>} : memref<1536xi32, #tpu.memory_space<vmem>>, vector<16xi32>,
    tpu.vector_store %arg13[%swap3A_327], %gather3A_326 {strides = array<i32>} : memref<1536xi32, #tpu.memory_space<vmem>>, vector<16xi32>,
    %add3A_329 = arith.constant 1488 : i32
    %add3A_330 = vector.broadcast %add3A_329 : i32 to vector<16xi32>
    %add3A_331 = arith.addi %mul3A_144, %add3A_330 : vector<16xi32>
    %gather3A_332 = tpu.vector_load_idx %arg12[%add3A_331] : memref<1536xi32, #tpu.memory_space<vmem>>[vector<16xi32>], vector<16xi32>,
    %swap3A_333 = arith.constant 496 : index
    %swap3A_334 = tpu.vector_load %arg13[%swap3A_333] {strides = array<i32>} : memref<1536xi32, #tpu.memory_space<vmem>>, vector<16xi32>,
    tpu.vector_store %arg13[%swap3A_333], %gather3A_332 {strides = array<i32>} : memref<1536xi32, #tpu.memory_space<vmem>>, vector<16xi32>,
    %add3A_335 = arith.constant 1 : i32
    %add3A_336 = vector.broadcast %add3A_335 : i32 to vector<16xi32>
    %add3A_337 = arith.addi %mul3A_144, %add3A_336 : vector<16xi32>
    %gather3A_338 = tpu.vector_load_idx %arg12[%add3A_337] : memref<1536xi32, #tpu.memory_space<vmem>>[vector<16xi32>], vector<16xi32>,
    %swap3A_339 = arith.constant 512 : index
    %swap3A_340 = tpu.vector_load %arg13[%swap3A_339] {strides = array<i32>} : memref<1536xi32, #tpu.memory_space<vmem>>, vector<16xi32>,
    tpu.vector_store %arg13[%swap3A_339], %gather3A_338 {strides = array<i32>} : memref<1536xi32, #tpu.memory_space<vmem>>, vector<16xi32>,
    %add3A_341 = arith.constant 49 : i32
    %add3A_342 = vector.broadcast %add3A_341 : i32 to vector<16xi32>
    %add3A_343 = arith.addi %mul3A_144, %add3A_342 : vector<16xi32>
    %gather3A_344 = tpu.vector_load_idx %arg12[%add3A_343] : memref<1536xi32, #tpu.memory_space<vmem>>[vector<16xi32>], vector<16xi32>,
    %swap3A_345 = arith.constant 528 : index
    %swap3A_346 = tpu.vector_load %arg13[%swap3A_345] {strides = array<i32>} : memref<1536xi32, #tpu.memory_space<vmem>>, vector<16xi32>,
    tpu.vector_store %arg13[%swap3A_345], %gather3A_344 {strides = array<i32>} : memref<1536xi32, #tpu.memory_space<vmem>>, vector<16xi32>,
    %add3A_347 = arith.constant 97 : i32
    %add3A_348 = vector.broadcast %add3A_347 : i32 to vector<16xi32>
    %add3A_349 = arith.addi %mul3A_144, %add3A_348 : vector<16xi32>
    %gather3A_350 = tpu.vector_load_idx %arg12[%add3A_349] : memref<1536xi32, #tpu.memory_space<vmem>>[vector<16xi32>], vector<16xi32>,
    %swap3A_351 = arith.constant 544 : index
    %swap3A_352 = tpu.vector_load %arg13[%swap3A_351] {strides = array<i32>} : memref<1536xi32, #tpu.memory_space<vmem>>, vector<16xi32>,
    tpu.vector_store %arg13[%swap3A_351], %gather3A_350 {strides = array<i32>} : memref<1536xi32, #tpu.memory_space<vmem>>, vector<16xi32>,
    %add3A_353 = arith.constant 145 : i32
    %add3A_354 = vector.broadcast %add3A_353 : i32 to vector<16xi32>
    %add3A_355 = arith.addi %mul3A_144, %add3A_354 : vector<16xi32>
    %gather3A_356 = tpu.vector_load_idx %arg12[%add3A_355] : memref<1536xi32, #tpu.memory_space<vmem>>[vector<16xi32>], vector<16xi32>,
    %swap3A_357 = arith.constant 560 : index
    %swap3A_358 = tpu.vector_load %arg13[%swap3A_357] {strides = array<i32>} : memref<1536xi32, #tpu.memory_space<vmem>>, vector<16xi32>,
    tpu.vector_store %arg13[%swap3A_357], %gather3A_356 {strides = array<i32>} : memref<1536xi32, #tpu.memory_space<vmem>>, vector<16xi32>,
    %add3A_359 = arith.constant 193 : i32
    %add3A_360 = vector.broadcast %add3A_359 : i32 to vector<16xi32>
    %add3A_361 = arith.addi %mul3A_144, %add3A_360 : vector<16xi32>
    %gather3A_362 = tpu.vector_load_idx %arg12[%add3A_361] : memref<1536xi32, #tpu.memory_space<vmem>>[vector<16xi32>], vector<16xi32>,
    %swap3A_363 = arith.constant 576 : index
    %swap3A_364 = tpu.vector_load %arg13[%swap3A_363] {strides = array<i32>} : memref<1536xi32, #tpu.memory_space<vmem>>, vector<16xi32>,
    tpu.vector_store %arg13[%swap3A_363], %gather3A_362 {strides = array<i32>} : memref<1536xi32, #tpu.memory_space<vmem>>, vector<16xi32>,
    %add3A_365 = arith.constant 241 : i32
    %add3A_366 = vector.broadcast %add3A_365 : i32 to vector<16xi32>
    %add3A_367 = arith.addi %mul3A_144, %add3A_366 : vector<16xi32>
    %gather3A_368 = tpu.vector_load_idx %arg12[%add3A_367] : memref<1536xi32, #tpu.memory_space<vmem>>[vector<16xi32>], vector<16xi32>,
    %swap3A_369 = arith.constant 592 : index
    %swap3A_370 = tpu.vector_load %arg13[%swap3A_369] {strides = array<i32>} : memref<1536xi32, #tpu.memory_space<vmem>>, vector<16xi32>,
    tpu.vector_store %arg13[%swap3A_369], %gather3A_368 {strides = array<i32>} : memref<1536xi32, #tpu.memory_space<vmem>>, vector<16xi32>,
    %add3A_371 = arith.constant 289 : i32
    %add3A_372 = vector.broadcast %add3A_371 : i32 to vector<16xi32>
    %add3A_373 = arith.addi %mul3A_144, %add3A_372 : vector<16xi32>
    %gather3A_374 = tpu.vector_load_idx %arg12[%add3A_373] : memref<1536xi32, #tpu.memory_space<vmem>>[vector<16xi32>], vector<16xi32>,
    %swap3A_375 = arith.constant 608 : index
    %swap3A_376 = tpu.vector_load %arg13[%swap3A_375] {strides = array<i32>} : memref<1536xi32, #tpu.memory_space<vmem>>, vector<16xi32>,
    tpu.vector_store %arg13[%swap3A_375], %gather3A_374 {strides = array<i32>} : memref<1536xi32, #tpu.memory_space<vmem>>, vector<16xi32>,
    %add3A_377 = arith.constant 337 : i32
    %add3A_378 = vector.broadcast %add3A_377 : i32 to vector<16xi32>
    %add3A_379 = arith.addi %mul3A_144, %add3A_378 : vector<16xi32>
    %gather3A_380 = tpu.vector_load_idx %arg12[%add3A_379] : memref<1536xi32, #tpu.memory_space<vmem>>[vector<16xi32>], vector<16xi32>,
    %swap3A_381 = arith.constant 624 : index
    %swap3A_382 = tpu.vector_load %arg13[%swap3A_381] {strides = array<i32>} : memref<1536xi32, #tpu.memory_space<vmem>>, vector<16xi32>,
    tpu.vector_store %arg13[%swap3A_381], %gather3A_380 {strides = array<i32>} : memref<1536xi32, #tpu.memory_space<vmem>>, vector<16xi32>,
    %add3A_383 = arith.constant 385 : i32
    %add3A_384 = vector.broadcast %add3A_383 : i32 to vector<16xi32>
    %add3A_385 = arith.addi %mul3A_144, %add3A_384 : vector<16xi32>
    %gather3A_386 = tpu.vector_load_idx %arg12[%add3A_385] : memref<1536xi32, #tpu.memory_space<vmem>>[vector<16xi32>], vector<16xi32>,
    %swap3A_387 = arith.constant 640 : index
    %swap3A_388 = tpu.vector_load %arg13[%swap3A_387] {strides = array<i32>} : memref<1536xi32, #tpu.memory_space<vmem>>, vector<16xi32>,
    tpu.vector_store %arg13[%swap3A_387], %gather3A_386 {strides = array<i32>} : memref<1536xi32, #tpu.memory_space<vmem>>, vector<16xi32>,
    %add3A_389 = arith.constant 433 : i32
    %add3A_390 = vector.broadcast %add3A_389 : i32 to vector<16xi32>
    %add3A_391 = arith.addi %mul3A_144, %add3A_390 : vector<16xi32>
    %gather3A_392 = tpu.vector_load_idx %arg12[%add3A_391] : memref<1536xi32, #tpu.memory_space<vmem>>[vector<16xi32>], vector<16xi32>,
    %swap3A_393 = arith.constant 656 : index
    %swap3A_394 = tpu.vector_load %arg13[%swap3A_393] {strides = array<i32>} : memref<1536xi32, #tpu.memory_space<vmem>>, vector<16xi32>,
    tpu.vector_store %arg13[%swap3A_393], %gather3A_392 {strides = array<i32>} : memref<1536xi32, #tpu.memory_space<vmem>>, vector<16xi32>,
    %add3A_395 = arith.constant 481 : i32
    %add3A_396 = vector.broadcast %add3A_395 : i32 to vector<16xi32>
    %add3A_397 = arith.addi %mul3A_144, %add3A_396 : vector<16xi32>
    %gather3A_398 = tpu.vector_load_idx %arg12[%add3A_397] : memref<1536xi32, #tpu.memory_space<vmem>>[vector<16xi32>], vector<16xi32>,
    %swap3A_399 = arith.constant 672 : index
    %swap3A_400 = tpu.vector_load %arg13[%swap3A_399] {strides = array<i32>} : memref<1536xi32, #tpu.memory_space<vmem>>, vector<16xi32>,
    tpu.vector_store %arg13[%swap3A_399], %gather3A_398 {strides = array<i32>} : memref<1536xi32, #tpu.memory_space<vmem>>, vector<16xi32>,
    %add3A_401 = arith.constant 529 : i32
    %add3A_402 = vector.broadcast %add3A_401 : i32 to vector<16xi32>
    %add3A_403 = arith.addi %mul3A_144, %add3A_402 : vector<16xi32>
    %gather3A_404 = tpu.vector_load_idx %arg12[%add3A_403] : memref<1536xi32, #tpu.memory_space<vmem>>[vector<16xi32>], vector<16xi32>,
    %swap3A_405 = arith.constant 688 : index
    %swap3A_406 = tpu.vector_load %arg13[%swap3A_405] {strides = array<i32>} : memref<1536xi32, #tpu.memory_space<vmem>>, vector<16xi32>,
    tpu.vector_store %arg13[%swap3A_405], %gather3A_404 {strides = array<i32>} : memref<1536xi32, #tpu.memory_space<vmem>>, vector<16xi32>,
    %add3A_407 = arith.constant 577 : i32
    %add3A_408 = vector.broadcast %add3A_407 : i32 to vector<16xi32>
    %add3A_409 = arith.addi %mul3A_144, %add3A_408 : vector<16xi32>
    %gather3A_410 = tpu.vector_load_idx %arg12[%add3A_409] : memref<1536xi32, #tpu.memory_space<vmem>>[vector<16xi32>], vector<16xi32>,
    %swap3A_411 = arith.constant 704 : index
    %swap3A_412 = tpu.vector_load %arg13[%swap3A_411] {strides = array<i32>} : memref<1536xi32, #tpu.memory_space<vmem>>, vector<16xi32>,
    tpu.vector_store %arg13[%swap3A_411], %gather3A_410 {strides = array<i32>} : memref<1536xi32, #tpu.memory_space<vmem>>, vector<16xi32>,
    %add3A_413 = arith.constant 625 : i32
    %add3A_414 = vector.broadcast %add3A_413 : i32 to vector<16xi32>
    %add3A_415 = arith.addi %mul3A_144, %add3A_414 : vector<16xi32>
    %gather3A_416 = tpu.vector_load_idx %arg12[%add3A_415] : memref<1536xi32, #tpu.memory_space<vmem>>[vector<16xi32>], vector<16xi32>,
    %swap3A_417 = arith.constant 720 : index
    %swap3A_418 = tpu.vector_load %arg13[%swap3A_417] {strides = array<i32>} : memref<1536xi32, #tpu.memory_space<vmem>>, vector<16xi32>,
    tpu.vector_store %arg13[%swap3A_417], %gather3A_416 {strides = array<i32>} : memref<1536xi32, #tpu.memory_space<vmem>>, vector<16xi32>,
    %add3A_419 = arith.constant 673 : i32
    %add3A_420 = vector.broadcast %add3A_419 : i32 to vector<16xi32>
    %add3A_421 = arith.addi %mul3A_144, %add3A_420 : vector<16xi32>
    %gather3A_422 = tpu.vector_load_idx %arg12[%add3A_421] : memref<1536xi32, #tpu.memory_space<vmem>>[vector<16xi32>], vector<16xi32>,
    %swap3A_423 = arith.constant 736 : index
    %swap3A_424 = tpu.vector_load %arg13[%swap3A_423] {strides = array<i32>} : memref<1536xi32, #tpu.memory_space<vmem>>, vector<16xi32>,
    tpu.vector_store %arg13[%swap3A_423], %gather3A_422 {strides = array<i32>} : memref<1536xi32, #tpu.memory_space<vmem>>, vector<16xi32>,
    %add3A_425 = arith.constant 721 : i32
    %add3A_426 = vector.broadcast %add3A_425 : i32 to vector<16xi32>
    %add3A_427 = arith.addi %mul3A_144, %add3A_426 : vector<16xi32>
    %gather3A_428 = tpu.vector_load_idx %arg12[%add3A_427] : memref<1536xi32, #tpu.memory_space<vmem>>[vector<16xi32>], vector<16xi32>,
    %swap3A_429 = arith.constant 752 : index
    %swap3A_430 = tpu.vector_load %arg13[%swap3A_429] {strides = array<i32>} : memref<1536xi32, #tpu.memory_space<vmem>>, vector<16xi32>,
    tpu.vector_store %arg13[%swap3A_429], %gather3A_428 {strides = array<i32>} : memref<1536xi32, #tpu.memory_space<vmem>>, vector<16xi32>,
    %add3A_431 = arith.constant 769 : i32
    %add3A_432 = vector.broadcast %add3A_431 : i32 to vector<16xi32>
    %add3A_433 = arith.addi %mul3A_144, %add3A_432 : vector<16xi32>
    %gather3A_434 = tpu.vector_load_idx %arg12[%add3A_433] : memref<1536xi32, #tpu.memory_space<vmem>>[vector<16xi32>], vector<16xi32>,
    %swap3A_435 = arith.constant 768 : index
    %swap3A_436 = tpu.vector_load %arg13[%swap3A_435] {strides = array<i32>} : memref<1536xi32, #tpu.memory_space<vmem>>, vector<16xi32>,
    tpu.vector_store %arg13[%swap3A_435], %gather3A_434 {strides = array<i32>} : memref<1536xi32, #tpu.memory_space<vmem>>, vector<16xi32>,
    %add3A_437 = arith.constant 817 : i32
    %add3A_438 = vector.broadcast %add3A_437 : i32 to vector<16xi32>
    %add3A_439 = arith.addi %mul3A_144, %add3A_438 : vector<16xi32>
    %gather3A_440 = tpu.vector_load_idx %arg12[%add3A_439] : memref<1536xi32, #tpu.memory_space<vmem>>[vector<16xi32>], vector<16xi32>,
    %swap3A_441 = arith.constant 784 : index
    %swap3A_442 = tpu.vector_load %arg13[%swap3A_441] {strides = array<i32>} : memref<1536xi32, #tpu.memory_space<vmem>>, vector<16xi32>,
    tpu.vector_store %arg13[%swap3A_441], %gather3A_440 {strides = array<i32>} : memref<1536xi32, #tpu.memory_space<vmem>>, vector<16xi32>,
    %add3A_443 = arith.constant 865 : i32
    %add3A_444 = vector.broadcast %add3A_443 : i32 to vector<16xi32>
    %add3A_445 = arith.addi %mul3A_144, %add3A_444 : vector<16xi32>
    %gather3A_446 = tpu.vector_load_idx %arg12[%add3A_445] : memref<1536xi32, #tpu.memory_space<vmem>>[vector<16xi32>], vector<16xi32>,
    %swap3A_447 = arith.constant 800 : index
    %swap3A_448 = tpu.vector_load %arg13[%swap3A_447] {strides = array<i32>} : memref<1536xi32, #tpu.memory_space<vmem>>, vector<16xi32>,
    tpu.vector_store %arg13[%swap3A_447], %gather3A_446 {strides = array<i32>} : memref<1536xi32, #tpu.memory_space<vmem>>, vector<16xi32>,
    %add3A_449 = arith.constant 913 : i32
    %add3A_450 = vector.broadcast %add3A_449 : i32 to vector<16xi32>
    %add3A_451 = arith.addi %mul3A_144, %add3A_450 : vector<16xi32>
    %gather3A_452 = tpu.vector_load_idx %arg12[%add3A_451] : memref<1536xi32, #tpu.memory_space<vmem>>[vector<16xi32>], vector<16xi32>,
    %swap3A_453 = arith.constant 816 : index
    %swap3A_454 = tpu.vector_load %arg13[%swap3A_453] {strides = array<i32>} : memref<1536xi32, #tpu.memory_space<vmem>>, vector<16xi32>,
    tpu.vector_store %arg13[%swap3A_453], %gather3A_452 {strides = array<i32>} : memref<1536xi32, #tpu.memory_space<vmem>>, vector<16xi32>,
    %add3A_455 = arith.constant 961 : i32
    %add3A_456 = vector.broadcast %add3A_455 : i32 to vector<16xi32>
    %add3A_457 = arith.addi %mul3A_144, %add3A_456 : vector<16xi32>
    %gather3A_458 = tpu.vector_load_idx %arg12[%add3A_457] : memref<1536xi32, #tpu.memory_space<vmem>>[vector<16xi32>], vector<16xi32>,
    %swap3A_459 = arith.constant 832 : index
    %swap3A_460 = tpu.vector_load %arg13[%swap3A_459] {strides = array<i32>} : memref<1536xi32, #tpu.memory_space<vmem>>, vector<16xi32>,
    tpu.vector_store %arg13[%swap3A_459], %gather3A_458 {strides = array<i32>} : memref<1536xi32, #tpu.memory_space<vmem>>, vector<16xi32>,
    %add3A_461 = arith.constant 1009 : i32
    %add3A_462 = vector.broadcast %add3A_461 : i32 to vector<16xi32>
    %add3A_463 = arith.addi %mul3A_144, %add3A_462 : vector<16xi32>
    %gather3A_464 = tpu.vector_load_idx %arg12[%add3A_463] : memref<1536xi32, #tpu.memory_space<vmem>>[vector<16xi32>], vector<16xi32>,
    %swap3A_465 = arith.constant 848 : index
    %swap3A_466 = tpu.vector_load %arg13[%swap3A_465] {strides = array<i32>} : memref<1536xi32, #tpu.memory_space<vmem>>, vector<16xi32>,
    tpu.vector_store %arg13[%swap3A_465], %gather3A_464 {strides = array<i32>} : memref<1536xi32, #tpu.memory_space<vmem>>, vector<16xi32>,
    %add3A_467 = arith.constant 1057 : i32
    %add3A_468 = vector.broadcast %add3A_467 : i32 to vector<16xi32>
    %add3A_469 = arith.addi %mul3A_144, %add3A_468 : vector<16xi32>
    %gather3A_470 = tpu.vector_load_idx %arg12[%add3A_469] : memref<1536xi32, #tpu.memory_space<vmem>>[vector<16xi32>], vector<16xi32>,
    %swap3A_471 = arith.constant 864 : index
    %swap3A_472 = tpu.vector_load %arg13[%swap3A_471] {strides = array<i32>} : memref<1536xi32, #tpu.memory_space<vmem>>, vector<16xi32>,
    tpu.vector_store %arg13[%swap3A_471], %gather3A_470 {strides = array<i32>} : memref<1536xi32, #tpu.memory_space<vmem>>, vector<16xi32>,
    %add3A_473 = arith.constant 1105 : i32
    %add3A_474 = vector.broadcast %add3A_473 : i32 to vector<16xi32>
    %add3A_475 = arith.addi %mul3A_144, %add3A_474 : vector<16xi32>
    %gather3A_476 = tpu.vector_load_idx %arg12[%add3A_475] : memref<1536xi32, #tpu.memory_space<vmem>>[vector<16xi32>], vector<16xi32>,
    %swap3A_477 = arith.constant 880 : index
    %swap3A_478 = tpu.vector_load %arg13[%swap3A_477] {strides = array<i32>} : memref<1536xi32, #tpu.memory_space<vmem>>, vector<16xi32>,
    tpu.vector_store %arg13[%swap3A_477], %gather3A_476 {strides = array<i32>} : memref<1536xi32, #tpu.memory_space<vmem>>, vector<16xi32>,
    %add3A_479 = arith.constant 1153 : i32
    %add3A_480 = vector.broadcast %add3A_479 : i32 to vector<16xi32>
    %add3A_481 = arith.addi %mul3A_144, %add3A_480 : vector<16xi32>
    %gather3A_482 = tpu.vector_load_idx %arg12[%add3A_481] : memref<1536xi32, #tpu.memory_space<vmem>>[vector<16xi32>], vector<16xi32>,
    %swap3A_483 = arith.constant 896 : index
    %swap3A_484 = tpu.vector_load %arg13[%swap3A_483] {strides = array<i32>} : memref<1536xi32, #tpu.memory_space<vmem>>, vector<16xi32>,
    tpu.vector_store %arg13[%swap3A_483], %gather3A_482 {strides = array<i32>} : memref<1536xi32, #tpu.memory_space<vmem>>, vector<16xi32>,
    %add3A_485 = arith.constant 1201 : i32
    %add3A_486 = vector.broadcast %add3A_485 : i32 to vector<16xi32>
    %add3A_487 = arith.addi %mul3A_144, %add3A_486 : vector<16xi32>
    %gather3A_488 = tpu.vector_load_idx %arg12[%add3A_487] : memref<1536xi32, #tpu.memory_space<vmem>>[vector<16xi32>], vector<16xi32>,
    %swap3A_489 = arith.constant 912 : index
    %swap3A_490 = tpu.vector_load %arg13[%swap3A_489] {strides = array<i32>} : memref<1536xi32, #tpu.memory_space<vmem>>, vector<16xi32>,
    tpu.vector_store %arg13[%swap3A_489], %gather3A_488 {strides = array<i32>} : memref<1536xi32, #tpu.memory_space<vmem>>, vector<16xi32>,
    %add3A_491 = arith.constant 1249 : i32
    %add3A_492 = vector.broadcast %add3A_491 : i32 to vector<16xi32>
    %add3A_493 = arith.addi %mul3A_144, %add3A_492 : vector<16xi32>
    %gather3A_494 = tpu.vector_load_idx %arg12[%add3A_493] : memref<1536xi32, #tpu.memory_space<vmem>>[vector<16xi32>], vector<16xi32>,
    %swap3A_495 = arith.constant 928 : index
    %swap3A_496 = tpu.vector_load %arg13[%swap3A_495] {strides = array<i32>} : memref<1536xi32, #tpu.memory_space<vmem>>, vector<16xi32>,
    tpu.vector_store %arg13[%swap3A_495], %gather3A_494 {strides = array<i32>} : memref<1536xi32, #tpu.memory_space<vmem>>, vector<16xi32>,
    %add3A_497 = arith.constant 1297 : i32
    %add3A_498 = vector.broadcast %add3A_497 : i32 to vector<16xi32>
    %add3A_499 = arith.addi %mul3A_144, %add3A_498 : vector<16xi32>
    %gather3A_500 = tpu.vector_load_idx %arg12[%add3A_499] : memref<1536xi32, #tpu.memory_space<vmem>>[vector<16xi32>], vector<16xi32>,
    %swap3A_501 = arith.constant 944 : index
    %swap3A_502 = tpu.vector_load %arg13[%swap3A_501] {strides = array<i32>} : memref<1536xi32, #tpu.memory_space<vmem>>, vector<16xi32>,
    tpu.vector_store %arg13[%swap3A_501], %gather3A_500 {strides = array<i32>} : memref<1536xi32, #tpu.memory_space<vmem>>, vector<16xi32>,
    %add3A_503 = arith.constant 1345 : i32
    %add3A_504 = vector.broadcast %add3A_503 : i32 to vector<16xi32>
    %add3A_505 = arith.addi %mul3A_144, %add3A_504 : vector<16xi32>
    %gather3A_506 = tpu.vector_load_idx %arg12[%add3A_505] : memref<1536xi32, #tpu.memory_space<vmem>>[vector<16xi32>], vector<16xi32>,
    %swap3A_507 = arith.constant 960 : index
    %swap3A_508 = tpu.vector_load %arg13[%swap3A_507] {strides = array<i32>} : memref<1536xi32, #tpu.memory_space<vmem>>, vector<16xi32>,
    tpu.vector_store %arg13[%swap3A_507], %gather3A_506 {strides = array<i32>} : memref<1536xi32, #tpu.memory_space<vmem>>, vector<16xi32>,
    %add3A_509 = arith.constant 1393 : i32
    %add3A_510 = vector.broadcast %add3A_509 : i32 to vector<16xi32>
    %add3A_511 = arith.addi %mul3A_144, %add3A_510 : vector<16xi32>
    %gather3A_512 = tpu.vector_load_idx %arg12[%add3A_511] : memref<1536xi32, #tpu.memory_space<vmem>>[vector<16xi32>], vector<16xi32>,
    %swap3A_513 = arith.constant 976 : index
    %swap3A_514 = tpu.vector_load %arg13[%swap3A_513] {strides = array<i32>} : memref<1536xi32, #tpu.memory_space<vmem>>, vector<16xi32>,
    tpu.vector_store %arg13[%swap3A_513], %gather3A_512 {strides = array<i32>} : memref<1536xi32, #tpu.memory_space<vmem>>, vector<16xi32>,
    %add3A_515 = arith.constant 1441 : i32
    %add3A_516 = vector.broadcast %add3A_515 : i32 to vector<16xi32>
    %add3A_517 = arith.addi %mul3A_144, %add3A_516 : vector<16xi32>
    %gather3A_518 = tpu.vector_load_idx %arg12[%add3A_517] : memref<1536xi32, #tpu.memory_space<vmem>>[vector<16xi32>], vector<16xi32>,
    %swap3A_519 = arith.constant 992 : index
    %swap3A_520 = tpu.vector_load %arg13[%swap3A_519] {strides = array<i32>} : memref<1536xi32, #tpu.memory_space<vmem>>, vector<16xi32>,
    tpu.vector_store %arg13[%swap3A_519], %gather3A_518 {strides = array<i32>} : memref<1536xi32, #tpu.memory_space<vmem>>, vector<16xi32>,
    %add3A_521 = arith.constant 1489 : i32
    %add3A_522 = vector.broadcast %add3A_521 : i32 to vector<16xi32>
    %add3A_523 = arith.addi %mul3A_144, %add3A_522 : vector<16xi32>
    %gather3A_524 = tpu.vector_load_idx %arg12[%add3A_523] : memref<1536xi32, #tpu.memory_space<vmem>>[vector<16xi32>], vector<16xi32>,
    %swap3A_525 = arith.constant 1008 : index
    %swap3A_526 = tpu.vector_load %arg13[%swap3A_525] {strides = array<i32>} : memref<1536xi32, #tpu.memory_space<vmem>>, vector<16xi32>,
    tpu.vector_store %arg13[%swap3A_525], %gather3A_524 {strides = array<i32>} : memref<1536xi32, #tpu.memory_space<vmem>>, vector<16xi32>,
    %add3A_527 = arith.constant 2 : i32
    %add3A_528 = vector.broadcast %add3A_527 : i32 to vector<16xi32>
    %add3A_529 = arith.addi %mul3A_144, %add3A_528 : vector<16xi32>
    %gather3A_530 = tpu.vector_load_idx %arg12[%add3A_529] : memref<1536xi32, #tpu.memory_space<vmem>>[vector<16xi32>], vector<16xi32>,
    %swap3A_531 = arith.constant 1024 : index
    %swap3A_532 = tpu.vector_load %arg13[%swap3A_531] {strides = array<i32>} : memref<1536xi32, #tpu.memory_space<vmem>>, vector<16xi32>,
    tpu.vector_store %arg13[%swap3A_531], %gather3A_530 {strides = array<i32>} : memref<1536xi32, #tpu.memory_space<vmem>>, vector<16xi32>,
    %add3A_533 = arith.constant 50 : i32
    %add3A_534 = vector.broadcast %add3A_533 : i32 to vector<16xi32>
    %add3A_535 = arith.addi %mul3A_144, %add3A_534 : vector<16xi32>
    %gather3A_536 = tpu.vector_load_idx %arg12[%add3A_535] : memref<1536xi32, #tpu.memory_space<vmem>>[vector<16xi32>], vector<16xi32>,
    %swap3A_537 = arith.constant 1040 : index
    %swap3A_538 = tpu.vector_load %arg13[%swap3A_537] {strides = array<i32>} : memref<1536xi32, #tpu.memory_space<vmem>>, vector<16xi32>,
    tpu.vector_store %arg13[%swap3A_537], %gather3A_536 {strides = array<i32>} : memref<1536xi32, #tpu.memory_space<vmem>>, vector<16xi32>,
    %add3A_539 = arith.constant 98 : i32
    %add3A_540 = vector.broadcast %add3A_539 : i32 to vector<16xi32>
    %add3A_541 = arith.addi %mul3A_144, %add3A_540 : vector<16xi32>
    %gather3A_542 = tpu.vector_load_idx %arg12[%add3A_541] : memref<1536xi32, #tpu.memory_space<vmem>>[vector<16xi32>], vector<16xi32>,
    %swap3A_543 = arith.constant 1056 : index
    %swap3A_544 = tpu.vector_load %arg13[%swap3A_543] {strides = array<i32>} : memref<1536xi32, #tpu.memory_space<vmem>>, vector<16xi32>,
    tpu.vector_store %arg13[%swap3A_543], %gather3A_542 {strides = array<i32>} : memref<1536xi32, #tpu.memory_space<vmem>>, vector<16xi32>,
    %add3A_545 = arith.constant 146 : i32
    %add3A_546 = vector.broadcast %add3A_545 : i32 to vector<16xi32>
    %add3A_547 = arith.addi %mul3A_144, %add3A_546 : vector<16xi32>
    %gather3A_548 = tpu.vector_load_idx %arg12[%add3A_547] : memref<1536xi32, #tpu.memory_space<vmem>>[vector<16xi32>], vector<16xi32>,
    %swap3A_549 = arith.constant 1072 : index
    %swap3A_550 = tpu.vector_load %arg13[%swap3A_549] {strides = array<i32>} : memref<1536xi32, #tpu.memory_space<vmem>>, vector<16xi32>,
    tpu.vector_store %arg13[%swap3A_549], %gather3A_548 {strides = array<i32>} : memref<1536xi32, #tpu.memory_space<vmem>>, vector<16xi32>,
    %add3A_551 = arith.constant 194 : i32
    %add3A_552 = vector.broadcast %add3A_551 : i32 to vector<16xi32>
    %add3A_553 = arith.addi %mul3A_144, %add3A_552 : vector<16xi32>
    %gather3A_554 = tpu.vector_load_idx %arg12[%add3A_553] : memref<1536xi32, #tpu.memory_space<vmem>>[vector<16xi32>], vector<16xi32>,
    %swap3A_555 = arith.constant 1088 : index
    %swap3A_556 = tpu.vector_load %arg13[%swap3A_555] {strides = array<i32>} : memref<1536xi32, #tpu.memory_space<vmem>>, vector<16xi32>,
    tpu.vector_store %arg13[%swap3A_555], %gather3A_554 {strides = array<i32>} : memref<1536xi32, #tpu.memory_space<vmem>>, vector<16xi32>,
    %add3A_557 = arith.constant 242 : i32
    %add3A_558 = vector.broadcast %add3A_557 : i32 to vector<16xi32>
    %add3A_559 = arith.addi %mul3A_144, %add3A_558 : vector<16xi32>
    %gather3A_560 = tpu.vector_load_idx %arg12[%add3A_559] : memref<1536xi32, #tpu.memory_space<vmem>>[vector<16xi32>], vector<16xi32>,
    %swap3A_561 = arith.constant 1104 : index
    %swap3A_562 = tpu.vector_load %arg13[%swap3A_561] {strides = array<i32>} : memref<1536xi32, #tpu.memory_space<vmem>>, vector<16xi32>,
    tpu.vector_store %arg13[%swap3A_561], %gather3A_560 {strides = array<i32>} : memref<1536xi32, #tpu.memory_space<vmem>>, vector<16xi32>,
    %add3A_563 = arith.constant 290 : i32
    %add3A_564 = vector.broadcast %add3A_563 : i32 to vector<16xi32>
    %add3A_565 = arith.addi %mul3A_144, %add3A_564 : vector<16xi32>
    %gather3A_566 = tpu.vector_load_idx %arg12[%add3A_565] : memref<1536xi32, #tpu.memory_space<vmem>>[vector<16xi32>], vector<16xi32>,
    %swap3A_567 = arith.constant 1120 : index
    %swap3A_568 = tpu.vector_load %arg13[%swap3A_567] {strides = array<i32>} : memref<1536xi32, #tpu.memory_space<vmem>>, vector<16xi32>,
    tpu.vector_store %arg13[%swap3A_567], %gather3A_566 {strides = array<i32>} : memref<1536xi32, #tpu.memory_space<vmem>>, vector<16xi32>,
    %add3A_569 = arith.constant 338 : i32
    %add3A_570 = vector.broadcast %add3A_569 : i32 to vector<16xi32>
    %add3A_571 = arith.addi %mul3A_144, %add3A_570 : vector<16xi32>
    %gather3A_572 = tpu.vector_load_idx %arg12[%add3A_571] : memref<1536xi32, #tpu.memory_space<vmem>>[vector<16xi32>], vector<16xi32>,
    %swap3A_573 = arith.constant 1136 : index
    %swap3A_574 = tpu.vector_load %arg13[%swap3A_573] {strides = array<i32>} : memref<1536xi32, #tpu.memory_space<vmem>>, vector<16xi32>,
    tpu.vector_store %arg13[%swap3A_573], %gather3A_572 {strides = array<i32>} : memref<1536xi32, #tpu.memory_space<vmem>>, vector<16xi32>,
    %add3A_575 = arith.constant 386 : i32
    %add3A_576 = vector.broadcast %add3A_575 : i32 to vector<16xi32>
    %add3A_577 = arith.addi %mul3A_144, %add3A_576 : vector<16xi32>
    %gather3A_578 = tpu.vector_load_idx %arg12[%add3A_577] : memref<1536xi32, #tpu.memory_space<vmem>>[vector<16xi32>], vector<16xi32>,
    %swap3A_579 = arith.constant 1152 : index
    %swap3A_580 = tpu.vector_load %arg13[%swap3A_579] {strides = array<i32>} : memref<1536xi32, #tpu.memory_space<vmem>>, vector<16xi32>,
    tpu.vector_store %arg13[%swap3A_579], %gather3A_578 {strides = array<i32>} : memref<1536xi32, #tpu.memory_space<vmem>>, vector<16xi32>,
    %add3A_581 = arith.constant 434 : i32
    %add3A_582 = vector.broadcast %add3A_581 : i32 to vector<16xi32>
    %add3A_583 = arith.addi %mul3A_144, %add3A_582 : vector<16xi32>
    %gather3A_584 = tpu.vector_load_idx %arg12[%add3A_583] : memref<1536xi32, #tpu.memory_space<vmem>>[vector<16xi32>], vector<16xi32>,
    %swap3A_585 = arith.constant 1168 : index
    %swap3A_586 = tpu.vector_load %arg13[%swap3A_585] {strides = array<i32>} : memref<1536xi32, #tpu.memory_space<vmem>>, vector<16xi32>,
    tpu.vector_store %arg13[%swap3A_585], %gather3A_584 {strides = array<i32>} : memref<1536xi32, #tpu.memory_space<vmem>>, vector<16xi32>,
    %add3A_587 = arith.constant 482 : i32
    %add3A_588 = vector.broadcast %add3A_587 : i32 to vector<16xi32>
    %add3A_589 = arith.addi %mul3A_144, %add3A_588 : vector<16xi32>
    %gather3A_590 = tpu.vector_load_idx %arg12[%add3A_589] : memref<1536xi32, #tpu.memory_space<vmem>>[vector<16xi32>], vector<16xi32>,
    %swap3A_591 = arith.constant 1184 : index
    %swap3A_592 = tpu.vector_load %arg13[%swap3A_591] {strides = array<i32>} : memref<1536xi32, #tpu.memory_space<vmem>>, vector<16xi32>,
    tpu.vector_store %arg13[%swap3A_591], %gather3A_590 {strides = array<i32>} : memref<1536xi32, #tpu.memory_space<vmem>>, vector<16xi32>,
    %add3A_593 = arith.constant 530 : i32
    %add3A_594 = vector.broadcast %add3A_593 : i32 to vector<16xi32>
    %add3A_595 = arith.addi %mul3A_144, %add3A_594 : vector<16xi32>
    %gather3A_596 = tpu.vector_load_idx %arg12[%add3A_595] : memref<1536xi32, #tpu.memory_space<vmem>>[vector<16xi32>], vector<16xi32>,
    %swap3A_597 = arith.constant 1200 : index
    %swap3A_598 = tpu.vector_load %arg13[%swap3A_597] {strides = array<i32>} : memref<1536xi32, #tpu.memory_space<vmem>>, vector<16xi32>,
    tpu.vector_store %arg13[%swap3A_597], %gather3A_596 {strides = array<i32>} : memref<1536xi32, #tpu.memory_space<vmem>>, vector<16xi32>,
    %add3A_599 = arith.constant 578 : i32
    %add3A_600 = vector.broadcast %add3A_599 : i32 to vector<16xi32>
    %add3A_601 = arith.addi %mul3A_144, %add3A_600 : vector<16xi32>
    %gather3A_602 = tpu.vector_load_idx %arg12[%add3A_601] : memref<1536xi32, #tpu.memory_space<vmem>>[vector<16xi32>], vector<16xi32>,
    %swap3A_603 = arith.constant 1216 : index
    %swap3A_604 = tpu.vector_load %arg13[%swap3A_603] {strides = array<i32>} : memref<1536xi32, #tpu.memory_space<vmem>>, vector<16xi32>,
    tpu.vector_store %arg13[%swap3A_603], %gather3A_602 {strides = array<i32>} : memref<1536xi32, #tpu.memory_space<vmem>>, vector<16xi32>,
    %add3A_605 = arith.constant 626 : i32
    %add3A_606 = vector.broadcast %add3A_605 : i32 to vector<16xi32>
    %add3A_607 = arith.addi %mul3A_144, %add3A_606 : vector<16xi32>
    %gather3A_608 = tpu.vector_load_idx %arg12[%add3A_607] : memref<1536xi32, #tpu.memory_space<vmem>>[vector<16xi32>], vector<16xi32>,
    %swap3A_609 = arith.constant 1232 : index
    %swap3A_610 = tpu.vector_load %arg13[%swap3A_609] {strides = array<i32>} : memref<1536xi32, #tpu.memory_space<vmem>>, vector<16xi32>,
    tpu.vector_store %arg13[%swap3A_609], %gather3A_608 {strides = array<i32>} : memref<1536xi32, #tpu.memory_space<vmem>>, vector<16xi32>,
    %add3A_611 = arith.constant 674 : i32
    %add3A_612 = vector.broadcast %add3A_611 : i32 to vector<16xi32>
    %add3A_613 = arith.addi %mul3A_144, %add3A_612 : vector<16xi32>
    %gather3A_614 = tpu.vector_load_idx %arg12[%add3A_613] : memref<1536xi32, #tpu.memory_space<vmem>>[vector<16xi32>], vector<16xi32>,
    %swap3A_615 = arith.constant 1248 : index
    %swap3A_616 = tpu.vector_load %arg13[%swap3A_615] {strides = array<i32>} : memref<1536xi32, #tpu.memory_space<vmem>>, vector<16xi32>,
    tpu.vector_store %arg13[%swap3A_615], %gather3A_614 {strides = array<i32>} : memref<1536xi32, #tpu.memory_space<vmem>>, vector<16xi32>,
    %add3A_617 = arith.constant 722 : i32
    %add3A_618 = vector.broadcast %add3A_617 : i32 to vector<16xi32>
    %add3A_619 = arith.addi %mul3A_144, %add3A_618 : vector<16xi32>
    %gather3A_620 = tpu.vector_load_idx %arg12[%add3A_619] : memref<1536xi32, #tpu.memory_space<vmem>>[vector<16xi32>], vector<16xi32>,
    %swap3A_621 = arith.constant 1264 : index
    %swap3A_622 = tpu.vector_load %arg13[%swap3A_621] {strides = array<i32>} : memref<1536xi32, #tpu.memory_space<vmem>>, vector<16xi32>,
    tpu.vector_store %arg13[%swap3A_621], %gather3A_620 {strides = array<i32>} : memref<1536xi32, #tpu.memory_space<vmem>>, vector<16xi32>,
    %add3A_623 = arith.constant 770 : i32
    %add3A_624 = vector.broadcast %add3A_623 : i32 to vector<16xi32>
    %add3A_625 = arith.addi %mul3A_144, %add3A_624 : vector<16xi32>
    %gather3A_626 = tpu.vector_load_idx %arg12[%add3A_625] : memref<1536xi32, #tpu.memory_space<vmem>>[vector<16xi32>], vector<16xi32>,
    %swap3A_627 = arith.constant 1280 : index
    %swap3A_628 = tpu.vector_load %arg13[%swap3A_627] {strides = array<i32>} : memref<1536xi32, #tpu.memory_space<vmem>>, vector<16xi32>,
    tpu.vector_store %arg13[%swap3A_627], %gather3A_626 {strides = array<i32>} : memref<1536xi32, #tpu.memory_space<vmem>>, vector<16xi32>,
    %add3A_629 = arith.constant 818 : i32
    %add3A_630 = vector.broadcast %add3A_629 : i32 to vector<16xi32>
    %add3A_631 = arith.addi %mul3A_144, %add3A_630 : vector<16xi32>
    %gather3A_632 = tpu.vector_load_idx %arg12[%add3A_631] : memref<1536xi32, #tpu.memory_space<vmem>>[vector<16xi32>], vector<16xi32>,
    %swap3A_633 = arith.constant 1296 : index
    %swap3A_634 = tpu.vector_load %arg13[%swap3A_633] {strides = array<i32>} : memref<1536xi32, #tpu.memory_space<vmem>>, vector<16xi32>,
    tpu.vector_store %arg13[%swap3A_633], %gather3A_632 {strides = array<i32>} : memref<1536xi32, #tpu.memory_space<vmem>>, vector<16xi32>,
    %add3A_635 = arith.constant 866 : i32
    %add3A_636 = vector.broadcast %add3A_635 : i32 to vector<16xi32>
    %add3A_637 = arith.addi %mul3A_144, %add3A_636 : vector<16xi32>
    %gather3A_638 = tpu.vector_load_idx %arg12[%add3A_637] : memref<1536xi32, #tpu.memory_space<vmem>>[vector<16xi32>], vector<16xi32>,
    %swap3A_639 = arith.constant 1312 : index
    %swap3A_640 = tpu.vector_load %arg13[%swap3A_639] {strides = array<i32>} : memref<1536xi32, #tpu.memory_space<vmem>>, vector<16xi32>,
    tpu.vector_store %arg13[%swap3A_639], %gather3A_638 {strides = array<i32>} : memref<1536xi32, #tpu.memory_space<vmem>>, vector<16xi32>,
    %add3A_641 = arith.constant 914 : i32
    %add3A_642 = vector.broadcast %add3A_641 : i32 to vector<16xi32>
    %add3A_643 = arith.addi %mul3A_144, %add3A_642 : vector<16xi32>
    %gather3A_644 = tpu.vector_load_idx %arg12[%add3A_643] : memref<1536xi32, #tpu.memory_space<vmem>>[vector<16xi32>], vector<16xi32>,
    %swap3A_645 = arith.constant 1328 : index
    %swap3A_646 = tpu.vector_load %arg13[%swap3A_645] {strides = array<i32>} : memref<1536xi32, #tpu.memory_space<vmem>>, vector<16xi32>,
    tpu.vector_store %arg13[%swap3A_645], %gather3A_644 {strides = array<i32>} : memref<1536xi32, #tpu.memory_space<vmem>>, vector<16xi32>,
    %add3A_647 = arith.constant 962 : i32
    %add3A_648 = vector.broadcast %add3A_647 : i32 to vector<16xi32>
    %add3A_649 = arith.addi %mul3A_144, %add3A_648 : vector<16xi32>
    %gather3A_650 = tpu.vector_load_idx %arg12[%add3A_649] : memref<1536xi32, #tpu.memory_space<vmem>>[vector<16xi32>], vector<16xi32>,
    %swap3A_651 = arith.constant 1344 : index
    %swap3A_652 = tpu.vector_load %arg13[%swap3A_651] {strides = array<i32>} : memref<1536xi32, #tpu.memory_space<vmem>>, vector<16xi32>,
    tpu.vector_store %arg13[%swap3A_651], %gather3A_650 {strides = array<i32>} : memref<1536xi32, #tpu.memory_space<vmem>>, vector<16xi32>,
    %add3A_653 = arith.constant 1010 : i32
    %add3A_654 = vector.broadcast %add3A_653 : i32 to vector<16xi32>
    %add3A_655 = arith.addi %mul3A_144, %add3A_654 : vector<16xi32>
    %gather3A_656 = tpu.vector_load_idx %arg12[%add3A_655] : memref<1536xi32, #tpu.memory_space<vmem>>[vector<16xi32>], vector<16xi32>,
    %swap3A_657 = arith.constant 1360 : index
    %swap3A_658 = tpu.vector_load %arg13[%swap3A_657] {strides = array<i32>} : memref<1536xi32, #tpu.memory_space<vmem>>, vector<16xi32>,
    tpu.vector_store %arg13[%swap3A_657], %gather3A_656 {strides = array<i32>} : memref<1536xi32, #tpu.memory_space<vmem>>, vector<16xi32>,
    %add3A_659 = arith.constant 1058 : i32
    %add3A_660 = vector.broadcast %add3A_659 : i32 to vector<16xi32>
    %add3A_661 = arith.addi %mul3A_144, %add3A_660 : vector<16xi32>
    %gather3A_662 = tpu.vector_load_idx %arg12[%add3A_661] : memref<1536xi32, #tpu.memory_space<vmem>>[vector<16xi32>], vector<16xi32>,
    %swap3A_663 = arith.constant 1376 : index
    %swap3A_664 = tpu.vector_load %arg13[%swap3A_663] {strides = array<i32>} : memref<1536xi32, #tpu.memory_space<vmem>>, vector<16xi32>,
    tpu.vector_store %arg13[%swap3A_663], %gather3A_662 {strides = array<i32>} : memref<1536xi32, #tpu.memory_space<vmem>>, vector<16xi32>,
    %add3A_665 = arith.constant 1106 : i32
    %add3A_666 = vector.broadcast %add3A_665 : i32 to vector<16xi32>
    %add3A_667 = arith.addi %mul3A_144, %add3A_666 : vector<16xi32>
    %gather3A_668 = tpu.vector_load_idx %arg12[%add3A_667] : memref<1536xi32, #tpu.memory_space<vmem>>[vector<16xi32>], vector<16xi32>,
    %swap3A_669 = arith.constant 1392 : index
    %swap3A_670 = tpu.vector_load %arg13[%swap3A_669] {strides = array<i32>} : memref<1536xi32, #tpu.memory_space<vmem>>, vector<16xi32>,
    tpu.vector_store %arg13[%swap3A_669], %gather3A_668 {strides = array<i32>} : memref<1536xi32, #tpu.memory_space<vmem>>, vector<16xi32>,
    %add3A_671 = arith.constant 1154 : i32
    %add3A_672 = vector.broadcast %add3A_671 : i32 to vector<16xi32>
    %add3A_673 = arith.addi %mul3A_144, %add3A_672 : vector<16xi32>
    %gather3A_674 = tpu.vector_load_idx %arg12[%add3A_673] : memref<1536xi32, #tpu.memory_space<vmem>>[vector<16xi32>], vector<16xi32>,
    %swap3A_675 = arith.constant 1408 : index
    %swap3A_676 = tpu.vector_load %arg13[%swap3A_675] {strides = array<i32>} : memref<1536xi32, #tpu.memory_space<vmem>>, vector<16xi32>,
    tpu.vector_store %arg13[%swap3A_675], %gather3A_674 {strides = array<i32>} : memref<1536xi32, #tpu.memory_space<vmem>>, vector<16xi32>,
    %add3A_677 = arith.constant 1202 : i32
    %add3A_678 = vector.broadcast %add3A_677 : i32 to vector<16xi32>
    %add3A_679 = arith.addi %mul3A_144, %add3A_678 : vector<16xi32>
    %gather3A_680 = tpu.vector_load_idx %arg12[%add3A_679] : memref<1536xi32, #tpu.memory_space<vmem>>[vector<16xi32>], vector<16xi32>,
    %swap3A_681 = arith.constant 1424 : index
    %swap3A_682 = tpu.vector_load %arg13[%swap3A_681] {strides = array<i32>} : memref<1536xi32, #tpu.memory_space<vmem>>, vector<16xi32>,
    tpu.vector_store %arg13[%swap3A_681], %gather3A_680 {strides = array<i32>} : memref<1536xi32, #tpu.memory_space<vmem>>, vector<16xi32>,
    %add3A_683 = arith.constant 1250 : i32
    %add3A_684 = vector.broadcast %add3A_683 : i32 to vector<16xi32>
    %add3A_685 = arith.addi %mul3A_144, %add3A_684 : vector<16xi32>
    %gather3A_686 = tpu.vector_load_idx %arg12[%add3A_685] : memref<1536xi32, #tpu.memory_space<vmem>>[vector<16xi32>], vector<16xi32>,
    %swap3A_687 = arith.constant 1440 : index
    %swap3A_688 = tpu.vector_load %arg13[%swap3A_687] {strides = array<i32>} : memref<1536xi32, #tpu.memory_space<vmem>>, vector<16xi32>,
    tpu.vector_store %arg13[%swap3A_687], %gather3A_686 {strides = array<i32>} : memref<1536xi32, #tpu.memory_space<vmem>>, vector<16xi32>,
    %add3A_689 = arith.constant 1298 : i32
    %add3A_690 = vector.broadcast %add3A_689 : i32 to vector<16xi32>
    %add3A_691 = arith.addi %mul3A_144, %add3A_690 : vector<16xi32>
    %gather3A_692 = tpu.vector_load_idx %arg12[%add3A_691] : memref<1536xi32, #tpu.memory_space<vmem>>[vector<16xi32>], vector<16xi32>,
    %swap3A_693 = arith.constant 1456 : index
    %swap3A_694 = tpu.vector_load %arg13[%swap3A_693] {strides = array<i32>} : memref<1536xi32, #tpu.memory_space<vmem>>, vector<16xi32>,
    tpu.vector_store %arg13[%swap3A_693], %gather3A_692 {strides = array<i32>} : memref<1536xi32, #tpu.memory_space<vmem>>, vector<16xi32>,
    %add3A_695 = arith.constant 1346 : i32
    %add3A_696 = vector.broadcast %add3A_695 : i32 to vector<16xi32>
    %add3A_697 = arith.addi %mul3A_144, %add3A_696 : vector<16xi32>
    %gather3A_698 = tpu.vector_load_idx %arg12[%add3A_697] : memref<1536xi32, #tpu.memory_space<vmem>>[vector<16xi32>], vector<16xi32>,
    %swap3A_699 = arith.constant 1472 : index
    %swap3A_700 = tpu.vector_load %arg13[%swap3A_699] {strides = array<i32>} : memref<1536xi32, #tpu.memory_space<vmem>>, vector<16xi32>,
    tpu.vector_store %arg13[%swap3A_699], %gather3A_698 {strides = array<i32>} : memref<1536xi32, #tpu.memory_space<vmem>>, vector<16xi32>,
    %add3A_701 = arith.constant 1394 : i32
    %add3A_702 = vector.broadcast %add3A_701 : i32 to vector<16xi32>
    %add3A_703 = arith.addi %mul3A_144, %add3A_702 : vector<16xi32>
    %gather3A_704 = tpu.vector_load_idx %arg12[%add3A_703] : memref<1536xi32, #tpu.memory_space<vmem>>[vector<16xi32>], vector<16xi32>,
    %swap3A_705 = arith.constant 1488 : index
    %swap3A_706 = tpu.vector_load %arg13[%swap3A_705] {strides = array<i32>} : memref<1536xi32, #tpu.memory_space<vmem>>, vector<16xi32>,
    tpu.vector_store %arg13[%swap3A_705], %gather3A_704 {strides = array<i32>} : memref<1536xi32, #tpu.memory_space<vmem>>, vector<16xi32>,
    %add3A_707 = arith.constant 1442 : i32
    %add3A_708 = vector.broadcast %add3A_707 : i32 to vector<16xi32>
    %add3A_709 = arith.addi %mul3A_144, %add3A_708 : vector<16xi32>
    %gather3A_710 = tpu.vector_load_idx %arg12[%add3A_709] : memref<1536xi32, #tpu.memory_space<vmem>>[vector<16xi32>], vector<16xi32>,
    %swap3A_711 = arith.constant 1504 : index
    %swap3A_712 = tpu.vector_load %arg13[%swap3A_711] {strides = array<i32>} : memref<1536xi32, #tpu.memory_space<vmem>>, vector<16xi32>,
    tpu.vector_store %arg13[%swap3A_711], %gather3A_710 {strides = array<i32>} : memref<1536xi32, #tpu.memory_space<vmem>>, vector<16xi32>,
    %add3A_713 = arith.constant 1490 : i32
    %add3A_714 = vector.broadcast %add3A_713 : i32 to vector<16xi32>
    %add3A_715 = arith.addi %mul3A_144, %add3A_714 : vector<16xi32>
    %gather3A_716 = tpu.vector_load_idx %arg12[%add3A_715] : memref<1536xi32, #tpu.memory_space<vmem>>[vector<16xi32>], vector<16xi32>,
    %swap3A_717 = arith.constant 1520 : index
    %swap3A_718 = tpu.vector_load %arg13[%swap3A_717] {strides = array<i32>} : memref<1536xi32, #tpu.memory_space<vmem>>, vector<16xi32>,
    tpu.vector_store %arg13[%swap3A_717], %gather3A_716 {strides = array<i32>} : memref<1536xi32, #tpu.memory_space<vmem>>, vector<16xi32>,
    %dma_start3A_719 = arith.constant 3 : i32
    %dma_start3A_720 = arith.constant 3 : i32
    %dma_start3A_721 = arith.constant 0 : i32
    %dma_start3A_722 = arith.constant 0 : i32
    %dma_start3A_723 = tpu.memref_slice %arg14[%dma_start3A_720, %dma_start3A_721, %dma_start3A_722] : memref<4x128x128xf32, #tpu.memory_space<vmem>> -> memref<1x128x128xf32, #tpu.memory_space<vmem>>
    %dma_start3A_724 = tpu.memref_squeeze %dma_start3A_723 : memref<1x128x128xf32, #tpu.memory_space<vmem>> -> memref<128x128xf32, #tpu.memory_space<vmem>>
    %dma_start3A_725 = arith.constant 0 : i32
    %dma_start3A_726 = tpu.memref_slice %arg10[%dma_start3A_719, %dma_start3A_725] : memref<4x128xi32, #tpu.memory_space<vmem>> -> memref<1x128xi32, #tpu.memory_space<vmem>>
    %dma_start3A_727 = tpu.memref_squeeze %dma_start3A_726 : memref<1x128xi32, #tpu.memory_space<vmem>> -> memref<128xi32, #tpu.memory_space<vmem>>
    %dma_start3A_728 = arith.constant 0 : i32
    %dma_start3A_729 = arith.constant 0 : i32
    %dma_start3A_730 = tpu.memref_slice %arg2[%dma_start3A_728, %dma_start3A_729] : memref<100000x128xf32, #tpu.memory_space<hbm>> -> memref<100000x128xf32, #tpu.memory_space<hbm>>
    tpu.enqueue_indirect_dma source(%dma_start3A_730 : memref<100000x128xf32, #tpu.memory_space<hbm>>) target(%dma_start3A_724 : memref<128x128xf32, #tpu.memory_space<vmem>>) offsets(%dma_start3A_727 : memref<128xi32, #tpu.memory_space<vmem>>) semaphore(%arg18 : memref<!tpu.dma_semaphore, #tpu.memory_space<semaphore_mem>>)
    %dma_wait3A = arith.constant 0 : i32
    %dma_wait3A_731 = arith.constant 0 : i32
    %dma_wait3A_732 = arith.constant 0 : i32
    %dma_wait3A_733 = arith.constant 0 : i32
    %dma_wait3A_734 = tpu.memref_slice %arg14[%dma_wait3A_731, %dma_wait3A_732, %dma_wait3A_733] : memref<4x128x128xf32, #tpu.memory_space<vmem>> -> memref<1x128x128xf32, #tpu.memory_space<vmem>>
    %dma_wait3A_735 = tpu.memref_squeeze %dma_wait3A_734 : memref<1x128x128xf32, #tpu.memory_space<vmem>> -> memref<128x128xf32, #tpu.memory_space<vmem>>
    %dma_wait3A_736 = arith.constant 0 : i32
    %dma_wait3A_737 = tpu.memref_slice %arg10[%dma_wait3A, %dma_wait3A_736] : memref<4x128xi32, #tpu.memory_space<vmem>> -> memref<1x128xi32, #tpu.memory_space<vmem>>
    %dma_wait3A_738 = tpu.memref_squeeze %dma_wait3A_737 : memref<1x128xi32, #tpu.memory_space<vmem>> -> memref<128xi32, #tpu.memory_space<vmem>>
    %dma_wait3A_739 = arith.constant 0 : i32
    %dma_wait3A_740 = arith.constant 0 : i32
    %dma_wait3A_741 = tpu.memref_slice %arg2[%dma_wait3A_739, %dma_wait3A_740] : memref<100000x128xf32, #tpu.memory_space<hbm>> -> memref<100000x128xf32, #tpu.memory_space<hbm>>
    tpu.wait_indirect_dma semaphore(%arg15 : memref<!tpu.dma_semaphore, #tpu.memory_space<semaphore_mem>>) src(%dma_wait3A_741 : memref<100000x128xf32, #tpu.memory_space<hbm>>) dst(%dma_wait3A_735 : memref<128x128xf32, #tpu.memory_space<vmem>>)
    %dma_start3A_742 = arith.constant 0 : i32
    %dma_start3A_743 = arith.constant 0 : i32
    %dma_start3A_744 = arith.constant 0 : i32
    %dma_start3A_745 = tpu.memref_slice %arg14[%dma_start3A_742, %dma_start3A_743, %dma_start3A_744] : memref<4x128x128xf32, #tpu.memory_space<vmem>> -> memref<1x128x128xf32, #tpu.memory_space<vmem>>
    %dma_start3A_746 = tpu.memref_squeeze %dma_start3A_745 : memref<1x128x128xf32, #tpu.memory_space<vmem>> -> memref<128x128xf32, #tpu.memory_space<vmem>>
    %dma_start3A_747 = arith.constant 0 : i32
    %dma_start3A_748 = arith.constant 0 : i32
    %dma_start3A_749 = tpu.memref_slice %arg7[%add3A_4, %dma_start3A_747, %dma_start3A_748] : memref<128x128x128xf32, #tpu.memory_space<hbm>> -> memref<1x128x128xf32, #tpu.memory_space<hbm>>
    %dma_start3A_750 = tpu.memref_squeeze %dma_start3A_749 : memref<1x128x128xf32, #tpu.memory_space<hbm>> -> memref<128x128xf32, #tpu.memory_space<hbm>>
    %dma_start3A_751 = arith.constant 0 : i32
    %dma_start3A_752 = arith.constant 0 : i32
    %dma_start3A_753 = tpu.memref_slice %arg7[%add3A_4, %dma_start3A_751, %dma_start3A_752] : memref<128x128x128xf32, #tpu.memory_space<hbm>> -> memref<1x128x128xf32, #tpu.memory_space<hbm>>
    %dma_start3A_754 = tpu.memref_squeeze %dma_start3A_753 : memref<1x128x128xf32, #tpu.memory_space<hbm>> -> memref<128x128xf32, #tpu.memory_space<hbm>>
    %dma_start3A_755 = arith.constant 0 : i32
    %dma_start3A_756 = arith.constant 0 : i32
    %dma_start3A_757 = tpu.memref_slice %arg14[%dma_start3A_742, %dma_start3A_755, %dma_start3A_756] : memref<4x128x128xf32, #tpu.memory_space<vmem>> -> memref<1x128x128xf32, #tpu.memory_space<vmem>>
    %dma_start3A_758 = tpu.memref_squeeze %dma_start3A_757 : memref<1x128x128xf32, #tpu.memory_space<vmem>> -> memref<128x128xf32, #tpu.memory_space<vmem>>
    tpu.enqueue_dma source(%dma_start3A_758 : memref<128x128xf32, #tpu.memory_space<vmem>>) target(%dma_start3A_754 : memref<128x128xf32, #tpu.memory_space<hbm>>) target_semaphore(%arg19 : memref<!tpu.dma_semaphore, #tpu.memory_space<semaphore_mem>>)
    %dma_wait3A_759 = arith.constant 0 : i32
    %dma_wait3A_760 = arith.constant 0 : i32
    %dma_wait3A_761 = arith.constant 0 : i32
    %dma_wait3A_762 = tpu.memref_slice %arg14[%dma_wait3A_759, %dma_wait3A_760, %dma_wait3A_761] : memref<4x128x128xf32, #tpu.memory_space<vmem>> -> memref<1x128x128xf32, #tpu.memory_space<vmem>>
    %dma_wait3A_763 = tpu.memref_squeeze %dma_wait3A_762 : memref<1x128x128xf32, #tpu.memory_space<vmem>> -> memref<128x128xf32, #tpu.memory_space<vmem>>
    %dma_wait3A_764 = arith.constant 0 : i32
    %dma_wait3A_765 = arith.constant 0 : i32
    %dma_wait3A_766 = tpu.memref_slice %arg7[%add3A_4, %dma_wait3A_764, %dma_wait3A_765] : memref<128x128x128xf32, #tpu.memory_space<hbm>> -> memref<1x128x128xf32, #tpu.memory_space<hbm>>
    %dma_wait3A_767 = tpu.memref_squeeze %dma_wait3A_766 : memref<1x128x128xf32, #tpu.memory_space<hbm>> -> memref<128x128xf32, #tpu.memory_space<hbm>>
    %dma_wait3A_768 = arith.constant 0 : i32
    %dma_wait3A_769 = arith.constant 0 : i32
    %dma_wait3A_770 = tpu.memref_slice %arg7[%add3A_4, %dma_wait3A_768, %dma_wait3A_769] : memref<128x128x128xf32, #tpu.memory_space<hbm>> -> memref<1x128x128xf32, #tpu.memory_space<hbm>>
    %dma_wait3A_771 = tpu.memref_squeeze %dma_wait3A_770 : memref<1x128x128xf32, #tpu.memory_space<hbm>> -> memref<128x128xf32, #tpu.memory_space<hbm>>
    %dma_wait3A_772 = arith.constant 0 : i32
    %dma_wait3A_773 = arith.constant 0 : i32
    %dma_wait3A_774 = tpu.memref_slice %arg14[%dma_wait3A_759, %dma_wait3A_772, %dma_wait3A_773] : memref<4x128x128xf32, #tpu.memory_space<vmem>> -> memref<1x128x128xf32, #tpu.memory_space<vmem>>
    %dma_wait3A_775 = tpu.memref_squeeze %dma_wait3A_774 : memref<1x128x128xf32, #tpu.memory_space<vmem>> -> memref<128x128xf32, #tpu.memory_space<vmem>>
    tpu.wait_dma2 semaphore(%arg19 : memref<!tpu.dma_semaphore, #tpu.memory_space<semaphore_mem>>) src(%dma_wait3A_775 : memref<128x128xf32, #tpu.memory_space<vmem>>) dst(%dma_wait3A_771 : memref<128x128xf32, #tpu.memory_space<hbm>>)
    %dma_start3A_776 = arith.constant 0 : i32
    %dma_start3A_777 = arith.constant 0 : i32
    %dma_start3A_778 = arith.constant 0 : i32
    %dma_start3A_779 = arith.constant 0 : i32
    %dma_start3A_780 = tpu.memref_slice %arg14[%dma_start3A_777, %dma_start3A_778, %dma_start3A_779] : memref<4x128x128xf32, #tpu.memory_space<vmem>> -> memref<1x128x128xf32, #tpu.memory_space<vmem>>
    %dma_start3A_781 = tpu.memref_squeeze %dma_start3A_780 : memref<1x128x128xf32, #tpu.memory_space<vmem>> -> memref<128x128xf32, #tpu.memory_space<vmem>>
    %dma_start3A_782 = arith.constant 0 : i32
    %dma_start3A_783 = tpu.memref_slice %arg11[%dma_start3A_776, %dma_start3A_782] : memref<4x128xi32, #tpu.memory_space<vmem>> -> memref<1x128xi32, #tpu.memory_space<vmem>>
    %dma_start3A_784 = tpu.memref_squeeze %dma_start3A_783 : memref<1x128xi32, #tpu.memory_space<vmem>> -> memref<128xi32, #tpu.memory_space<vmem>>
    %dma_start3A_785 = arith.constant 0 : i32
    %dma_start3A_786 = arith.constant 0 : i32
    %dma_start3A_787 = tpu.memref_slice %arg3[%dma_start3A_785, %dma_start3A_786] : memref<100000x128xf32, #tpu.memory_space<hbm>> -> memref<100000x128xf32, #tpu.memory_space<hbm>>
    tpu.enqueue_indirect_dma source(%dma_start3A_787 : memref<100000x128xf32, #tpu.memory_space<hbm>>) target(%dma_start3A_781 : memref<128x128xf32, #tpu.memory_space<vmem>>) offsets(%dma_start3A_784 : memref<128xi32, #tpu.memory_space<vmem>>) semaphore(%arg15 : memref<!tpu.dma_semaphore, #tpu.memory_space<semaphore_mem>>)
    %dma_wait3A_788 = arith.constant 1 : i32
    %dma_wait3A_789 = arith.constant 1 : i32
    %dma_wait3A_790 = arith.constant 0 : i32
    %dma_wait3A_791 = arith.constant 0 : i32
    %dma_wait3A_792 = tpu.memref_slice %arg14[%dma_wait3A_789, %dma_wait3A_790, %dma_wait3A_791] : memref<4x128x128xf32, #tpu.memory_space<vmem>> -> memref<1x128x128xf32, #tpu.memory_space<vmem>>
    %dma_wait3A_793 = tpu.memref_squeeze %dma_wait3A_792 : memref<1x128x128xf32, #tpu.memory_space<vmem>> -> memref<128x128xf32, #tpu.memory_space<vmem>>
    %dma_wait3A_794 = arith.constant 0 : i32
    %dma_wait3A_795 = tpu.memref_slice %arg10[%dma_wait3A_788, %dma_wait3A_794] : memref<4x128xi32, #tpu.memory_space<vmem>> -> memref<1x128xi32, #tpu.memory_space<vmem>>
    %dma_wait3A_796 = tpu.memref_squeeze %dma_wait3A_795 : memref<1x128xi32, #tpu.memory_space<vmem>> -> memref<128xi32, #tpu.memory_space<vmem>>
    %dma_wait3A_797 = arith.constant 0 : i32
    %dma_wait3A_798 = arith.constant 0 : i32
    %dma_wait3A_799 = tpu.memref_slice %arg2[%dma_wait3A_797, %dma_wait3A_798] : memref<100000x128xf32, #tpu.memory_space<hbm>> -> memref<100000x128xf32, #tpu.memory_space<hbm>>
    tpu.wait_indirect_dma semaphore(%arg16 : memref<!tpu.dma_semaphore, #tpu.memory_space<semaphore_mem>>) src(%dma_wait3A_799 : memref<100000x128xf32, #tpu.memory_space<hbm>>) dst(%dma_wait3A_793 : memref<128x128xf32, #tpu.memory_space<vmem>>)
    %dma_start3A_800 = arith.constant 1 : i32
    %dma_start3A_801 = arith.constant 0 : i32
    %dma_start3A_802 = arith.constant 0 : i32
    %dma_start3A_803 = tpu.memref_slice %arg14[%dma_start3A_800, %dma_start3A_801, %dma_start3A_802] : memref<4x128x128xf32, #tpu.memory_space<vmem>> -> memref<1x128x128xf32, #tpu.memory_space<vmem>>
    %dma_start3A_804 = tpu.memref_squeeze %dma_start3A_803 : memref<1x128x128xf32, #tpu.memory_space<vmem>> -> memref<128x128xf32, #tpu.memory_space<vmem>>
    %dma_start3A_805 = arith.constant 0 : i32
    %dma_start3A_806 = arith.constant 0 : i32
    %dma_start3A_807 = tpu.memref_slice %arg7[%add3A_8, %dma_start3A_805, %dma_start3A_806] : memref<128x128x128xf32, #tpu.memory_space<hbm>> -> memref<1x128x128xf32, #tpu.memory_space<hbm>>
    %dma_start3A_808 = tpu.memref_squeeze %dma_start3A_807 : memref<1x128x128xf32, #tpu.memory_space<hbm>> -> memref<128x128xf32, #tpu.memory_space<hbm>>
    %dma_start3A_809 = arith.constant 0 : i32
    %dma_start3A_810 = arith.constant 0 : i32
    %dma_start3A_811 = tpu.memref_slice %arg7[%add3A_8, %dma_start3A_809, %dma_start3A_810] : memref<128x128x128xf32, #tpu.memory_space<hbm>> -> memref<1x128x128xf32, #tpu.memory_space<hbm>>
    %dma_start3A_812 = tpu.memref_squeeze %dma_start3A_811 : memref<1x128x128xf32, #tpu.memory_space<hbm>> -> memref<128x128xf32, #tpu.memory_space<hbm>>
    %dma_start3A_813 = arith.constant 0 : i32
    %dma_start3A_814 = arith.constant 0 : i32
    %dma_start3A_815 = tpu.memref_slice %arg14[%dma_start3A_800, %dma_start3A_813, %dma_start3A_814] : memref<4x128x128xf32, #tpu.memory_space<vmem>> -> memref<1x128x128xf32, #tpu.memory_space<vmem>>
    %dma_start3A_816 = tpu.memref_squeeze %dma_start3A_815 : memref<1x128x128xf32, #tpu.memory_space<vmem>> -> memref<128x128xf32, #tpu.memory_space<vmem>>
    tpu.enqueue_dma source(%dma_start3A_816 : memref<128x128xf32, #tpu.memory_space<vmem>>) target(%dma_start3A_812 : memref<128x128xf32, #tpu.memory_space<hbm>>) target_semaphore(%arg20 : memref<!tpu.dma_semaphore, #tpu.memory_space<semaphore_mem>>)
    %dma_wait3A_817 = arith.constant 1 : i32
    %dma_wait3A_818 = arith.constant 0 : i32
    %dma_wait3A_819 = arith.constant 0 : i32
    %dma_wait3A_820 = tpu.memref_slice %arg14[%dma_wait3A_817, %dma_wait3A_818, %dma_wait3A_819] : memref<4x128x128xf32, #tpu.memory_space<vmem>> -> memref<1x128x128xf32, #tpu.memory_space<vmem>>
    %dma_wait3A_821 = tpu.memref_squeeze %dma_wait3A_820 : memref<1x128x128xf32, #tpu.memory_space<vmem>> -> memref<128x128xf32, #tpu.memory_space<vmem>>
    %dma_wait3A_822 = arith.constant 0 : i32
    %dma_wait3A_823 = arith.constant 0 : i32
    %dma_wait3A_824 = tpu.memref_slice %arg7[%add3A_8, %dma_wait3A_822, %dma_wait3A_823] : memref<128x128x128xf32, #tpu.memory_space<hbm>> -> memref<1x128x128xf32, #tpu.memory_space<hbm>>
    %dma_wait3A_825 = tpu.memref_squeeze %dma_wait3A_824 : memref<1x128x128xf32, #tpu.memory_space<hbm>> -> memref<128x128xf32, #tpu.memory_space<hbm>>
    %dma_wait3A_826 = arith.constant 0 : i32
    %dma_wait3A_827 = arith.constant 0 : i32
    %dma_wait3A_828 = tpu.memref_slice %arg7[%add3A_8, %dma_wait3A_826, %dma_wait3A_827] : memref<128x128x128xf32, #tpu.memory_space<hbm>> -> memref<1x128x128xf32, #tpu.memory_space<hbm>>
    %dma_wait3A_829 = tpu.memref_squeeze %dma_wait3A_828 : memref<1x128x128xf32, #tpu.memory_space<hbm>> -> memref<128x128xf32, #tpu.memory_space<hbm>>
    %dma_wait3A_830 = arith.constant 0 : i32
    %dma_wait3A_831 = arith.constant 0 : i32
    %dma_wait3A_832 = tpu.memref_slice %arg14[%dma_wait3A_817, %dma_wait3A_830, %dma_wait3A_831] : memref<4x128x128xf32, #tpu.memory_space<vmem>> -> memref<1x128x128xf32, #tpu.memory_space<vmem>>
    %dma_wait3A_833 = tpu.memref_squeeze %dma_wait3A_832 : memref<1x128x128xf32, #tpu.memory_space<vmem>> -> memref<128x128xf32, #tpu.memory_space<vmem>>
    tpu.wait_dma2 semaphore(%arg20 : memref<!tpu.dma_semaphore, #tpu.memory_space<semaphore_mem>>) src(%dma_wait3A_833 : memref<128x128xf32, #tpu.memory_space<vmem>>) dst(%dma_wait3A_829 : memref<128x128xf32, #tpu.memory_space<hbm>>)
    %dma_start3A_834 = arith.constant 1 : i32
    %dma_start3A_835 = arith.constant 1 : i32
    %dma_start3A_836 = arith.constant 0 : i32
    %dma_start3A_837 = arith.constant 0 : i32
    %dma_start3A_838 = tpu.memref_slice %arg14[%dma_start3A_835, %dma_start3A_836, %dma_start3A_837] : memref<4x128x128xf32, #tpu.memory_space<vmem>> -> memref<1x128x128xf32, #tpu.memory_space<vmem>>
    %dma_start3A_839 = tpu.memref_squeeze %dma_start3A_838 : memref<1x128x128xf32, #tpu.memory_space<vmem>> -> memref<128x128xf32, #tpu.memory_space<vmem>>
    %dma_start3A_840 = arith.constant 0 : i32
    %dma_start3A_841 = tpu.memref_slice %arg11[%dma_start3A_834, %dma_start3A_840] : memref<4x128xi32, #tpu.memory_space<vmem>> -> memref<1x128xi32, #tpu.memory_space<vmem>>
    %dma_start3A_842 = tpu.memref_squeeze %dma_start3A_841 : memref<1x128xi32, #tpu.memory_space<vmem>> -> memref<128xi32, #tpu.memory_space<vmem>>
    %dma_start3A_843 = arith.constant 0 : i32
    %dma_start3A_844 = arith.constant 0 : i32
    %dma_start3A_845 = tpu.memref_slice %arg3[%dma_start3A_843, %dma_start3A_844] : memref<100000x128xf32, #tpu.memory_space<hbm>> -> memref<100000x128xf32, #tpu.memory_space<hbm>>
    tpu.enqueue_indirect_dma source(%dma_start3A_845 : memref<100000x128xf32, #tpu.memory_space<hbm>>) target(%dma_start3A_839 : memref<128x128xf32, #tpu.memory_space<vmem>>) offsets(%dma_start3A_842 : memref<128xi32, #tpu.memory_space<vmem>>) semaphore(%arg16 : memref<!tpu.dma_semaphore, #tpu.memory_space<semaphore_mem>>)
    %dma_wait3A_846 = arith.constant 2 : i32
    %dma_wait3A_847 = arith.constant 2 : i32
    %dma_wait3A_848 = arith.constant 0 : i32
    %dma_wait3A_849 = arith.constant 0 : i32
    %dma_wait3A_850 = tpu.memref_slice %arg14[%dma_wait3A_847, %dma_wait3A_848, %dma_wait3A_849] : memref<4x128x128xf32, #tpu.memory_space<vmem>> -> memref<1x128x128xf32, #tpu.memory_space<vmem>>
    %dma_wait3A_851 = tpu.memref_squeeze %dma_wait3A_850 : memref<1x128x128xf32, #tpu.memory_space<vmem>> -> memref<128x128xf32, #tpu.memory_space<vmem>>
    %dma_wait3A_852 = arith.constant 0 : i32
    %dma_wait3A_853 = tpu.memref_slice %arg10[%dma_wait3A_846, %dma_wait3A_852] : memref<4x128xi32, #tpu.memory_space<vmem>> -> memref<1x128xi32, #tpu.memory_space<vmem>>
    %dma_wait3A_854 = tpu.memref_squeeze %dma_wait3A_853 : memref<1x128xi32, #tpu.memory_space<vmem>> -> memref<128xi32, #tpu.memory_space<vmem>>
    %dma_wait3A_855 = arith.constant 0 : i32
    %dma_wait3A_856 = arith.constant 0 : i32
    %dma_wait3A_857 = tpu.memref_slice %arg2[%dma_wait3A_855, %dma_wait3A_856] : memref<100000x128xf32, #tpu.memory_space<hbm>> -> memref<100000x128xf32, #tpu.memory_space<hbm>>
    tpu.wait_indirect_dma semaphore(%arg17 : memref<!tpu.dma_semaphore, #tpu.memory_space<semaphore_mem>>) src(%dma_wait3A_857 : memref<100000x128xf32, #tpu.memory_space<hbm>>) dst(%dma_wait3A_851 : memref<128x128xf32, #tpu.memory_space<vmem>>)
    %dma_start3A_858 = arith.constant 2 : i32
    %dma_start3A_859 = arith.constant 0 : i32
    %dma_start3A_860 = arith.constant 0 : i32
    %dma_start3A_861 = tpu.memref_slice %arg14[%dma_start3A_858, %dma_start3A_859, %dma_start3A_860] : memref<4x128x128xf32, #tpu.memory_space<vmem>> -> memref<1x128x128xf32, #tpu.memory_space<vmem>>
    %dma_start3A_862 = tpu.memref_squeeze %dma_start3A_861 : memref<1x128x128xf32, #tpu.memory_space<vmem>> -> memref<128x128xf32, #tpu.memory_space<vmem>>
    %dma_start3A_863 = arith.constant 0 : i32
    %dma_start3A_864 = arith.constant 0 : i32
    %dma_start3A_865 = tpu.memref_slice %arg7[%add3A_12, %dma_start3A_863, %dma_start3A_864] : memref<128x128x128xf32, #tpu.memory_space<hbm>> -> memref<1x128x128xf32, #tpu.memory_space<hbm>>
    %dma_start3A_866 = tpu.memref_squeeze %dma_start3A_865 : memref<1x128x128xf32, #tpu.memory_space<hbm>> -> memref<128x128xf32, #tpu.memory_space<hbm>>
    %dma_start3A_867 = arith.constant 0 : i32
    %dma_start3A_868 = arith.constant 0 : i32
    %dma_start3A_869 = tpu.memref_slice %arg7[%add3A_12, %dma_start3A_867, %dma_start3A_868] : memref<128x128x128xf32, #tpu.memory_space<hbm>> -> memref<1x128x128xf32, #tpu.memory_space<hbm>>
    %dma_start3A_870 = tpu.memref_squeeze %dma_start3A_869 : memref<1x128x128xf32, #tpu.memory_space<hbm>> -> memref<128x128xf32, #tpu.memory_space<hbm>>
    %dma_start3A_871 = arith.constant 0 : i32
    %dma_start3A_872 = arith.constant 0 : i32
    %dma_start3A_873 = tpu.memref_slice %arg14[%dma_start3A_858, %dma_start3A_871, %dma_start3A_872] : memref<4x128x128xf32, #tpu.memory_space<vmem>> -> memref<1x128x128xf32, #tpu.memory_space<vmem>>
    %dma_start3A_874 = tpu.memref_squeeze %dma_start3A_873 : memref<1x128x128xf32, #tpu.memory_space<vmem>> -> memref<128x128xf32, #tpu.memory_space<vmem>>
    tpu.enqueue_dma source(%dma_start3A_874 : memref<128x128xf32, #tpu.memory_space<vmem>>) target(%dma_start3A_870 : memref<128x128xf32, #tpu.memory_space<hbm>>) target_semaphore(%arg21 : memref<!tpu.dma_semaphore, #tpu.memory_space<semaphore_mem>>)
    %dma_wait3A_875 = arith.constant 2 : i32
    %dma_wait3A_876 = arith.constant 0 : i32
    %dma_wait3A_877 = arith.constant 0 : i32
    %dma_wait3A_878 = tpu.memref_slice %arg14[%dma_wait3A_875, %dma_wait3A_876, %dma_wait3A_877] : memref<4x128x128xf32, #tpu.memory_space<vmem>> -> memref<1x128x128xf32, #tpu.memory_space<vmem>>
    %dma_wait3A_879 = tpu.memref_squeeze %dma_wait3A_878 : memref<1x128x128xf32, #tpu.memory_space<vmem>> -> memref<128x128xf32, #tpu.memory_space<vmem>>
    %dma_wait3A_880 = arith.constant 0 : i32
    %dma_wait3A_881 = arith.constant 0 : i32
    %dma_wait3A_882 = tpu.memref_slice %arg7[%add3A_12, %dma_wait3A_880, %dma_wait3A_881] : memref<128x128x128xf32, #tpu.memory_space<hbm>> -> memref<1x128x128xf32, #tpu.memory_space<hbm>>
    %dma_wait3A_883 = tpu.memref_squeeze %dma_wait3A_882 : memref<1x128x128xf32, #tpu.memory_space<hbm>> -> memref<128x128xf32, #tpu.memory_space<hbm>>
    %dma_wait3A_884 = arith.constant 0 : i32
    %dma_wait3A_885 = arith.constant 0 : i32
    %dma_wait3A_886 = tpu.memref_slice %arg7[%add3A_12, %dma_wait3A_884, %dma_wait3A_885] : memref<128x128x128xf32, #tpu.memory_space<hbm>> -> memref<1x128x128xf32, #tpu.memory_space<hbm>>
    %dma_wait3A_887 = tpu.memref_squeeze %dma_wait3A_886 : memref<1x128x128xf32, #tpu.memory_space<hbm>> -> memref<128x128xf32, #tpu.memory_space<hbm>>
    %dma_wait3A_888 = arith.constant 0 : i32
    %dma_wait3A_889 = arith.constant 0 : i32
    %dma_wait3A_890 = tpu.memref_slice %arg14[%dma_wait3A_875, %dma_wait3A_888, %dma_wait3A_889] : memref<4x128x128xf32, #tpu.memory_space<vmem>> -> memref<1x128x128xf32, #tpu.memory_space<vmem>>
    %dma_wait3A_891 = tpu.memref_squeeze %dma_wait3A_890 : memref<1x128x128xf32, #tpu.memory_space<vmem>> -> memref<128x128xf32, #tpu.memory_space<vmem>>
    tpu.wait_dma2 semaphore(%arg21 : memref<!tpu.dma_semaphore, #tpu.memory_space<semaphore_mem>>) src(%dma_wait3A_891 : memref<128x128xf32, #tpu.memory_space<vmem>>) dst(%dma_wait3A_887 : memref<128x128xf32, #tpu.memory_space<hbm>>)
    %dma_start3A_892 = arith.constant 2 : i32
    %dma_start3A_893 = arith.constant 2 : i32
    %dma_start3A_894 = arith.constant 0 : i32
    %dma_start3A_895 = arith.constant 0 : i32
    %dma_start3A_896 = tpu.memref_slice %arg14[%dma_start3A_893, %dma_start3A_894, %dma_start3A_895] : memref<4x128x128xf32, #tpu.memory_space<vmem>> -> memref<1x128x128xf32, #tpu.memory_space<vmem>>
    %dma_start3A_897 = tpu.memref_squeeze %dma_start3A_896 : memref<1x128x128xf32, #tpu.memory_space<vmem>> -> memref<128x128xf32, #tpu.memory_space<vmem>>
    %dma_start3A_898 = arith.constant 0 : i32
    %dma_start3A_899 = tpu.memref_slice %arg11[%dma_start3A_892, %dma_start3A_898] : memref<4x128xi32, #tpu.memory_space<vmem>> -> memref<1x128xi32, #tpu.memory_space<vmem>>
    %dma_start3A_900 = tpu.memref_squeeze %dma_start3A_899 : memref<1x128xi32, #tpu.memory_space<vmem>> -> memref<128xi32, #tpu.memory_space<vmem>>
    %dma_start3A_901 = arith.constant 0 : i32
    %dma_start3A_902 = arith.constant 0 : i32
    %dma_start3A_903 = tpu.memref_slice %arg3[%dma_start3A_901, %dma_start3A_902] : memref<100000x128xf32, #tpu.memory_space<hbm>> -> memref<100000x128xf32, #tpu.memory_space<hbm>>
    tpu.enqueue_indirect_dma source(%dma_start3A_903 : memref<100000x128xf32, #tpu.memory_space<hbm>>) target(%dma_start3A_897 : memref<128x128xf32, #tpu.memory_space<vmem>>) offsets(%dma_start3A_900 : memref<128xi32, #tpu.memory_space<vmem>>) semaphore(%arg17 : memref<!tpu.dma_semaphore, #tpu.memory_space<semaphore_mem>>)
    %dma_wait3A_904 = arith.constant 3 : i32
    %dma_wait3A_905 = arith.constant 3 : i32
    %dma_wait3A_906 = arith.constant 0 : i32
    %dma_wait3A_907 = arith.constant 0 : i32
    %dma_wait3A_908 = tpu.memref_slice %arg14[%dma_wait3A_905, %dma_wait3A_906, %dma_wait3A_907] : memref<4x128x128xf32, #tpu.memory_space<vmem>> -> memref<1x128x128xf32, #tpu.memory_space<vmem>>
    %dma_wait3A_909 = tpu.memref_squeeze %dma_wait3A_908 : memref<1x128x128xf32, #tpu.memory_space<vmem>> -> memref<128x128xf32, #tpu.memory_space<vmem>>
    %dma_wait3A_910 = arith.constant 0 : i32
    %dma_wait3A_911 = tpu.memref_slice %arg10[%dma_wait3A_904, %dma_wait3A_910] : memref<4x128xi32, #tpu.memory_space<vmem>> -> memref<1x128xi32, #tpu.memory_space<vmem>>
    %dma_wait3A_912 = tpu.memref_squeeze %dma_wait3A_911 : memref<1x128xi32, #tpu.memory_space<vmem>> -> memref<128xi32, #tpu.memory_space<vmem>>
    %dma_wait3A_913 = arith.constant 0 : i32
    %dma_wait3A_914 = arith.constant 0 : i32
    %dma_wait3A_915 = tpu.memref_slice %arg2[%dma_wait3A_913, %dma_wait3A_914] : memref<100000x128xf32, #tpu.memory_space<hbm>> -> memref<100000x128xf32, #tpu.memory_space<hbm>>
    tpu.wait_indirect_dma semaphore(%arg18 : memref<!tpu.dma_semaphore, #tpu.memory_space<semaphore_mem>>) src(%dma_wait3A_915 : memref<100000x128xf32, #tpu.memory_space<hbm>>) dst(%dma_wait3A_909 : memref<128x128xf32, #tpu.memory_space<vmem>>)
    %dma_start3A_916 = arith.constant 3 : i32
    %dma_start3A_917 = arith.constant 0 : i32
    %dma_start3A_918 = arith.constant 0 : i32
    %dma_start3A_919 = tpu.memref_slice %arg14[%dma_start3A_916, %dma_start3A_917, %dma_start3A_918] : memref<4x128x128xf32, #tpu.memory_space<vmem>> -> memref<1x128x128xf32, #tpu.memory_space<vmem>>
    %dma_start3A_920 = tpu.memref_squeeze %dma_start3A_919 : memref<1x128x128xf32, #tpu.memory_space<vmem>> -> memref<128x128xf32, #tpu.memory_space<vmem>>
    %dma_start3A_921 = arith.constant 0 : i32
    %dma_start3A_922 = arith.constant 0 : i32
    %dma_start3A_923 = tpu.memref_slice %arg7[%add3A_16, %dma_start3A_921, %dma_start3A_922] : memref<128x128x128xf32, #tpu.memory_space<hbm>> -> memref<1x128x128xf32, #tpu.memory_space<hbm>>
    %dma_start3A_924 = tpu.memref_squeeze %dma_start3A_923 : memref<1x128x128xf32, #tpu.memory_space<hbm>> -> memref<128x128xf32, #tpu.memory_space<hbm>>
    %dma_start3A_925 = arith.constant 0 : i32
    %dma_start3A_926 = arith.constant 0 : i32
    %dma_start3A_927 = tpu.memref_slice %arg7[%add3A_16, %dma_start3A_925, %dma_start3A_926] : memref<128x128x128xf32, #tpu.memory_space<hbm>> -> memref<1x128x128xf32, #tpu.memory_space<hbm>>
    %dma_start3A_928 = tpu.memref_squeeze %dma_start3A_927 : memref<1x128x128xf32, #tpu.memory_space<hbm>> -> memref<128x128xf32, #tpu.memory_space<hbm>>
    %dma_start3A_929 = arith.constant 0 : i32
    %dma_start3A_930 = arith.constant 0 : i32
    %dma_start3A_931 = tpu.memref_slice %arg14[%dma_start3A_916, %dma_start3A_929, %dma_start3A_930] : memref<4x128x128xf32, #tpu.memory_space<vmem>> -> memref<1x128x128xf32, #tpu.memory_space<vmem>>
    %dma_start3A_932 = tpu.memref_squeeze %dma_start3A_931 : memref<1x128x128xf32, #tpu.memory_space<vmem>> -> memref<128x128xf32, #tpu.memory_space<vmem>>
    tpu.enqueue_dma source(%dma_start3A_932 : memref<128x128xf32, #tpu.memory_space<vmem>>) target(%dma_start3A_928 : memref<128x128xf32, #tpu.memory_space<hbm>>) target_semaphore(%arg22 : memref<!tpu.dma_semaphore, #tpu.memory_space<semaphore_mem>>)
    %dma_wait3A_933 = arith.constant 3 : i32
    %dma_wait3A_934 = arith.constant 0 : i32
    %dma_wait3A_935 = arith.constant 0 : i32
    %dma_wait3A_936 = tpu.memref_slice %arg14[%dma_wait3A_933, %dma_wait3A_934, %dma_wait3A_935] : memref<4x128x128xf32, #tpu.memory_space<vmem>> -> memref<1x128x128xf32, #tpu.memory_space<vmem>>
    %dma_wait3A_937 = tpu.memref_squeeze %dma_wait3A_936 : memref<1x128x128xf32, #tpu.memory_space<vmem>> -> memref<128x128xf32, #tpu.memory_space<vmem>>
    %dma_wait3A_938 = arith.constant 0 : i32
    %dma_wait3A_939 = arith.constant 0 : i32
    %dma_wait3A_940 = tpu.memref_slice %arg7[%add3A_16, %dma_wait3A_938, %dma_wait3A_939] : memref<128x128x128xf32, #tpu.memory_space<hbm>> -> memref<1x128x128xf32, #tpu.memory_space<hbm>>
    %dma_wait3A_941 = tpu.memref_squeeze %dma_wait3A_940 : memref<1x128x128xf32, #tpu.memory_space<hbm>> -> memref<128x128xf32, #tpu.memory_space<hbm>>
    %dma_wait3A_942 = arith.constant 0 : i32
    %dma_wait3A_943 = arith.constant 0 : i32
    %dma_wait3A_944 = tpu.memref_slice %arg7[%add3A_16, %dma_wait3A_942, %dma_wait3A_943] : memref<128x128x128xf32, #tpu.memory_space<hbm>> -> memref<1x128x128xf32, #tpu.memory_space<hbm>>
    %dma_wait3A_945 = tpu.memref_squeeze %dma_wait3A_944 : memref<1x128x128xf32, #tpu.memory_space<hbm>> -> memref<128x128xf32, #tpu.memory_space<hbm>>
    %dma_wait3A_946 = arith.constant 0 : i32
    %dma_wait3A_947 = arith.constant 0 : i32
    %dma_wait3A_948 = tpu.memref_slice %arg14[%dma_wait3A_933, %dma_wait3A_946, %dma_wait3A_947] : memref<4x128x128xf32, #tpu.memory_space<vmem>> -> memref<1x128x128xf32, #tpu.memory_space<vmem>>
    %dma_wait3A_949 = tpu.memref_squeeze %dma_wait3A_948 : memref<1x128x128xf32, #tpu.memory_space<vmem>> -> memref<128x128xf32, #tpu.memory_space<vmem>>
    tpu.wait_dma2 semaphore(%arg22 : memref<!tpu.dma_semaphore, #tpu.memory_space<semaphore_mem>>) src(%dma_wait3A_949 : memref<128x128xf32, #tpu.memory_space<vmem>>) dst(%dma_wait3A_945 : memref<128x128xf32, #tpu.memory_space<hbm>>)
    %dma_start3A_950 = arith.constant 3 : i32
    %dma_start3A_951 = arith.constant 3 : i32
    %dma_start3A_952 = arith.constant 0 : i32
    %dma_start3A_953 = arith.constant 0 : i32
    %dma_start3A_954 = tpu.memref_slice %arg14[%dma_start3A_951, %dma_start3A_952, %dma_start3A_953] : memref<4x128x128xf32, #tpu.memory_space<vmem>> -> memref<1x128x128xf32, #tpu.memory_space<vmem>>
    %dma_start3A_955 = tpu.memref_squeeze %dma_start3A_954 : memref<1x128x128xf32, #tpu.memory_space<vmem>> -> memref<128x128xf32, #tpu.memory_space<vmem>>
    %dma_start3A_956 = arith.constant 0 : i32
    %dma_start3A_957 = tpu.memref_slice %arg11[%dma_start3A_950, %dma_start3A_956] : memref<4x128xi32, #tpu.memory_space<vmem>> -> memref<1x128xi32, #tpu.memory_space<vmem>>
    %dma_start3A_958 = tpu.memref_squeeze %dma_start3A_957 : memref<1x128xi32, #tpu.memory_space<vmem>> -> memref<128xi32, #tpu.memory_space<vmem>>
    %dma_start3A_959 = arith.constant 0 : i32
    %dma_start3A_960 = arith.constant 0 : i32
    %dma_start3A_961 = tpu.memref_slice %arg3[%dma_start3A_959, %dma_start3A_960] : memref<100000x128xf32, #tpu.memory_space<hbm>> -> memref<100000x128xf32, #tpu.memory_space<hbm>>
    tpu.enqueue_indirect_dma source(%dma_start3A_961 : memref<100000x128xf32, #tpu.memory_space<hbm>>) target(%dma_start3A_955 : memref<128x128xf32, #tpu.memory_space<vmem>>) offsets(%dma_start3A_958 : memref<128xi32, #tpu.memory_space<vmem>>) semaphore(%arg18 : memref<!tpu.dma_semaphore, #tpu.memory_space<semaphore_mem>>)
    %dma_wait3A_962 = arith.constant 0 : i32
    %dma_wait3A_963 = arith.constant 0 : i32
    %dma_wait3A_964 = arith.constant 0 : i32
    %dma_wait3A_965 = arith.constant 0 : i32
    %dma_wait3A_966 = tpu.memref_slice %arg14[%dma_wait3A_963, %dma_wait3A_964, %dma_wait3A_965] : memref<4x128x128xf32, #tpu.memory_space<vmem>> -> memref<1x128x128xf32, #tpu.memory_space<vmem>>
    %dma_wait3A_967 = tpu.memref_squeeze %dma_wait3A_966 : memref<1x128x128xf32, #tpu.memory_space<vmem>> -> memref<128x128xf32, #tpu.memory_space<vmem>>
    %dma_wait3A_968 = arith.constant 0 : i32
    %dma_wait3A_969 = tpu.memref_slice %arg11[%dma_wait3A_962, %dma_wait3A_968] : memref<4x128xi32, #tpu.memory_space<vmem>> -> memref<1x128xi32, #tpu.memory_space<vmem>>
    %dma_wait3A_970 = tpu.memref_squeeze %dma_wait3A_969 : memref<1x128xi32, #tpu.memory_space<vmem>> -> memref<128xi32, #tpu.memory_space<vmem>>
    %dma_wait3A_971 = arith.constant 0 : i32
    %dma_wait3A_972 = arith.constant 0 : i32
    %dma_wait3A_973 = tpu.memref_slice %arg3[%dma_wait3A_971, %dma_wait3A_972] : memref<100000x128xf32, #tpu.memory_space<hbm>> -> memref<100000x128xf32, #tpu.memory_space<hbm>>
    tpu.wait_indirect_dma semaphore(%arg15 : memref<!tpu.dma_semaphore, #tpu.memory_space<semaphore_mem>>) src(%dma_wait3A_973 : memref<100000x128xf32, #tpu.memory_space<hbm>>) dst(%dma_wait3A_967 : memref<128x128xf32, #tpu.memory_space<vmem>>)
    %dma_start3A_974 = arith.constant 0 : i32
    %dma_start3A_975 = arith.constant 0 : i32
    %dma_start3A_976 = arith.constant 0 : i32
    %dma_start3A_977 = tpu.memref_slice %arg14[%dma_start3A_974, %dma_start3A_975, %dma_start3A_976] : memref<4x128x128xf32, #tpu.memory_space<vmem>> -> memref<1x128x128xf32, #tpu.memory_space<vmem>>
    %dma_start3A_978 = tpu.memref_squeeze %dma_start3A_977 : memref<1x128x128xf32, #tpu.memory_space<vmem>> -> memref<128x128xf32, #tpu.memory_space<vmem>>
    %dma_start3A_979 = arith.constant 0 : i32
    %dma_start3A_980 = arith.constant 0 : i32
    %dma_start3A_981 = tpu.memref_slice %arg8[%add3A_20, %dma_start3A_979, %dma_start3A_980] : memref<128x128x128xf32, #tpu.memory_space<hbm>> -> memref<1x128x128xf32, #tpu.memory_space<hbm>>
    %dma_start3A_982 = tpu.memref_squeeze %dma_start3A_981 : memref<1x128x128xf32, #tpu.memory_space<hbm>> -> memref<128x128xf32, #tpu.memory_space<hbm>>
    %dma_start3A_983 = arith.constant 0 : i32
    %dma_start3A_984 = arith.constant 0 : i32
    %dma_start3A_985 = tpu.memref_slice %arg8[%add3A_20, %dma_start3A_983, %dma_start3A_984] : memref<128x128x128xf32, #tpu.memory_space<hbm>> -> memref<1x128x128xf32, #tpu.memory_space<hbm>>
    %dma_start3A_986 = tpu.memref_squeeze %dma_start3A_985 : memref<1x128x128xf32, #tpu.memory_space<hbm>> -> memref<128x128xf32, #tpu.memory_space<hbm>>
    %dma_start3A_987 = arith.constant 0 : i32
    %dma_start3A_988 = arith.constant 0 : i32
    %dma_start3A_989 = tpu.memref_slice %arg14[%dma_start3A_974, %dma_start3A_987, %dma_start3A_988] : memref<4x128x128xf32, #tpu.memory_space<vmem>> -> memref<1x128x128xf32, #tpu.memory_space<vmem>>
    %dma_start3A_990 = tpu.memref_squeeze %dma_start3A_989 : memref<1x128x128xf32, #tpu.memory_space<vmem>> -> memref<128x128xf32, #tpu.memory_space<vmem>>
    tpu.enqueue_dma source(%dma_start3A_990 : memref<128x128xf32, #tpu.memory_space<vmem>>) target(%dma_start3A_986 : memref<128x128xf32, #tpu.memory_space<hbm>>) target_semaphore(%arg19 : memref<!tpu.dma_semaphore, #tpu.memory_space<semaphore_mem>>)
    %dma_wait3A_991 = arith.constant 0 : i32
    %dma_wait3A_992 = arith.constant 0 : i32
    %dma_wait3A_993 = arith.constant 0 : i32
    %dma_wait3A_994 = tpu.memref_slice %arg14[%dma_wait3A_991, %dma_wait3A_992, %dma_wait3A_993] : memref<4x128x128xf32, #tpu.memory_space<vmem>> -> memref<1x128x128xf32, #tpu.memory_space<vmem>>
    %dma_wait3A_995 = tpu.memref_squeeze %dma_wait3A_994 : memref<1x128x128xf32, #tpu.memory_space<vmem>> -> memref<128x128xf32, #tpu.memory_space<vmem>>
    %dma_wait3A_996 = arith.constant 0 : i32
    %dma_wait3A_997 = arith.constant 0 : i32
    %dma_wait3A_998 = tpu.memref_slice %arg8[%add3A_20, %dma_wait3A_996, %dma_wait3A_997] : memref<128x128x128xf32, #tpu.memory_space<hbm>> -> memref<1x128x128xf32, #tpu.memory_space<hbm>>
    %dma_wait3A_999 = tpu.memref_squeeze %dma_wait3A_998 : memref<1x128x128xf32, #tpu.memory_space<hbm>> -> memref<128x128xf32, #tpu.memory_space<hbm>>
    %dma_wait3A_1000 = arith.constant 0 : i32
    %dma_wait3A_1001 = arith.constant 0 : i32
    %dma_wait3A_1002 = tpu.memref_slice %arg8[%add3A_20, %dma_wait3A_1000, %dma_wait3A_1001] : memref<128x128x128xf32, #tpu.memory_space<hbm>> -> memref<1x128x128xf32, #tpu.memory_space<hbm>>
    %dma_wait3A_1003 = tpu.memref_squeeze %dma_wait3A_1002 : memref<1x128x128xf32, #tpu.memory_space<hbm>> -> memref<128x128xf32, #tpu.memory_space<hbm>>
    %dma_wait3A_1004 = arith.constant 0 : i32
    %dma_wait3A_1005 = arith.constant 0 : i32
    %dma_wait3A_1006 = tpu.memref_slice %arg14[%dma_wait3A_991, %dma_wait3A_1004, %dma_wait3A_1005] : memref<4x128x128xf32, #tpu.memory_space<vmem>> -> memref<1x128x128xf32, #tpu.memory_space<vmem>>
    %dma_wait3A_1007 = tpu.memref_squeeze %dma_wait3A_1006 : memref<1x128x128xf32, #tpu.memory_space<vmem>> -> memref<128x128xf32, #tpu.memory_space<vmem>>
    tpu.wait_dma2 semaphore(%arg19 : memref<!tpu.dma_semaphore, #tpu.memory_space<semaphore_mem>>) src(%dma_wait3A_1007 : memref<128x128xf32, #tpu.memory_space<vmem>>) dst(%dma_wait3A_1003 : memref<128x128xf32, #tpu.memory_space<hbm>>)
    %dma_start3A_1008 = arith.constant 0 : i32
    %dma_start3A_1009 = arith.constant 0 : i32
    %dma_start3A_1010 = arith.constant 0 : i32
    %dma_start3A_1011 = tpu.memref_slice %arg14[%dma_start3A_1008, %dma_start3A_1009, %dma_start3A_1010] : memref<4x128x128xf32, #tpu.memory_space<vmem>> -> memref<1x128x128xf32, #tpu.memory_space<vmem>>
    %dma_start3A_1012 = tpu.memref_squeeze %dma_start3A_1011 : memref<1x128x128xf32, #tpu.memory_space<vmem>> -> memref<128x128xf32, #tpu.memory_space<vmem>>
    %dma_start3A_1013 = arith.constant 0 : i32
    %dma_start3A_1014 = tpu.memref_slice %arg13[%dma_start3A_1013] : memref<1536xi32, #tpu.memory_space<vmem>> -> memref<128xi32, #tpu.memory_space<vmem>>
    %dma_start3A_1015 = arith.constant 0 : i32
    %dma_start3A_1016 = arith.constant 0 : i32
    %dma_start3A_1017 = tpu.memref_slice %arg3[%dma_start3A_1015, %dma_start3A_1016] : memref<100000x128xf32, #tpu.memory_space<hbm>> -> memref<100000x128xf32, #tpu.memory_space<hbm>>
    tpu.enqueue_indirect_dma source(%dma_start3A_1017 : memref<100000x128xf32, #tpu.memory_space<hbm>>) target(%dma_start3A_1012 : memref<128x128xf32, #tpu.memory_space<vmem>>) offsets(%dma_start3A_1014 : memref<128xi32, #tpu.memory_space<vmem>>) semaphore(%arg15 : memref<!tpu.dma_semaphore, #tpu.memory_space<semaphore_mem>>)
    %dma_wait3A_1018 = arith.constant 1 : i32
    %dma_wait3A_1019 = arith.constant 1 : i32
    %dma_wait3A_1020 = arith.constant 0 : i32
    %dma_wait3A_1021 = arith.constant 0 : i32
    %dma_wait3A_1022 = tpu.memref_slice %arg14[%dma_wait3A_1019, %dma_wait3A_1020, %dma_wait3A_1021] : memref<4x128x128xf32, #tpu.memory_space<vmem>> -> memref<1x128x128xf32, #tpu.memory_space<vmem>>
    %dma_wait3A_1023 = tpu.memref_squeeze %dma_wait3A_1022 : memref<1x128x128xf32, #tpu.memory_space<vmem>> -> memref<128x128xf32, #tpu.memory_space<vmem>>
    %dma_wait3A_1024 = arith.constant 0 : i32
    %dma_wait3A_1025 = tpu.memref_slice %arg11[%dma_wait3A_1018, %dma_wait3A_1024] : memref<4x128xi32, #tpu.memory_space<vmem>> -> memref<1x128xi32, #tpu.memory_space<vmem>>
    %dma_wait3A_1026 = tpu.memref_squeeze %dma_wait3A_1025 : memref<1x128xi32, #tpu.memory_space<vmem>> -> memref<128xi32, #tpu.memory_space<vmem>>
    %dma_wait3A_1027 = arith.constant 0 : i32
    %dma_wait3A_1028 = arith.constant 0 : i32
    %dma_wait3A_1029 = tpu.memref_slice %arg3[%dma_wait3A_1027, %dma_wait3A_1028] : memref<100000x128xf32, #tpu.memory_space<hbm>> -> memref<100000x128xf32, #tpu.memory_space<hbm>>
    tpu.wait_indirect_dma semaphore(%arg16 : memref<!tpu.dma_semaphore, #tpu.memory_space<semaphore_mem>>) src(%dma_wait3A_1029 : memref<100000x128xf32, #tpu.memory_space<hbm>>) dst(%dma_wait3A_1023 : memref<128x128xf32, #tpu.memory_space<vmem>>)
    %dma_start3A_1030 = arith.constant 1 : i32
    %dma_start3A_1031 = arith.constant 0 : i32
    %dma_start3A_1032 = arith.constant 0 : i32
    %dma_start3A_1033 = tpu.memref_slice %arg14[%dma_start3A_1030, %dma_start3A_1031, %dma_start3A_1032] : memref<4x128x128xf32, #tpu.memory_space<vmem>> -> memref<1x128x128xf32, #tpu.memory_space<vmem>>
    %dma_start3A_1034 = tpu.memref_squeeze %dma_start3A_1033 : memref<1x128x128xf32, #tpu.memory_space<vmem>> -> memref<128x128xf32, #tpu.memory_space<vmem>>
    %dma_start3A_1035 = arith.constant 0 : i32
    %dma_start3A_1036 = arith.constant 0 : i32
    %dma_start3A_1037 = tpu.memref_slice %arg8[%add3A_24, %dma_start3A_1035, %dma_start3A_1036] : memref<128x128x128xf32, #tpu.memory_space<hbm>> -> memref<1x128x128xf32, #tpu.memory_space<hbm>>
    %dma_start3A_1038 = tpu.memref_squeeze %dma_start3A_1037 : memref<1x128x128xf32, #tpu.memory_space<hbm>> -> memref<128x128xf32, #tpu.memory_space<hbm>>
    %dma_start3A_1039 = arith.constant 0 : i32
    %dma_start3A_1040 = arith.constant 0 : i32
    %dma_start3A_1041 = tpu.memref_slice %arg8[%add3A_24, %dma_start3A_1039, %dma_start3A_1040] : memref<128x128x128xf32, #tpu.memory_space<hbm>> -> memref<1x128x128xf32, #tpu.memory_space<hbm>>
    %dma_start3A_1042 = tpu.memref_squeeze %dma_start3A_1041 : memref<1x128x128xf32, #tpu.memory_space<hbm>> -> memref<128x128xf32, #tpu.memory_space<hbm>>
    %dma_start3A_1043 = arith.constant 0 : i32
    %dma_start3A_1044 = arith.constant 0 : i32
    %dma_start3A_1045 = tpu.memref_slice %arg14[%dma_start3A_1030, %dma_start3A_1043, %dma_start3A_1044] : memref<4x128x128xf32, #tpu.memory_space<vmem>> -> memref<1x128x128xf32, #tpu.memory_space<vmem>>
    %dma_start3A_1046 = tpu.memref_squeeze %dma_start3A_1045 : memref<1x128x128xf32, #tpu.memory_space<vmem>> -> memref<128x128xf32, #tpu.memory_space<vmem>>
    tpu.enqueue_dma source(%dma_start3A_1046 : memref<128x128xf32, #tpu.memory_space<vmem>>) target(%dma_start3A_1042 : memref<128x128xf32, #tpu.memory_space<hbm>>) target_semaphore(%arg20 : memref<!tpu.dma_semaphore, #tpu.memory_space<semaphore_mem>>)
    %dma_wait3A_1047 = arith.constant 1 : i32
    %dma_wait3A_1048 = arith.constant 0 : i32
    %dma_wait3A_1049 = arith.constant 0 : i32
    %dma_wait3A_1050 = tpu.memref_slice %arg14[%dma_wait3A_1047, %dma_wait3A_1048, %dma_wait3A_1049] : memref<4x128x128xf32, #tpu.memory_space<vmem>> -> memref<1x128x128xf32, #tpu.memory_space<vmem>>
    %dma_wait3A_1051 = tpu.memref_squeeze %dma_wait3A_1050 : memref<1x128x128xf32, #tpu.memory_space<vmem>> -> memref<128x128xf32, #tpu.memory_space<vmem>>
    %dma_wait3A_1052 = arith.constant 0 : i32
    %dma_wait3A_1053 = arith.constant 0 : i32
    %dma_wait3A_1054 = tpu.memref_slice %arg8[%add3A_24, %dma_wait3A_1052, %dma_wait3A_1053] : memref<128x128x128xf32, #tpu.memory_space<hbm>> -> memref<1x128x128xf32, #tpu.memory_space<hbm>>
    %dma_wait3A_1055 = tpu.memref_squeeze %dma_wait3A_1054 : memref<1x128x128xf32, #tpu.memory_space<hbm>> -> memref<128x128xf32, #tpu.memory_space<hbm>>
    %dma_wait3A_1056 = arith.constant 0 : i32
    %dma_wait3A_1057 = arith.constant 0 : i32
    %dma_wait3A_1058 = tpu.memref_slice %arg8[%add3A_24, %dma_wait3A_1056, %dma_wait3A_1057] : memref<128x128x128xf32, #tpu.memory_space<hbm>> -> memref<1x128x128xf32, #tpu.memory_space<hbm>>
    %dma_wait3A_1059 = tpu.memref_squeeze %dma_wait3A_1058 : memref<1x128x128xf32, #tpu.memory_space<hbm>> -> memref<128x128xf32, #tpu.memory_space<hbm>>
    %dma_wait3A_1060 = arith.constant 0 : i32
    %dma_wait3A_1061 = arith.constant 0 : i32
    %dma_wait3A_1062 = tpu.memref_slice %arg14[%dma_wait3A_1047, %dma_wait3A_1060, %dma_wait3A_1061] : memref<4x128x128xf32, #tpu.memory_space<vmem>> -> memref<1x128x128xf32, #tpu.memory_space<vmem>>
    %dma_wait3A_1063 = tpu.memref_squeeze %dma_wait3A_1062 : memref<1x128x128xf32, #tpu.memory_space<vmem>> -> memref<128x128xf32, #tpu.memory_space<vmem>>
    tpu.wait_dma2 semaphore(%arg20 : memref<!tpu.dma_semaphore, #tpu.memory_space<semaphore_mem>>) src(%dma_wait3A_1063 : memref<128x128xf32, #tpu.memory_space<vmem>>) dst(%dma_wait3A_1059 : memref<128x128xf32, #tpu.memory_space<hbm>>)
    %dma_start3A_1064 = arith.constant 1 : i32
    %dma_start3A_1065 = arith.constant 0 : i32
    %dma_start3A_1066 = arith.constant 0 : i32
    %dma_start3A_1067 = tpu.memref_slice %arg14[%dma_start3A_1064, %dma_start3A_1065, %dma_start3A_1066] : memref<4x128x128xf32, #tpu.memory_space<vmem>> -> memref<1x128x128xf32, #tpu.memory_space<vmem>>
    %dma_start3A_1068 = tpu.memref_squeeze %dma_start3A_1067 : memref<1x128x128xf32, #tpu.memory_space<vmem>> -> memref<128x128xf32, #tpu.memory_space<vmem>>
    %dma_start3A_1069 = arith.constant 128 : i32
    %dma_start3A_1070 = tpu.memref_slice %arg13[%dma_start3A_1069] : memref<1536xi32, #tpu.memory_space<vmem>> -> memref<128xi32, #tpu.memory_space<vmem>>
    %dma_start3A_1071 = arith.constant 0 : i32
    %dma_start3A_1072 = arith.constant 0 : i32
    %dma_start3A_1073 = tpu.memref_slice %arg3[%dma_start3A_1071, %dma_start3A_1072] : memref<100000x128xf32, #tpu.memory_space<hbm>> -> memref<100000x128xf32, #tpu.memory_space<hbm>>
    tpu.enqueue_indirect_dma source(%dma_start3A_1073 : memref<100000x128xf32, #tpu.memory_space<hbm>>) target(%dma_start3A_1068 : memref<128x128xf32, #tpu.memory_space<vmem>>) offsets(%dma_start3A_1070 : memref<128xi32, #tpu.memory_space<vmem>>) semaphore(%arg16 : memref<!tpu.dma_semaphore, #tpu.memory_space<semaphore_mem>>)
    %dma_wait3A_1074 = arith.constant 2 : i32
    %dma_wait3A_1075 = arith.constant 2 : i32
    %dma_wait3A_1076 = arith.constant 0 : i32
    %dma_wait3A_1077 = arith.constant 0 : i32
    %dma_wait3A_1078 = tpu.memref_slice %arg14[%dma_wait3A_1075, %dma_wait3A_1076, %dma_wait3A_1077] : memref<4x128x128xf32, #tpu.memory_space<vmem>> -> memref<1x128x128xf32, #tpu.memory_space<vmem>>
    %dma_wait3A_1079 = tpu.memref_squeeze %dma_wait3A_1078 : memref<1x128x128xf32, #tpu.memory_space<vmem>> -> memref<128x128xf32, #tpu.memory_space<vmem>>
    %dma_wait3A_1080 = arith.constant 0 : i32
    %dma_wait3A_1081 = tpu.memref_slice %arg11[%dma_wait3A_1074, %dma_wait3A_1080] : memref<4x128xi32, #tpu.memory_space<vmem>> -> memref<1x128xi32, #tpu.memory_space<vmem>>
    %dma_wait3A_1082 = tpu.memref_squeeze %dma_wait3A_1081 : memref<1x128xi32, #tpu.memory_space<vmem>> -> memref<128xi32, #tpu.memory_space<vmem>>
    %dma_wait3A_1083 = arith.constant 0 : i32
    %dma_wait3A_1084 = arith.constant 0 : i32
    %dma_wait3A_1085 = tpu.memref_slice %arg3[%dma_wait3A_1083, %dma_wait3A_1084] : memref<100000x128xf32, #tpu.memory_space<hbm>> -> memref<100000x128xf32, #tpu.memory_space<hbm>>
    tpu.wait_indirect_dma semaphore(%arg17 : memref<!tpu.dma_semaphore, #tpu.memory_space<semaphore_mem>>) src(%dma_wait3A_1085 : memref<100000x128xf32, #tpu.memory_space<hbm>>) dst(%dma_wait3A_1079 : memref<128x128xf32, #tpu.memory_space<vmem>>)
    %dma_start3A_1086 = arith.constant 2 : i32
    %dma_start3A_1087 = arith.constant 0 : i32
    %dma_start3A_1088 = arith.constant 0 : i32
    %dma_start3A_1089 = tpu.memref_slice %arg14[%dma_start3A_1086, %dma_start3A_1087, %dma_start3A_1088] : memref<4x128x128xf32, #tpu.memory_space<vmem>> -> memref<1x128x128xf32, #tpu.memory_space<vmem>>
    %dma_start3A_1090 = tpu.memref_squeeze %dma_start3A_1089 : memref<1x128x128xf32, #tpu.memory_space<vmem>> -> memref<128x128xf32, #tpu.memory_space<vmem>>
    %dma_start3A_1091 = arith.constant 0 : i32
    %dma_start3A_1092 = arith.constant 0 : i32
    %dma_start3A_1093 = tpu.memref_slice %arg8[%add3A_28, %dma_start3A_1091, %dma_start3A_1092] : memref<128x128x128xf32, #tpu.memory_space<hbm>> -> memref<1x128x128xf32, #tpu.memory_space<hbm>>
    %dma_start3A_1094 = tpu.memref_squeeze %dma_start3A_1093 : memref<1x128x128xf32, #tpu.memory_space<hbm>> -> memref<128x128xf32, #tpu.memory_space<hbm>>
    %dma_start3A_1095 = arith.constant 0 : i32
    %dma_start3A_1096 = arith.constant 0 : i32
    %dma_start3A_1097 = tpu.memref_slice %arg8[%add3A_28, %dma_start3A_1095, %dma_start3A_1096] : memref<128x128x128xf32, #tpu.memory_space<hbm>> -> memref<1x128x128xf32, #tpu.memory_space<hbm>>
    %dma_start3A_1098 = tpu.memref_squeeze %dma_start3A_1097 : memref<1x128x128xf32, #tpu.memory_space<hbm>> -> memref<128x128xf32, #tpu.memory_space<hbm>>
    %dma_start3A_1099 = arith.constant 0 : i32
    %dma_start3A_1100 = arith.constant 0 : i32
    %dma_start3A_1101 = tpu.memref_slice %arg14[%dma_start3A_1086, %dma_start3A_1099, %dma_start3A_1100] : memref<4x128x128xf32, #tpu.memory_space<vmem>> -> memref<1x128x128xf32, #tpu.memory_space<vmem>>
    %dma_start3A_1102 = tpu.memref_squeeze %dma_start3A_1101 : memref<1x128x128xf32, #tpu.memory_space<vmem>> -> memref<128x128xf32, #tpu.memory_space<vmem>>
    tpu.enqueue_dma source(%dma_start3A_1102 : memref<128x128xf32, #tpu.memory_space<vmem>>) target(%dma_start3A_1098 : memref<128x128xf32, #tpu.memory_space<hbm>>) target_semaphore(%arg21 : memref<!tpu.dma_semaphore, #tpu.memory_space<semaphore_mem>>)
    %dma_wait3A_1103 = arith.constant 2 : i32
    %dma_wait3A_1104 = arith.constant 0 : i32
    %dma_wait3A_1105 = arith.constant 0 : i32
    %dma_wait3A_1106 = tpu.memref_slice %arg14[%dma_wait3A_1103, %dma_wait3A_1104, %dma_wait3A_1105] : memref<4x128x128xf32, #tpu.memory_space<vmem>> -> memref<1x128x128xf32, #tpu.memory_space<vmem>>
    %dma_wait3A_1107 = tpu.memref_squeeze %dma_wait3A_1106 : memref<1x128x128xf32, #tpu.memory_space<vmem>> -> memref<128x128xf32, #tpu.memory_space<vmem>>
    %dma_wait3A_1108 = arith.constant 0 : i32
    %dma_wait3A_1109 = arith.constant 0 : i32
    %dma_wait3A_1110 = tpu.memref_slice %arg8[%add3A_28, %dma_wait3A_1108, %dma_wait3A_1109] : memref<128x128x128xf32, #tpu.memory_space<hbm>> -> memref<1x128x128xf32, #tpu.memory_space<hbm>>
    %dma_wait3A_1111 = tpu.memref_squeeze %dma_wait3A_1110 : memref<1x128x128xf32, #tpu.memory_space<hbm>> -> memref<128x128xf32, #tpu.memory_space<hbm>>
    %dma_wait3A_1112 = arith.constant 0 : i32
    %dma_wait3A_1113 = arith.constant 0 : i32
    %dma_wait3A_1114 = tpu.memref_slice %arg8[%add3A_28, %dma_wait3A_1112, %dma_wait3A_1113] : memref<128x128x128xf32, #tpu.memory_space<hbm>> -> memref<1x128x128xf32, #tpu.memory_space<hbm>>
    %dma_wait3A_1115 = tpu.memref_squeeze %dma_wait3A_1114 : memref<1x128x128xf32, #tpu.memory_space<hbm>> -> memref<128x128xf32, #tpu.memory_space<hbm>>
    %dma_wait3A_1116 = arith.constant 0 : i32
    %dma_wait3A_1117 = arith.constant 0 : i32
    %dma_wait3A_1118 = tpu.memref_slice %arg14[%dma_wait3A_1103, %dma_wait3A_1116, %dma_wait3A_1117] : memref<4x128x128xf32, #tpu.memory_space<vmem>> -> memref<1x128x128xf32, #tpu.memory_space<vmem>>
    %dma_wait3A_1119 = tpu.memref_squeeze %dma_wait3A_1118 : memref<1x128x128xf32, #tpu.memory_space<vmem>> -> memref<128x128xf32, #tpu.memory_space<vmem>>
    tpu.wait_dma2 semaphore(%arg21 : memref<!tpu.dma_semaphore, #tpu.memory_space<semaphore_mem>>) src(%dma_wait3A_1119 : memref<128x128xf32, #tpu.memory_space<vmem>>) dst(%dma_wait3A_1115 : memref<128x128xf32, #tpu.memory_space<hbm>>)
    %dma_start3A_1120 = arith.constant 2 : i32
    %dma_start3A_1121 = arith.constant 0 : i32
    %dma_start3A_1122 = arith.constant 0 : i32
    %dma_start3A_1123 = tpu.memref_slice %arg14[%dma_start3A_1120, %dma_start3A_1121, %dma_start3A_1122] : memref<4x128x128xf32, #tpu.memory_space<vmem>> -> memref<1x128x128xf32, #tpu.memory_space<vmem>>
    %dma_start3A_1124 = tpu.memref_squeeze %dma_start3A_1123 : memref<1x128x128xf32, #tpu.memory_space<vmem>> -> memref<128x128xf32, #tpu.memory_space<vmem>>
    %dma_start3A_1125 = arith.constant 256 : i32
    %dma_start3A_1126 = tpu.memref_slice %arg13[%dma_start3A_1125] : memref<1536xi32, #tpu.memory_space<vmem>> -> memref<128xi32, #tpu.memory_space<vmem>>
    %dma_start3A_1127 = arith.constant 0 : i32
    %dma_start3A_1128 = arith.constant 0 : i32
    %dma_start3A_1129 = tpu.memref_slice %arg3[%dma_start3A_1127, %dma_start3A_1128] : memref<100000x128xf32, #tpu.memory_space<hbm>> -> memref<100000x128xf32, #tpu.memory_space<hbm>>
    tpu.enqueue_indirect_dma source(%dma_start3A_1129 : memref<100000x128xf32, #tpu.memory_space<hbm>>) target(%dma_start3A_1124 : memref<128x128xf32, #tpu.memory_space<vmem>>) offsets(%dma_start3A_1126 : memref<128xi32, #tpu.memory_space<vmem>>) semaphore(%arg17 : memref<!tpu.dma_semaphore, #tpu.memory_space<semaphore_mem>>)
    %dma_wait3A_1130 = arith.constant 3 : i32
    %dma_wait3A_1131 = arith.constant 3 : i32
    %dma_wait3A_1132 = arith.constant 0 : i32
    %dma_wait3A_1133 = arith.constant 0 : i32
    %dma_wait3A_1134 = tpu.memref_slice %arg14[%dma_wait3A_1131, %dma_wait3A_1132, %dma_wait3A_1133] : memref<4x128x128xf32, #tpu.memory_space<vmem>> -> memref<1x128x128xf32, #tpu.memory_space<vmem>>
    %dma_wait3A_1135 = tpu.memref_squeeze %dma_wait3A_1134 : memref<1x128x128xf32, #tpu.memory_space<vmem>> -> memref<128x128xf32, #tpu.memory_space<vmem>>
    %dma_wait3A_1136 = arith.constant 0 : i32
    %dma_wait3A_1137 = tpu.memref_slice %arg11[%dma_wait3A_1130, %dma_wait3A_1136] : memref<4x128xi32, #tpu.memory_space<vmem>> -> memref<1x128xi32, #tpu.memory_space<vmem>>
    %dma_wait3A_1138 = tpu.memref_squeeze %dma_wait3A_1137 : memref<1x128xi32, #tpu.memory_space<vmem>> -> memref<128xi32, #tpu.memory_space<vmem>>
    %dma_wait3A_1139 = arith.constant 0 : i32
    %dma_wait3A_1140 = arith.constant 0 : i32
    %dma_wait3A_1141 = tpu.memref_slice %arg3[%dma_wait3A_1139, %dma_wait3A_1140] : memref<100000x128xf32, #tpu.memory_space<hbm>> -> memref<100000x128xf32, #tpu.memory_space<hbm>>
    tpu.wait_indirect_dma semaphore(%arg18 : memref<!tpu.dma_semaphore, #tpu.memory_space<semaphore_mem>>) src(%dma_wait3A_1141 : memref<100000x128xf32, #tpu.memory_space<hbm>>) dst(%dma_wait3A_1135 : memref<128x128xf32, #tpu.memory_space<vmem>>)
    %dma_start3A_1142 = arith.constant 3 : i32
    %dma_start3A_1143 = arith.constant 0 : i32
    %dma_start3A_1144 = arith.constant 0 : i32
    %dma_start3A_1145 = tpu.memref_slice %arg14[%dma_start3A_1142, %dma_start3A_1143, %dma_start3A_1144] : memref<4x128x128xf32, #tpu.memory_space<vmem>> -> memref<1x128x128xf32, #tpu.memory_space<vmem>>
    %dma_start3A_1146 = tpu.memref_squeeze %dma_start3A_1145 : memref<1x128x128xf32, #tpu.memory_space<vmem>> -> memref<128x128xf32, #tpu.memory_space<vmem>>
    %dma_start3A_1147 = arith.constant 0 : i32
    %dma_start3A_1148 = arith.constant 0 : i32
    %dma_start3A_1149 = tpu.memref_slice %arg8[%add3A_32, %dma_start3A_1147, %dma_start3A_1148] : memref<128x128x128xf32, #tpu.memory_space<hbm>> -> memref<1x128x128xf32, #tpu.memory_space<hbm>>
    %dma_start3A_1150 = tpu.memref_squeeze %dma_start3A_1149 : memref<1x128x128xf32, #tpu.memory_space<hbm>> -> memref<128x128xf32, #tpu.memory_space<hbm>>
    %dma_start3A_1151 = arith.constant 0 : i32
    %dma_start3A_1152 = arith.constant 0 : i32
    %dma_start3A_1153 = tpu.memref_slice %arg8[%add3A_32, %dma_start3A_1151, %dma_start3A_1152] : memref<128x128x128xf32, #tpu.memory_space<hbm>> -> memref<1x128x128xf32, #tpu.memory_space<hbm>>
    %dma_start3A_1154 = tpu.memref_squeeze %dma_start3A_1153 : memref<1x128x128xf32, #tpu.memory_space<hbm>> -> memref<128x128xf32, #tpu.memory_space<hbm>>
    %dma_start3A_1155 = arith.constant 0 : i32
    %dma_start3A_1156 = arith.constant 0 : i32
    %dma_start3A_1157 = tpu.memref_slice %arg14[%dma_start3A_1142, %dma_start3A_1155, %dma_start3A_1156] : memref<4x128x128xf32, #tpu.memory_space<vmem>> -> memref<1x128x128xf32, #tpu.memory_space<vmem>>
    %dma_start3A_1158 = tpu.memref_squeeze %dma_start3A_1157 : memref<1x128x128xf32, #tpu.memory_space<vmem>> -> memref<128x128xf32, #tpu.memory_space<vmem>>
    tpu.enqueue_dma source(%dma_start3A_1158 : memref<128x128xf32, #tpu.memory_space<vmem>>) target(%dma_start3A_1154 : memref<128x128xf32, #tpu.memory_space<hbm>>) target_semaphore(%arg22 : memref<!tpu.dma_semaphore, #tpu.memory_space<semaphore_mem>>)
    %dma_wait3A_1159 = arith.constant 3 : i32
    %dma_wait3A_1160 = arith.constant 0 : i32
    %dma_wait3A_1161 = arith.constant 0 : i32
    %dma_wait3A_1162 = tpu.memref_slice %arg14[%dma_wait3A_1159, %dma_wait3A_1160, %dma_wait3A_1161] : memref<4x128x128xf32, #tpu.memory_space<vmem>> -> memref<1x128x128xf32, #tpu.memory_space<vmem>>
    %dma_wait3A_1163 = tpu.memref_squeeze %dma_wait3A_1162 : memref<1x128x128xf32, #tpu.memory_space<vmem>> -> memref<128x128xf32, #tpu.memory_space<vmem>>
    %dma_wait3A_1164 = arith.constant 0 : i32
    %dma_wait3A_1165 = arith.constant 0 : i32
    %dma_wait3A_1166 = tpu.memref_slice %arg8[%add3A_32, %dma_wait3A_1164, %dma_wait3A_1165] : memref<128x128x128xf32, #tpu.memory_space<hbm>> -> memref<1x128x128xf32, #tpu.memory_space<hbm>>
    %dma_wait3A_1167 = tpu.memref_squeeze %dma_wait3A_1166 : memref<1x128x128xf32, #tpu.memory_space<hbm>> -> memref<128x128xf32, #tpu.memory_space<hbm>>
    %dma_wait3A_1168 = arith.constant 0 : i32
    %dma_wait3A_1169 = arith.constant 0 : i32
    %dma_wait3A_1170 = tpu.memref_slice %arg8[%add3A_32, %dma_wait3A_1168, %dma_wait3A_1169] : memref<128x128x128xf32, #tpu.memory_space<hbm>> -> memref<1x128x128xf32, #tpu.memory_space<hbm>>
    %dma_wait3A_1171 = tpu.memref_squeeze %dma_wait3A_1170 : memref<1x128x128xf32, #tpu.memory_space<hbm>> -> memref<128x128xf32, #tpu.memory_space<hbm>>
    %dma_wait3A_1172 = arith.constant 0 : i32
    %dma_wait3A_1173 = arith.constant 0 : i32
    %dma_wait3A_1174 = tpu.memref_slice %arg14[%dma_wait3A_1159, %dma_wait3A_1172, %dma_wait3A_1173] : memref<4x128x128xf32, #tpu.memory_space<vmem>> -> memref<1x128x128xf32, #tpu.memory_space<vmem>>
    %dma_wait3A_1175 = tpu.memref_squeeze %dma_wait3A_1174 : memref<1x128x128xf32, #tpu.memory_space<vmem>> -> memref<128x128xf32, #tpu.memory_space<vmem>>
    tpu.wait_dma2 semaphore(%arg22 : memref<!tpu.dma_semaphore, #tpu.memory_space<semaphore_mem>>) src(%dma_wait3A_1175 : memref<128x128xf32, #tpu.memory_space<vmem>>) dst(%dma_wait3A_1171 : memref<128x128xf32, #tpu.memory_space<hbm>>)
    %dma_start3A_1176 = arith.constant 3 : i32
    %dma_start3A_1177 = arith.constant 0 : i32
    %dma_start3A_1178 = arith.constant 0 : i32
    %dma_start3A_1179 = tpu.memref_slice %arg14[%dma_start3A_1176, %dma_start3A_1177, %dma_start3A_1178] : memref<4x128x128xf32, #tpu.memory_space<vmem>> -> memref<1x128x128xf32, #tpu.memory_space<vmem>>
    %dma_start3A_1180 = tpu.memref_squeeze %dma_start3A_1179 : memref<1x128x128xf32, #tpu.memory_space<vmem>> -> memref<128x128xf32, #tpu.memory_space<vmem>>
    %dma_start3A_1181 = arith.constant 384 : i32
    %dma_start3A_1182 = tpu.memref_slice %arg13[%dma_start3A_1181] : memref<1536xi32, #tpu.memory_space<vmem>> -> memref<128xi32, #tpu.memory_space<vmem>>
    %dma_start3A_1183 = arith.constant 0 : i32
    %dma_start3A_1184 = arith.constant 0 : i32
    %dma_start3A_1185 = tpu.memref_slice %arg3[%dma_start3A_1183, %dma_start3A_1184] : memref<100000x128xf32, #tpu.memory_space<hbm>> -> memref<100000x128xf32, #tpu.memory_space<hbm>>
    tpu.enqueue_indirect_dma source(%dma_start3A_1185 : memref<100000x128xf32, #tpu.memory_space<hbm>>) target(%dma_start3A_1180 : memref<128x128xf32, #tpu.memory_space<vmem>>) offsets(%dma_start3A_1182 : memref<128xi32, #tpu.memory_space<vmem>>) semaphore(%arg18 : memref<!tpu.dma_semaphore, #tpu.memory_space<semaphore_mem>>)
    %dma_wait3A_1186 = arith.constant 0 : i32
    %dma_wait3A_1187 = arith.constant 0 : i32
    %dma_wait3A_1188 = arith.constant 0 : i32
    %dma_wait3A_1189 = tpu.memref_slice %arg14[%dma_wait3A_1186, %dma_wait3A_1187, %dma_wait3A_1188] : memref<4x128x128xf32, #tpu.memory_space<vmem>> -> memref<1x128x128xf32, #tpu.memory_space<vmem>>
    %dma_wait3A_1190 = tpu.memref_squeeze %dma_wait3A_1189 : memref<1x128x128xf32, #tpu.memory_space<vmem>> -> memref<128x128xf32, #tpu.memory_space<vmem>>
    %dma_wait3A_1191 = arith.constant 0 : i32
    %dma_wait3A_1192 = tpu.memref_slice %arg13[%dma_wait3A_1191] : memref<1536xi32, #tpu.memory_space<vmem>> -> memref<128xi32, #tpu.memory_space<vmem>>
    %dma_wait3A_1193 = arith.constant 0 : i32
    %dma_wait3A_1194 = arith.constant 0 : i32
    %dma_wait3A_1195 = tpu.memref_slice %arg3[%dma_wait3A_1193, %dma_wait3A_1194] : memref<100000x128xf32, #tpu.memory_space<hbm>> -> memref<100000x128xf32, #tpu.memory_space<hbm>>
    tpu.wait_indirect_dma semaphore(%arg15 : memref<!tpu.dma_semaphore, #tpu.memory_space<semaphore_mem>>) src(%dma_wait3A_1195 : memref<100000x128xf32, #tpu.memory_space<hbm>>) dst(%dma_wait3A_1190 : memref<128x128xf32, #tpu.memory_space<vmem>>)
    %dma_start3A_1196 = arith.constant 0 : i32
    %dma_start3A_1197 = arith.constant 0 : i32
    %dma_start3A_1198 = arith.constant 0 : i32
    %dma_start3A_1199 = tpu.memref_slice %arg14[%dma_start3A_1196, %dma_start3A_1197, %dma_start3A_1198] : memref<4x128x128xf32, #tpu.memory_space<vmem>> -> memref<1x128x128xf32, #tpu.memory_space<vmem>>
    %dma_start3A_1200 = tpu.memref_squeeze %dma_start3A_1199 : memref<1x128x128xf32, #tpu.memory_space<vmem>> -> memref<128x128xf32, #tpu.memory_space<vmem>>
    %dma_start3A_1201 = arith.constant 0 : i32
    %dma_start3A_1202 = arith.constant 0 : i32
    %dma_start3A_1203 = tpu.memref_slice %arg9[%add3A_38, %dma_start3A_1201, %dma_start3A_1202] : memref<384x128x128xf32, #tpu.memory_space<hbm>> -> memref<1x128x128xf32, #tpu.memory_space<hbm>>
    %dma_start3A_1204 = tpu.memref_squeeze %dma_start3A_1203 : memref<1x128x128xf32, #tpu.memory_space<hbm>> -> memref<128x128xf32, #tpu.memory_space<hbm>>
    %dma_start3A_1205 = arith.constant 0 : i32
    %dma_start3A_1206 = arith.constant 0 : i32
    %dma_start3A_1207 = tpu.memref_slice %arg9[%add3A_38, %dma_start3A_1205, %dma_start3A_1206] : memref<384x128x128xf32, #tpu.memory_space<hbm>> -> memref<1x128x128xf32, #tpu.memory_space<hbm>>
    %dma_start3A_1208 = tpu.memref_squeeze %dma_start3A_1207 : memref<1x128x128xf32, #tpu.memory_space<hbm>> -> memref<128x128xf32, #tpu.memory_space<hbm>>
    %dma_start3A_1209 = arith.constant 0 : i32
    %dma_start3A_1210 = arith.constant 0 : i32
    %dma_start3A_1211 = tpu.memref_slice %arg14[%dma_start3A_1196, %dma_start3A_1209, %dma_start3A_1210] : memref<4x128x128xf32, #tpu.memory_space<vmem>> -> memref<1x128x128xf32, #tpu.memory_space<vmem>>
    %dma_start3A_1212 = tpu.memref_squeeze %dma_start3A_1211 : memref<1x128x128xf32, #tpu.memory_space<vmem>> -> memref<128x128xf32, #tpu.memory_space<vmem>>
    tpu.enqueue_dma source(%dma_start3A_1212 : memref<128x128xf32, #tpu.memory_space<vmem>>) target(%dma_start3A_1208 : memref<128x128xf32, #tpu.memory_space<hbm>>) target_semaphore(%arg19 : memref<!tpu.dma_semaphore, #tpu.memory_space<semaphore_mem>>)
    %dma_wait3A_1213 = arith.constant 0 : i32
    %dma_wait3A_1214 = arith.constant 0 : i32
    %dma_wait3A_1215 = arith.constant 0 : i32
    %dma_wait3A_1216 = tpu.memref_slice %arg14[%dma_wait3A_1213, %dma_wait3A_1214, %dma_wait3A_1215] : memref<4x128x128xf32, #tpu.memory_space<vmem>> -> memref<1x128x128xf32, #tpu.memory_space<vmem>>
    %dma_wait3A_1217 = tpu.memref_squeeze %dma_wait3A_1216 : memref<1x128x128xf32, #tpu.memory_space<vmem>> -> memref<128x128xf32, #tpu.memory_space<vmem>>
    %dma_wait3A_1218 = arith.constant 0 : i32
    %dma_wait3A_1219 = arith.constant 0 : i32
    %dma_wait3A_1220 = tpu.memref_slice %arg9[%add3A_38, %dma_wait3A_1218, %dma_wait3A_1219] : memref<384x128x128xf32, #tpu.memory_space<hbm>> -> memref<1x128x128xf32, #tpu.memory_space<hbm>>
    %dma_wait3A_1221 = tpu.memref_squeeze %dma_wait3A_1220 : memref<1x128x128xf32, #tpu.memory_space<hbm>> -> memref<128x128xf32, #tpu.memory_space<hbm>>
    %dma_wait3A_1222 = arith.constant 0 : i32
    %dma_wait3A_1223 = arith.constant 0 : i32
    %dma_wait3A_1224 = tpu.memref_slice %arg9[%add3A_38, %dma_wait3A_1222, %dma_wait3A_1223] : memref<384x128x128xf32, #tpu.memory_space<hbm>> -> memref<1x128x128xf32, #tpu.memory_space<hbm>>
    %dma_wait3A_1225 = tpu.memref_squeeze %dma_wait3A_1224 : memref<1x128x128xf32, #tpu.memory_space<hbm>> -> memref<128x128xf32, #tpu.memory_space<hbm>>
    %dma_wait3A_1226 = arith.constant 0 : i32
    %dma_wait3A_1227 = arith.constant 0 : i32
    %dma_wait3A_1228 = tpu.memref_slice %arg14[%dma_wait3A_1213, %dma_wait3A_1226, %dma_wait3A_1227] : memref<4x128x128xf32, #tpu.memory_space<vmem>> -> memref<1x128x128xf32, #tpu.memory_space<vmem>>
    %dma_wait3A_1229 = tpu.memref_squeeze %dma_wait3A_1228 : memref<1x128x128xf32, #tpu.memory_space<vmem>> -> memref<128x128xf32, #tpu.memory_space<vmem>>
    tpu.wait_dma2 semaphore(%arg19 : memref<!tpu.dma_semaphore, #tpu.memory_space<semaphore_mem>>) src(%dma_wait3A_1229 : memref<128x128xf32, #tpu.memory_space<vmem>>) dst(%dma_wait3A_1225 : memref<128x128xf32, #tpu.memory_space<hbm>>)
    %dma_start3A_1230 = arith.constant 0 : i32
    %dma_start3A_1231 = arith.constant 0 : i32
    %dma_start3A_1232 = arith.constant 0 : i32
    %dma_start3A_1233 = tpu.memref_slice %arg14[%dma_start3A_1230, %dma_start3A_1231, %dma_start3A_1232] : memref<4x128x128xf32, #tpu.memory_space<vmem>> -> memref<1x128x128xf32, #tpu.memory_space<vmem>>
    %dma_start3A_1234 = tpu.memref_squeeze %dma_start3A_1233 : memref<1x128x128xf32, #tpu.memory_space<vmem>> -> memref<128x128xf32, #tpu.memory_space<vmem>>
    %dma_start3A_1235 = arith.constant 512 : i32
    %dma_start3A_1236 = tpu.memref_slice %arg13[%dma_start3A_1235] : memref<1536xi32, #tpu.memory_space<vmem>> -> memref<128xi32, #tpu.memory_space<vmem>>
    %dma_start3A_1237 = arith.constant 0 : i32
    %dma_start3A_1238 = arith.constant 0 : i32
    %dma_start3A_1239 = tpu.memref_slice %arg3[%dma_start3A_1237, %dma_start3A_1238] : memref<100000x128xf32, #tpu.memory_space<hbm>> -> memref<100000x128xf32, #tpu.memory_space<hbm>>
    tpu.enqueue_indirect_dma source(%dma_start3A_1239 : memref<100000x128xf32, #tpu.memory_space<hbm>>) target(%dma_start3A_1234 : memref<128x128xf32, #tpu.memory_space<vmem>>) offsets(%dma_start3A_1236 : memref<128xi32, #tpu.memory_space<vmem>>) semaphore(%arg15 : memref<!tpu.dma_semaphore, #tpu.memory_space<semaphore_mem>>)
    %dma_wait3A_1240 = arith.constant 1 : i32
    %dma_wait3A_1241 = arith.constant 0 : i32
    %dma_wait3A_1242 = arith.constant 0 : i32
    %dma_wait3A_1243 = tpu.memref_slice %arg14[%dma_wait3A_1240, %dma_wait3A_1241, %dma_wait3A_1242] : memref<4x128x128xf32, #tpu.memory_space<vmem>> -> memref<1x128x128xf32, #tpu.memory_space<vmem>>
    %dma_wait3A_1244 = tpu.memref_squeeze %dma_wait3A_1243 : memref<1x128x128xf32, #tpu.memory_space<vmem>> -> memref<128x128xf32, #tpu.memory_space<vmem>>
    %dma_wait3A_1245 = arith.constant 128 : i32
    %dma_wait3A_1246 = tpu.memref_slice %arg13[%dma_wait3A_1245] : memref<1536xi32, #tpu.memory_space<vmem>> -> memref<128xi32, #tpu.memory_space<vmem>>
    %dma_wait3A_1247 = arith.constant 0 : i32
    %dma_wait3A_1248 = arith.constant 0 : i32
    %dma_wait3A_1249 = tpu.memref_slice %arg3[%dma_wait3A_1247, %dma_wait3A_1248] : memref<100000x128xf32, #tpu.memory_space<hbm>> -> memref<100000x128xf32, #tpu.memory_space<hbm>>
    tpu.wait_indirect_dma semaphore(%arg16 : memref<!tpu.dma_semaphore, #tpu.memory_space<semaphore_mem>>) src(%dma_wait3A_1249 : memref<100000x128xf32, #tpu.memory_space<hbm>>) dst(%dma_wait3A_1244 : memref<128x128xf32, #tpu.memory_space<vmem>>)
    %dma_start3A_1250 = arith.constant 1 : i32
    %dma_start3A_1251 = arith.constant 0 : i32
    %dma_start3A_1252 = arith.constant 0 : i32
    %dma_start3A_1253 = tpu.memref_slice %arg14[%dma_start3A_1250, %dma_start3A_1251, %dma_start3A_1252] : memref<4x128x128xf32, #tpu.memory_space<vmem>> -> memref<1x128x128xf32, #tpu.memory_space<vmem>>
    %dma_start3A_1254 = tpu.memref_squeeze %dma_start3A_1253 : memref<1x128x128xf32, #tpu.memory_space<vmem>> -> memref<128x128xf32, #tpu.memory_space<vmem>>
    %dma_start3A_1255 = arith.constant 0 : i32
    %dma_start3A_1256 = arith.constant 0 : i32
    %dma_start3A_1257 = tpu.memref_slice %arg9[%add3A_44, %dma_start3A_1255, %dma_start3A_1256] : memref<384x128x128xf32, #tpu.memory_space<hbm>> -> memref<1x128x128xf32, #tpu.memory_space<hbm>>
    %dma_start3A_1258 = tpu.memref_squeeze %dma_start3A_1257 : memref<1x128x128xf32, #tpu.memory_space<hbm>> -> memref<128x128xf32, #tpu.memory_space<hbm>>
    %dma_start3A_1259 = arith.constant 0 : i32
    %dma_start3A_1260 = arith.constant 0 : i32
    %dma_start3A_1261 = tpu.memref_slice %arg9[%add3A_44, %dma_start3A_1259, %dma_start3A_1260] : memref<384x128x128xf32, #tpu.memory_space<hbm>> -> memref<1x128x128xf32, #tpu.memory_space<hbm>>
    %dma_start3A_1262 = tpu.memref_squeeze %dma_start3A_1261 : memref<1x128x128xf32, #tpu.memory_space<hbm>> -> memref<128x128xf32, #tpu.memory_space<hbm>>
    %dma_start3A_1263 = arith.constant 0 : i32
    %dma_start3A_1264 = arith.constant 0 : i32
    %dma_start3A_1265 = tpu.memref_slice %arg14[%dma_start3A_1250, %dma_start3A_1263, %dma_start3A_1264] : memref<4x128x128xf32, #tpu.memory_space<vmem>> -> memref<1x128x128xf32, #tpu.memory_space<vmem>>
    %dma_start3A_1266 = tpu.memref_squeeze %dma_start3A_1265 : memref<1x128x128xf32, #tpu.memory_space<vmem>> -> memref<128x128xf32, #tpu.memory_space<vmem>>
    tpu.enqueue_dma source(%dma_start3A_1266 : memref<128x128xf32, #tpu.memory_space<vmem>>) target(%dma_start3A_1262 : memref<128x128xf32, #tpu.memory_space<hbm>>) target_semaphore(%arg20 : memref<!tpu.dma_semaphore, #tpu.memory_space<semaphore_mem>>)
    %dma_wait3A_1267 = arith.constant 1 : i32
    %dma_wait3A_1268 = arith.constant 0 : i32
    %dma_wait3A_1269 = arith.constant 0 : i32
    %dma_wait3A_1270 = tpu.memref_slice %arg14[%dma_wait3A_1267, %dma_wait3A_1268, %dma_wait3A_1269] : memref<4x128x128xf32, #tpu.memory_space<vmem>> -> memref<1x128x128xf32, #tpu.memory_space<vmem>>
    %dma_wait3A_1271 = tpu.memref_squeeze %dma_wait3A_1270 : memref<1x128x128xf32, #tpu.memory_space<vmem>> -> memref<128x128xf32, #tpu.memory_space<vmem>>
    %dma_wait3A_1272 = arith.constant 0 : i32
    %dma_wait3A_1273 = arith.constant 0 : i32
    %dma_wait3A_1274 = tpu.memref_slice %arg9[%add3A_44, %dma_wait3A_1272, %dma_wait3A_1273] : memref<384x128x128xf32, #tpu.memory_space<hbm>> -> memref<1x128x128xf32, #tpu.memory_space<hbm>>
    %dma_wait3A_1275 = tpu.memref_squeeze %dma_wait3A_1274 : memref<1x128x128xf32, #tpu.memory_space<hbm>> -> memref<128x128xf32, #tpu.memory_space<hbm>>
    %dma_wait3A_1276 = arith.constant 0 : i32
    %dma_wait3A_1277 = arith.constant 0 : i32
    %dma_wait3A_1278 = tpu.memref_slice %arg9[%add3A_44, %dma_wait3A_1276, %dma_wait3A_1277] : memref<384x128x128xf32, #tpu.memory_space<hbm>> -> memref<1x128x128xf32, #tpu.memory_space<hbm>>
    %dma_wait3A_1279 = tpu.memref_squeeze %dma_wait3A_1278 : memref<1x128x128xf32, #tpu.memory_space<hbm>> -> memref<128x128xf32, #tpu.memory_space<hbm>>
    %dma_wait3A_1280 = arith.constant 0 : i32
    %dma_wait3A_1281 = arith.constant 0 : i32
    %dma_wait3A_1282 = tpu.memref_slice %arg14[%dma_wait3A_1267, %dma_wait3A_1280, %dma_wait3A_1281] : memref<4x128x128xf32, #tpu.memory_space<vmem>> -> memref<1x128x128xf32, #tpu.memory_space<vmem>>
    %dma_wait3A_1283 = tpu.memref_squeeze %dma_wait3A_1282 : memref<1x128x128xf32, #tpu.memory_space<vmem>> -> memref<128x128xf32, #tpu.memory_space<vmem>>
    tpu.wait_dma2 semaphore(%arg20 : memref<!tpu.dma_semaphore, #tpu.memory_space<semaphore_mem>>) src(%dma_wait3A_1283 : memref<128x128xf32, #tpu.memory_space<vmem>>) dst(%dma_wait3A_1279 : memref<128x128xf32, #tpu.memory_space<hbm>>)
    %dma_start3A_1284 = arith.constant 1 : i32
    %dma_start3A_1285 = arith.constant 0 : i32
    %dma_start3A_1286 = arith.constant 0 : i32
    %dma_start3A_1287 = tpu.memref_slice %arg14[%dma_start3A_1284, %dma_start3A_1285, %dma_start3A_1286] : memref<4x128x128xf32, #tpu.memory_space<vmem>> -> memref<1x128x128xf32, #tpu.memory_space<vmem>>
    %dma_start3A_1288 = tpu.memref_squeeze %dma_start3A_1287 : memref<1x128x128xf32, #tpu.memory_space<vmem>> -> memref<128x128xf32, #tpu.memory_space<vmem>>
    %dma_start3A_1289 = arith.constant 640 : i32
    %dma_start3A_1290 = tpu.memref_slice %arg13[%dma_start3A_1289] : memref<1536xi32, #tpu.memory_space<vmem>> -> memref<128xi32, #tpu.memory_space<vmem>>
    %dma_start3A_1291 = arith.constant 0 : i32
    %dma_start3A_1292 = arith.constant 0 : i32
    %dma_start3A_1293 = tpu.memref_slice %arg3[%dma_start3A_1291, %dma_start3A_1292] : memref<100000x128xf32, #tpu.memory_space<hbm>> -> memref<100000x128xf32, #tpu.memory_space<hbm>>
    tpu.enqueue_indirect_dma source(%dma_start3A_1293 : memref<100000x128xf32, #tpu.memory_space<hbm>>) target(%dma_start3A_1288 : memref<128x128xf32, #tpu.memory_space<vmem>>) offsets(%dma_start3A_1290 : memref<128xi32, #tpu.memory_space<vmem>>) semaphore(%arg16 : memref<!tpu.dma_semaphore, #tpu.memory_space<semaphore_mem>>)
    %dma_wait3A_1294 = arith.constant 2 : i32
    %dma_wait3A_1295 = arith.constant 0 : i32
    %dma_wait3A_1296 = arith.constant 0 : i32
    %dma_wait3A_1297 = tpu.memref_slice %arg14[%dma_wait3A_1294, %dma_wait3A_1295, %dma_wait3A_1296] : memref<4x128x128xf32, #tpu.memory_space<vmem>> -> memref<1x128x128xf32, #tpu.memory_space<vmem>>
    %dma_wait3A_1298 = tpu.memref_squeeze %dma_wait3A_1297 : memref<1x128x128xf32, #tpu.memory_space<vmem>> -> memref<128x128xf32, #tpu.memory_space<vmem>>
    %dma_wait3A_1299 = arith.constant 256 : i32
    %dma_wait3A_1300 = tpu.memref_slice %arg13[%dma_wait3A_1299] : memref<1536xi32, #tpu.memory_space<vmem>> -> memref<128xi32, #tpu.memory_space<vmem>>
    %dma_wait3A_1301 = arith.constant 0 : i32
    %dma_wait3A_1302 = arith.constant 0 : i32
    %dma_wait3A_1303 = tpu.memref_slice %arg3[%dma_wait3A_1301, %dma_wait3A_1302] : memref<100000x128xf32, #tpu.memory_space<hbm>> -> memref<100000x128xf32, #tpu.memory_space<hbm>>
    tpu.wait_indirect_dma semaphore(%arg17 : memref<!tpu.dma_semaphore, #tpu.memory_space<semaphore_mem>>) src(%dma_wait3A_1303 : memref<100000x128xf32, #tpu.memory_space<hbm>>) dst(%dma_wait3A_1298 : memref<128x128xf32, #tpu.memory_space<vmem>>)
    %dma_start3A_1304 = arith.constant 2 : i32
    %dma_start3A_1305 = arith.constant 0 : i32
    %dma_start3A_1306 = arith.constant 0 : i32
    %dma_start3A_1307 = tpu.memref_slice %arg14[%dma_start3A_1304, %dma_start3A_1305, %dma_start3A_1306] : memref<4x128x128xf32, #tpu.memory_space<vmem>> -> memref<1x128x128xf32, #tpu.memory_space<vmem>>
    %dma_start3A_1308 = tpu.memref_squeeze %dma_start3A_1307 : memref<1x128x128xf32, #tpu.memory_space<vmem>> -> memref<128x128xf32, #tpu.memory_space<vmem>>
    %dma_start3A_1309 = arith.constant 0 : i32
    %dma_start3A_1310 = arith.constant 0 : i32
    %dma_start3A_1311 = tpu.memref_slice %arg9[%add3A_50, %dma_start3A_1309, %dma_start3A_1310] : memref<384x128x128xf32, #tpu.memory_space<hbm>> -> memref<1x128x128xf32, #tpu.memory_space<hbm>>
    %dma_start3A_1312 = tpu.memref_squeeze %dma_start3A_1311 : memref<1x128x128xf32, #tpu.memory_space<hbm>> -> memref<128x128xf32, #tpu.memory_space<hbm>>
    %dma_start3A_1313 = arith.constant 0 : i32
    %dma_start3A_1314 = arith.constant 0 : i32
    %dma_start3A_1315 = tpu.memref_slice %arg9[%add3A_50, %dma_start3A_1313, %dma_start3A_1314] : memref<384x128x128xf32, #tpu.memory_space<hbm>> -> memref<1x128x128xf32, #tpu.memory_space<hbm>>
    %dma_start3A_1316 = tpu.memref_squeeze %dma_start3A_1315 : memref<1x128x128xf32, #tpu.memory_space<hbm>> -> memref<128x128xf32, #tpu.memory_space<hbm>>
    %dma_start3A_1317 = arith.constant 0 : i32
    %dma_start3A_1318 = arith.constant 0 : i32
    %dma_start3A_1319 = tpu.memref_slice %arg14[%dma_start3A_1304, %dma_start3A_1317, %dma_start3A_1318] : memref<4x128x128xf32, #tpu.memory_space<vmem>> -> memref<1x128x128xf32, #tpu.memory_space<vmem>>
    %dma_start3A_1320 = tpu.memref_squeeze %dma_start3A_1319 : memref<1x128x128xf32, #tpu.memory_space<vmem>> -> memref<128x128xf32, #tpu.memory_space<vmem>>
    tpu.enqueue_dma source(%dma_start3A_1320 : memref<128x128xf32, #tpu.memory_space<vmem>>) target(%dma_start3A_1316 : memref<128x128xf32, #tpu.memory_space<hbm>>) target_semaphore(%arg21 : memref<!tpu.dma_semaphore, #tpu.memory_space<semaphore_mem>>)
    %dma_wait3A_1321 = arith.constant 2 : i32
    %dma_wait3A_1322 = arith.constant 0 : i32
    %dma_wait3A_1323 = arith.constant 0 : i32
    %dma_wait3A_1324 = tpu.memref_slice %arg14[%dma_wait3A_1321, %dma_wait3A_1322, %dma_wait3A_1323] : memref<4x128x128xf32, #tpu.memory_space<vmem>> -> memref<1x128x128xf32, #tpu.memory_space<vmem>>
    %dma_wait3A_1325 = tpu.memref_squeeze %dma_wait3A_1324 : memref<1x128x128xf32, #tpu.memory_space<vmem>> -> memref<128x128xf32, #tpu.memory_space<vmem>>
    %dma_wait3A_1326 = arith.constant 0 : i32
    %dma_wait3A_1327 = arith.constant 0 : i32
    %dma_wait3A_1328 = tpu.memref_slice %arg9[%add3A_50, %dma_wait3A_1326, %dma_wait3A_1327] : memref<384x128x128xf32, #tpu.memory_space<hbm>> -> memref<1x128x128xf32, #tpu.memory_space<hbm>>
    %dma_wait3A_1329 = tpu.memref_squeeze %dma_wait3A_1328 : memref<1x128x128xf32, #tpu.memory_space<hbm>> -> memref<128x128xf32, #tpu.memory_space<hbm>>
    %dma_wait3A_1330 = arith.constant 0 : i32
    %dma_wait3A_1331 = arith.constant 0 : i32
    %dma_wait3A_1332 = tpu.memref_slice %arg9[%add3A_50, %dma_wait3A_1330, %dma_wait3A_1331] : memref<384x128x128xf32, #tpu.memory_space<hbm>> -> memref<1x128x128xf32, #tpu.memory_space<hbm>>
    %dma_wait3A_1333 = tpu.memref_squeeze %dma_wait3A_1332 : memref<1x128x128xf32, #tpu.memory_space<hbm>> -> memref<128x128xf32, #tpu.memory_space<hbm>>
    %dma_wait3A_1334 = arith.constant 0 : i32
    %dma_wait3A_1335 = arith.constant 0 : i32
    %dma_wait3A_1336 = tpu.memref_slice %arg14[%dma_wait3A_1321, %dma_wait3A_1334, %dma_wait3A_1335] : memref<4x128x128xf32, #tpu.memory_space<vmem>> -> memref<1x128x128xf32, #tpu.memory_space<vmem>>
    %dma_wait3A_1337 = tpu.memref_squeeze %dma_wait3A_1336 : memref<1x128x128xf32, #tpu.memory_space<vmem>> -> memref<128x128xf32, #tpu.memory_space<vmem>>
    tpu.wait_dma2 semaphore(%arg21 : memref<!tpu.dma_semaphore, #tpu.memory_space<semaphore_mem>>) src(%dma_wait3A_1337 : memref<128x128xf32, #tpu.memory_space<vmem>>) dst(%dma_wait3A_1333 : memref<128x128xf32, #tpu.memory_space<hbm>>)
    %dma_start3A_1338 = arith.constant 2 : i32
    %dma_start3A_1339 = arith.constant 0 : i32
    %dma_start3A_1340 = arith.constant 0 : i32
    %dma_start3A_1341 = tpu.memref_slice %arg14[%dma_start3A_1338, %dma_start3A_1339, %dma_start3A_1340] : memref<4x128x128xf32, #tpu.memory_space<vmem>> -> memref<1x128x128xf32, #tpu.memory_space<vmem>>
    %dma_start3A_1342 = tpu.memref_squeeze %dma_start3A_1341 : memref<1x128x128xf32, #tpu.memory_space<vmem>> -> memref<128x128xf32, #tpu.memory_space<vmem>>
    %dma_start3A_1343 = arith.constant 768 : i32
    %dma_start3A_1344 = tpu.memref_slice %arg13[%dma_start3A_1343] : memref<1536xi32, #tpu.memory_space<vmem>> -> memref<128xi32, #tpu.memory_space<vmem>>
    %dma_start3A_1345 = arith.constant 0 : i32
    %dma_start3A_1346 = arith.constant 0 : i32
    %dma_start3A_1347 = tpu.memref_slice %arg3[%dma_start3A_1345, %dma_start3A_1346] : memref<100000x128xf32, #tpu.memory_space<hbm>> -> memref<100000x128xf32, #tpu.memory_space<hbm>>
    tpu.enqueue_indirect_dma source(%dma_start3A_1347 : memref<100000x128xf32, #tpu.memory_space<hbm>>) target(%dma_start3A_1342 : memref<128x128xf32, #tpu.memory_space<vmem>>) offsets(%dma_start3A_1344 : memref<128xi32, #tpu.memory_space<vmem>>) semaphore(%arg17 : memref<!tpu.dma_semaphore, #tpu.memory_space<semaphore_mem>>)
    %dma_wait3A_1348 = arith.constant 3 : i32
    %dma_wait3A_1349 = arith.constant 0 : i32
    %dma_wait3A_1350 = arith.constant 0 : i32
    %dma_wait3A_1351 = tpu.memref_slice %arg14[%dma_wait3A_1348, %dma_wait3A_1349, %dma_wait3A_1350] : memref<4x128x128xf32, #tpu.memory_space<vmem>> -> memref<1x128x128xf32, #tpu.memory_space<vmem>>
    %dma_wait3A_1352 = tpu.memref_squeeze %dma_wait3A_1351 : memref<1x128x128xf32, #tpu.memory_space<vmem>> -> memref<128x128xf32, #tpu.memory_space<vmem>>
    %dma_wait3A_1353 = arith.constant 384 : i32
    %dma_wait3A_1354 = tpu.memref_slice %arg13[%dma_wait3A_1353] : memref<1536xi32, #tpu.memory_space<vmem>> -> memref<128xi32, #tpu.memory_space<vmem>>
    %dma_wait3A_1355 = arith.constant 0 : i32
    %dma_wait3A_1356 = arith.constant 0 : i32
    %dma_wait3A_1357 = tpu.memref_slice %arg3[%dma_wait3A_1355, %dma_wait3A_1356] : memref<100000x128xf32, #tpu.memory_space<hbm>> -> memref<100000x128xf32, #tpu.memory_space<hbm>>
    tpu.wait_indirect_dma semaphore(%arg18 : memref<!tpu.dma_semaphore, #tpu.memory_space<semaphore_mem>>) src(%dma_wait3A_1357 : memref<100000x128xf32, #tpu.memory_space<hbm>>) dst(%dma_wait3A_1352 : memref<128x128xf32, #tpu.memory_space<vmem>>)
    %dma_start3A_1358 = arith.constant 3 : i32
    %dma_start3A_1359 = arith.constant 0 : i32
    %dma_start3A_1360 = arith.constant 0 : i32
    %dma_start3A_1361 = tpu.memref_slice %arg14[%dma_start3A_1358, %dma_start3A_1359, %dma_start3A_1360] : memref<4x128x128xf32, #tpu.memory_space<vmem>> -> memref<1x128x128xf32, #tpu.memory_space<vmem>>
    %dma_start3A_1362 = tpu.memref_squeeze %dma_start3A_1361 : memref<1x128x128xf32, #tpu.memory_space<vmem>> -> memref<128x128xf32, #tpu.memory_space<vmem>>
    %dma_start3A_1363 = arith.constant 0 : i32
    %dma_start3A_1364 = arith.constant 0 : i32
    %dma_start3A_1365 = tpu.memref_slice %arg9[%add3A_56, %dma_start3A_1363, %dma_start3A_1364] : memref<384x128x128xf32, #tpu.memory_space<hbm>> -> memref<1x128x128xf32, #tpu.memory_space<hbm>>
    %dma_start3A_1366 = tpu.memref_squeeze %dma_start3A_1365 : memref<1x128x128xf32, #tpu.memory_space<hbm>> -> memref<128x128xf32, #tpu.memory_space<hbm>>
    %dma_start3A_1367 = arith.constant 0 : i32
    %dma_start3A_1368 = arith.constant 0 : i32
    %dma_start3A_1369 = tpu.memref_slice %arg9[%add3A_56, %dma_start3A_1367, %dma_start3A_1368] : memref<384x128x128xf32, #tpu.memory_space<hbm>> -> memref<1x128x128xf32, #tpu.memory_space<hbm>>
    %dma_start3A_1370 = tpu.memref_squeeze %dma_start3A_1369 : memref<1x128x128xf32, #tpu.memory_space<hbm>> -> memref<128x128xf32, #tpu.memory_space<hbm>>
    %dma_start3A_1371 = arith.constant 0 : i32
    %dma_start3A_1372 = arith.constant 0 : i32
    %dma_start3A_1373 = tpu.memref_slice %arg14[%dma_start3A_1358, %dma_start3A_1371, %dma_start3A_1372] : memref<4x128x128xf32, #tpu.memory_space<vmem>> -> memref<1x128x128xf32, #tpu.memory_space<vmem>>
    %dma_start3A_1374 = tpu.memref_squeeze %dma_start3A_1373 : memref<1x128x128xf32, #tpu.memory_space<vmem>> -> memref<128x128xf32, #tpu.memory_space<vmem>>
    tpu.enqueue_dma source(%dma_start3A_1374 : memref<128x128xf32, #tpu.memory_space<vmem>>) target(%dma_start3A_1370 : memref<128x128xf32, #tpu.memory_space<hbm>>) target_semaphore(%arg22 : memref<!tpu.dma_semaphore, #tpu.memory_space<semaphore_mem>>)
    %dma_wait3A_1375 = arith.constant 3 : i32
    %dma_wait3A_1376 = arith.constant 0 : i32
    %dma_wait3A_1377 = arith.constant 0 : i32
    %dma_wait3A_1378 = tpu.memref_slice %arg14[%dma_wait3A_1375, %dma_wait3A_1376, %dma_wait3A_1377] : memref<4x128x128xf32, #tpu.memory_space<vmem>> -> memref<1x128x128xf32, #tpu.memory_space<vmem>>
    %dma_wait3A_1379 = tpu.memref_squeeze %dma_wait3A_1378 : memref<1x128x128xf32, #tpu.memory_space<vmem>> -> memref<128x128xf32, #tpu.memory_space<vmem>>
    %dma_wait3A_1380 = arith.constant 0 : i32
    %dma_wait3A_1381 = arith.constant 0 : i32
    %dma_wait3A_1382 = tpu.memref_slice %arg9[%add3A_56, %dma_wait3A_1380, %dma_wait3A_1381] : memref<384x128x128xf32, #tpu.memory_space<hbm>> -> memref<1x128x128xf32, #tpu.memory_space<hbm>>
    %dma_wait3A_1383 = tpu.memref_squeeze %dma_wait3A_1382 : memref<1x128x128xf32, #tpu.memory_space<hbm>> -> memref<128x128xf32, #tpu.memory_space<hbm>>
    %dma_wait3A_1384 = arith.constant 0 : i32
    %dma_wait3A_1385 = arith.constant 0 : i32
    %dma_wait3A_1386 = tpu.memref_slice %arg9[%add3A_56, %dma_wait3A_1384, %dma_wait3A_1385] : memref<384x128x128xf32, #tpu.memory_space<hbm>> -> memref<1x128x128xf32, #tpu.memory_space<hbm>>
    %dma_wait3A_1387 = tpu.memref_squeeze %dma_wait3A_1386 : memref<1x128x128xf32, #tpu.memory_space<hbm>> -> memref<128x128xf32, #tpu.memory_space<hbm>>
    %dma_wait3A_1388 = arith.constant 0 : i32
    %dma_wait3A_1389 = arith.constant 0 : i32
    %dma_wait3A_1390 = tpu.memref_slice %arg14[%dma_wait3A_1375, %dma_wait3A_1388, %dma_wait3A_1389] : memref<4x128x128xf32, #tpu.memory_space<vmem>> -> memref<1x128x128xf32, #tpu.memory_space<vmem>>
    %dma_wait3A_1391 = tpu.memref_squeeze %dma_wait3A_1390 : memref<1x128x128xf32, #tpu.memory_space<vmem>> -> memref<128x128xf32, #tpu.memory_space<vmem>>
    tpu.wait_dma2 semaphore(%arg22 : memref<!tpu.dma_semaphore, #tpu.memory_space<semaphore_mem>>) src(%dma_wait3A_1391 : memref<128x128xf32, #tpu.memory_space<vmem>>) dst(%dma_wait3A_1387 : memref<128x128xf32, #tpu.memory_space<hbm>>)
    %dma_start3A_1392 = arith.constant 3 : i32
    %dma_start3A_1393 = arith.constant 0 : i32
    %dma_start3A_1394 = arith.constant 0 : i32
    %dma_start3A_1395 = tpu.memref_slice %arg14[%dma_start3A_1392, %dma_start3A_1393, %dma_start3A_1394] : memref<4x128x128xf32, #tpu.memory_space<vmem>> -> memref<1x128x128xf32, #tpu.memory_space<vmem>>
    %dma_start3A_1396 = tpu.memref_squeeze %dma_start3A_1395 : memref<1x128x128xf32, #tpu.memory_space<vmem>> -> memref<128x128xf32, #tpu.memory_space<vmem>>
    %dma_start3A_1397 = arith.constant 896 : i32
    %dma_start3A_1398 = tpu.memref_slice %arg13[%dma_start3A_1397] : memref<1536xi32, #tpu.memory_space<vmem>> -> memref<128xi32, #tpu.memory_space<vmem>>
    %dma_start3A_1399 = arith.constant 0 : i32
    %dma_start3A_1400 = arith.constant 0 : i32
    %dma_start3A_1401 = tpu.memref_slice %arg3[%dma_start3A_1399, %dma_start3A_1400] : memref<100000x128xf32, #tpu.memory_space<hbm>> -> memref<100000x128xf32, #tpu.memory_space<hbm>>
    tpu.enqueue_indirect_dma source(%dma_start3A_1401 : memref<100000x128xf32, #tpu.memory_space<hbm>>) target(%dma_start3A_1396 : memref<128x128xf32, #tpu.memory_space<vmem>>) offsets(%dma_start3A_1398 : memref<128xi32, #tpu.memory_space<vmem>>) semaphore(%arg18 : memref<!tpu.dma_semaphore, #tpu.memory_space<semaphore_mem>>)
    %dma_wait3A_1402 = arith.constant 0 : i32
    %dma_wait3A_1403 = arith.constant 0 : i32
    %dma_wait3A_1404 = arith.constant 0 : i32
    %dma_wait3A_1405 = tpu.memref_slice %arg14[%dma_wait3A_1402, %dma_wait3A_1403, %dma_wait3A_1404] : memref<4x128x128xf32, #tpu.memory_space<vmem>> -> memref<1x128x128xf32, #tpu.memory_space<vmem>>
    %dma_wait3A_1406 = tpu.memref_squeeze %dma_wait3A_1405 : memref<1x128x128xf32, #tpu.memory_space<vmem>> -> memref<128x128xf32, #tpu.memory_space<vmem>>
    %dma_wait3A_1407 = arith.constant 512 : i32
    %dma_wait3A_1408 = tpu.memref_slice %arg13[%dma_wait3A_1407] : memref<1536xi32, #tpu.memory_space<vmem>> -> memref<128xi32, #tpu.memory_space<vmem>>
    %dma_wait3A_1409 = arith.constant 0 : i32
    %dma_wait3A_1410 = arith.constant 0 : i32
    %dma_wait3A_1411 = tpu.memref_slice %arg3[%dma_wait3A_1409, %dma_wait3A_1410] : memref<100000x128xf32, #tpu.memory_space<hbm>> -> memref<100000x128xf32, #tpu.memory_space<hbm>>
    tpu.wait_indirect_dma semaphore(%arg15 : memref<!tpu.dma_semaphore, #tpu.memory_space<semaphore_mem>>) src(%dma_wait3A_1411 : memref<100000x128xf32, #tpu.memory_space<hbm>>) dst(%dma_wait3A_1406 : memref<128x128xf32, #tpu.memory_space<vmem>>)
    %dma_start3A_1412 = arith.constant 0 : i32
    %dma_start3A_1413 = arith.constant 0 : i32
    %dma_start3A_1414 = arith.constant 0 : i32
    %dma_start3A_1415 = tpu.memref_slice %arg14[%dma_start3A_1412, %dma_start3A_1413, %dma_start3A_1414] : memref<4x128x128xf32, #tpu.memory_space<vmem>> -> memref<1x128x128xf32, #tpu.memory_space<vmem>>
    %dma_start3A_1416 = tpu.memref_squeeze %dma_start3A_1415 : memref<1x128x128xf32, #tpu.memory_space<vmem>> -> memref<128x128xf32, #tpu.memory_space<vmem>>
    %dma_start3A_1417 = arith.constant 0 : i32
    %dma_start3A_1418 = arith.constant 0 : i32
    %dma_start3A_1419 = tpu.memref_slice %arg9[%add3A_62, %dma_start3A_1417, %dma_start3A_1418] : memref<384x128x128xf32, #tpu.memory_space<hbm>> -> memref<1x128x128xf32, #tpu.memory_space<hbm>>
    %dma_start3A_1420 = tpu.memref_squeeze %dma_start3A_1419 : memref<1x128x128xf32, #tpu.memory_space<hbm>> -> memref<128x128xf32, #tpu.memory_space<hbm>>
    %dma_start3A_1421 = arith.constant 0 : i32
    %dma_start3A_1422 = arith.constant 0 : i32
    %dma_start3A_1423 = tpu.memref_slice %arg9[%add3A_62, %dma_start3A_1421, %dma_start3A_1422] : memref<384x128x128xf32, #tpu.memory_space<hbm>> -> memref<1x128x128xf32, #tpu.memory_space<hbm>>
    %dma_start3A_1424 = tpu.memref_squeeze %dma_start3A_1423 : memref<1x128x128xf32, #tpu.memory_space<hbm>> -> memref<128x128xf32, #tpu.memory_space<hbm>>
    %dma_start3A_1425 = arith.constant 0 : i32
    %dma_start3A_1426 = arith.constant 0 : i32
    %dma_start3A_1427 = tpu.memref_slice %arg14[%dma_start3A_1412, %dma_start3A_1425, %dma_start3A_1426] : memref<4x128x128xf32, #tpu.memory_space<vmem>> -> memref<1x128x128xf32, #tpu.memory_space<vmem>>
    %dma_start3A_1428 = tpu.memref_squeeze %dma_start3A_1427 : memref<1x128x128xf32, #tpu.memory_space<vmem>> -> memref<128x128xf32, #tpu.memory_space<vmem>>
    tpu.enqueue_dma source(%dma_start3A_1428 : memref<128x128xf32, #tpu.memory_space<vmem>>) target(%dma_start3A_1424 : memref<128x128xf32, #tpu.memory_space<hbm>>) target_semaphore(%arg19 : memref<!tpu.dma_semaphore, #tpu.memory_space<semaphore_mem>>)
    %dma_wait3A_1429 = arith.constant 0 : i32
    %dma_wait3A_1430 = arith.constant 0 : i32
    %dma_wait3A_1431 = arith.constant 0 : i32
    %dma_wait3A_1432 = tpu.memref_slice %arg14[%dma_wait3A_1429, %dma_wait3A_1430, %dma_wait3A_1431] : memref<4x128x128xf32, #tpu.memory_space<vmem>> -> memref<1x128x128xf32, #tpu.memory_space<vmem>>
    %dma_wait3A_1433 = tpu.memref_squeeze %dma_wait3A_1432 : memref<1x128x128xf32, #tpu.memory_space<vmem>> -> memref<128x128xf32, #tpu.memory_space<vmem>>
    %dma_wait3A_1434 = arith.constant 0 : i32
    %dma_wait3A_1435 = arith.constant 0 : i32
    %dma_wait3A_1436 = tpu.memref_slice %arg9[%add3A_62, %dma_wait3A_1434, %dma_wait3A_1435] : memref<384x128x128xf32, #tpu.memory_space<hbm>> -> memref<1x128x128xf32, #tpu.memory_space<hbm>>
    %dma_wait3A_1437 = tpu.memref_squeeze %dma_wait3A_1436 : memref<1x128x128xf32, #tpu.memory_space<hbm>> -> memref<128x128xf32, #tpu.memory_space<hbm>>
    %dma_wait3A_1438 = arith.constant 0 : i32
    %dma_wait3A_1439 = arith.constant 0 : i32
    %dma_wait3A_1440 = tpu.memref_slice %arg9[%add3A_62, %dma_wait3A_1438, %dma_wait3A_1439] : memref<384x128x128xf32, #tpu.memory_space<hbm>> -> memref<1x128x128xf32, #tpu.memory_space<hbm>>
    %dma_wait3A_1441 = tpu.memref_squeeze %dma_wait3A_1440 : memref<1x128x128xf32, #tpu.memory_space<hbm>> -> memref<128x128xf32, #tpu.memory_space<hbm>>
    %dma_wait3A_1442 = arith.constant 0 : i32
    %dma_wait3A_1443 = arith.constant 0 : i32
    %dma_wait3A_1444 = tpu.memref_slice %arg14[%dma_wait3A_1429, %dma_wait3A_1442, %dma_wait3A_1443] : memref<4x128x128xf32, #tpu.memory_space<vmem>> -> memref<1x128x128xf32, #tpu.memory_space<vmem>>
    %dma_wait3A_1445 = tpu.memref_squeeze %dma_wait3A_1444 : memref<1x128x128xf32, #tpu.memory_space<vmem>> -> memref<128x128xf32, #tpu.memory_space<vmem>>
    tpu.wait_dma2 semaphore(%arg19 : memref<!tpu.dma_semaphore, #tpu.memory_space<semaphore_mem>>) src(%dma_wait3A_1445 : memref<128x128xf32, #tpu.memory_space<vmem>>) dst(%dma_wait3A_1441 : memref<128x128xf32, #tpu.memory_space<hbm>>)
    %dma_start3A_1446 = arith.constant 0 : i32
    %dma_start3A_1447 = arith.constant 0 : i32
    %dma_start3A_1448 = arith.constant 0 : i32
    %dma_start3A_1449 = tpu.memref_slice %arg14[%dma_start3A_1446, %dma_start3A_1447, %dma_start3A_1448] : memref<4x128x128xf32, #tpu.memory_space<vmem>> -> memref<1x128x128xf32, #tpu.memory_space<vmem>>
    %dma_start3A_1450 = tpu.memref_squeeze %dma_start3A_1449 : memref<1x128x128xf32, #tpu.memory_space<vmem>> -> memref<128x128xf32, #tpu.memory_space<vmem>>
    %dma_start3A_1451 = arith.constant 1024 : i32
    %dma_start3A_1452 = tpu.memref_slice %arg13[%dma_start3A_1451] : memref<1536xi32, #tpu.memory_space<vmem>> -> memref<128xi32, #tpu.memory_space<vmem>>
    %dma_start3A_1453 = arith.constant 0 : i32
    %dma_start3A_1454 = arith.constant 0 : i32
    %dma_start3A_1455 = tpu.memref_slice %arg3[%dma_start3A_1453, %dma_start3A_1454] : memref<100000x128xf32, #tpu.memory_space<hbm>> -> memref<100000x128xf32, #tpu.memory_space<hbm>>
    tpu.enqueue_indirect_dma source(%dma_start3A_1455 : memref<100000x128xf32, #tpu.memory_space<hbm>>) target(%dma_start3A_1450 : memref<128x128xf32, #tpu.memory_space<vmem>>) offsets(%dma_start3A_1452 : memref<128xi32, #tpu.memory_space<vmem>>) semaphore(%arg15 : memref<!tpu.dma_semaphore, #tpu.memory_space<semaphore_mem>>)
    %dma_wait3A_1456 = arith.constant 1 : i32
    %dma_wait3A_1457 = arith.constant 0 : i32
    %dma_wait3A_1458 = arith.constant 0 : i32
    %dma_wait3A_1459 = tpu.memref_slice %arg14[%dma_wait3A_1456, %dma_wait3A_1457, %dma_wait3A_1458] : memref<4x128x128xf32, #tpu.memory_space<vmem>> -> memref<1x128x128xf32, #tpu.memory_space<vmem>>
    %dma_wait3A_1460 = tpu.memref_squeeze %dma_wait3A_1459 : memref<1x128x128xf32, #tpu.memory_space<vmem>> -> memref<128x128xf32, #tpu.memory_space<vmem>>
    %dma_wait3A_1461 = arith.constant 640 : i32
    %dma_wait3A_1462 = tpu.memref_slice %arg13[%dma_wait3A_1461] : memref<1536xi32, #tpu.memory_space<vmem>> -> memref<128xi32, #tpu.memory_space<vmem>>
    %dma_wait3A_1463 = arith.constant 0 : i32
    %dma_wait3A_1464 = arith.constant 0 : i32
    %dma_wait3A_1465 = tpu.memref_slice %arg3[%dma_wait3A_1463, %dma_wait3A_1464] : memref<100000x128xf32, #tpu.memory_space<hbm>> -> memref<100000x128xf32, #tpu.memory_space<hbm>>
    tpu.wait_indirect_dma semaphore(%arg16 : memref<!tpu.dma_semaphore, #tpu.memory_space<semaphore_mem>>) src(%dma_wait3A_1465 : memref<100000x128xf32, #tpu.memory_space<hbm>>) dst(%dma_wait3A_1460 : memref<128x128xf32, #tpu.memory_space<vmem>>)
    %dma_start3A_1466 = arith.constant 1 : i32
    %dma_start3A_1467 = arith.constant 0 : i32
    %dma_start3A_1468 = arith.constant 0 : i32
    %dma_start3A_1469 = tpu.memref_slice %arg14[%dma_start3A_1466, %dma_start3A_1467, %dma_start3A_1468] : memref<4x128x128xf32, #tpu.memory_space<vmem>> -> memref<1x128x128xf32, #tpu.memory_space<vmem>>
    %dma_start3A_1470 = tpu.memref_squeeze %dma_start3A_1469 : memref<1x128x128xf32, #tpu.memory_space<vmem>> -> memref<128x128xf32, #tpu.memory_space<vmem>>
    %dma_start3A_1471 = arith.constant 0 : i32
    %dma_start3A_1472 = arith.constant 0 : i32
    %dma_start3A_1473 = tpu.memref_slice %arg9[%add3A_68, %dma_start3A_1471, %dma_start3A_1472] : memref<384x128x128xf32, #tpu.memory_space<hbm>> -> memref<1x128x128xf32, #tpu.memory_space<hbm>>
    %dma_start3A_1474 = tpu.memref_squeeze %dma_start3A_1473 : memref<1x128x128xf32, #tpu.memory_space<hbm>> -> memref<128x128xf32, #tpu.memory_space<hbm>>
    %dma_start3A_1475 = arith.constant 0 : i32
    %dma_start3A_1476 = arith.constant 0 : i32
    %dma_start3A_1477 = tpu.memref_slice %arg9[%add3A_68, %dma_start3A_1475, %dma_start3A_1476] : memref<384x128x128xf32, #tpu.memory_space<hbm>> -> memref<1x128x128xf32, #tpu.memory_space<hbm>>
    %dma_start3A_1478 = tpu.memref_squeeze %dma_start3A_1477 : memref<1x128x128xf32, #tpu.memory_space<hbm>> -> memref<128x128xf32, #tpu.memory_space<hbm>>
    %dma_start3A_1479 = arith.constant 0 : i32
    %dma_start3A_1480 = arith.constant 0 : i32
    %dma_start3A_1481 = tpu.memref_slice %arg14[%dma_start3A_1466, %dma_start3A_1479, %dma_start3A_1480] : memref<4x128x128xf32, #tpu.memory_space<vmem>> -> memref<1x128x128xf32, #tpu.memory_space<vmem>>
    %dma_start3A_1482 = tpu.memref_squeeze %dma_start3A_1481 : memref<1x128x128xf32, #tpu.memory_space<vmem>> -> memref<128x128xf32, #tpu.memory_space<vmem>>
    tpu.enqueue_dma source(%dma_start3A_1482 : memref<128x128xf32, #tpu.memory_space<vmem>>) target(%dma_start3A_1478 : memref<128x128xf32, #tpu.memory_space<hbm>>) target_semaphore(%arg20 : memref<!tpu.dma_semaphore, #tpu.memory_space<semaphore_mem>>)
    %dma_wait3A_1483 = arith.constant 1 : i32
    %dma_wait3A_1484 = arith.constant 0 : i32
    %dma_wait3A_1485 = arith.constant 0 : i32
    %dma_wait3A_1486 = tpu.memref_slice %arg14[%dma_wait3A_1483, %dma_wait3A_1484, %dma_wait3A_1485] : memref<4x128x128xf32, #tpu.memory_space<vmem>> -> memref<1x128x128xf32, #tpu.memory_space<vmem>>
    %dma_wait3A_1487 = tpu.memref_squeeze %dma_wait3A_1486 : memref<1x128x128xf32, #tpu.memory_space<vmem>> -> memref<128x128xf32, #tpu.memory_space<vmem>>
    %dma_wait3A_1488 = arith.constant 0 : i32
    %dma_wait3A_1489 = arith.constant 0 : i32
    %dma_wait3A_1490 = tpu.memref_slice %arg9[%add3A_68, %dma_wait3A_1488, %dma_wait3A_1489] : memref<384x128x128xf32, #tpu.memory_space<hbm>> -> memref<1x128x128xf32, #tpu.memory_space<hbm>>
    %dma_wait3A_1491 = tpu.memref_squeeze %dma_wait3A_1490 : memref<1x128x128xf32, #tpu.memory_space<hbm>> -> memref<128x128xf32, #tpu.memory_space<hbm>>
    %dma_wait3A_1492 = arith.constant 0 : i32
    %dma_wait3A_1493 = arith.constant 0 : i32
    %dma_wait3A_1494 = tpu.memref_slice %arg9[%add3A_68, %dma_wait3A_1492, %dma_wait3A_1493] : memref<384x128x128xf32, #tpu.memory_space<hbm>> -> memref<1x128x128xf32, #tpu.memory_space<hbm>>
    %dma_wait3A_1495 = tpu.memref_squeeze %dma_wait3A_1494 : memref<1x128x128xf32, #tpu.memory_space<hbm>> -> memref<128x128xf32, #tpu.memory_space<hbm>>
    %dma_wait3A_1496 = arith.constant 0 : i32
    %dma_wait3A_1497 = arith.constant 0 : i32
    %dma_wait3A_1498 = tpu.memref_slice %arg14[%dma_wait3A_1483, %dma_wait3A_1496, %dma_wait3A_1497] : memref<4x128x128xf32, #tpu.memory_space<vmem>> -> memref<1x128x128xf32, #tpu.memory_space<vmem>>
    %dma_wait3A_1499 = tpu.memref_squeeze %dma_wait3A_1498 : memref<1x128x128xf32, #tpu.memory_space<vmem>> -> memref<128x128xf32, #tpu.memory_space<vmem>>
    tpu.wait_dma2 semaphore(%arg20 : memref<!tpu.dma_semaphore, #tpu.memory_space<semaphore_mem>>) src(%dma_wait3A_1499 : memref<128x128xf32, #tpu.memory_space<vmem>>) dst(%dma_wait3A_1495 : memref<128x128xf32, #tpu.memory_space<hbm>>)
    %dma_start3A_1500 = arith.constant 1 : i32
    %dma_start3A_1501 = arith.constant 0 : i32
    %dma_start3A_1502 = arith.constant 0 : i32
    %dma_start3A_1503 = tpu.memref_slice %arg14[%dma_start3A_1500, %dma_start3A_1501, %dma_start3A_1502] : memref<4x128x128xf32, #tpu.memory_space<vmem>> -> memref<1x128x128xf32, #tpu.memory_space<vmem>>
    %dma_start3A_1504 = tpu.memref_squeeze %dma_start3A_1503 : memref<1x128x128xf32, #tpu.memory_space<vmem>> -> memref<128x128xf32, #tpu.memory_space<vmem>>
    %dma_start3A_1505 = arith.constant 1152 : i32
    %dma_start3A_1506 = tpu.memref_slice %arg13[%dma_start3A_1505] : memref<1536xi32, #tpu.memory_space<vmem>> -> memref<128xi32, #tpu.memory_space<vmem>>
    %dma_start3A_1507 = arith.constant 0 : i32
    %dma_start3A_1508 = arith.constant 0 : i32
    %dma_start3A_1509 = tpu.memref_slice %arg3[%dma_start3A_1507, %dma_start3A_1508] : memref<100000x128xf32, #tpu.memory_space<hbm>> -> memref<100000x128xf32, #tpu.memory_space<hbm>>
    tpu.enqueue_indirect_dma source(%dma_start3A_1509 : memref<100000x128xf32, #tpu.memory_space<hbm>>) target(%dma_start3A_1504 : memref<128x128xf32, #tpu.memory_space<vmem>>) offsets(%dma_start3A_1506 : memref<128xi32, #tpu.memory_space<vmem>>) semaphore(%arg16 : memref<!tpu.dma_semaphore, #tpu.memory_space<semaphore_mem>>)
    %dma_wait3A_1510 = arith.constant 2 : i32
    %dma_wait3A_1511 = arith.constant 0 : i32
    %dma_wait3A_1512 = arith.constant 0 : i32
    %dma_wait3A_1513 = tpu.memref_slice %arg14[%dma_wait3A_1510, %dma_wait3A_1511, %dma_wait3A_1512] : memref<4x128x128xf32, #tpu.memory_space<vmem>> -> memref<1x128x128xf32, #tpu.memory_space<vmem>>
    %dma_wait3A_1514 = tpu.memref_squeeze %dma_wait3A_1513 : memref<1x128x128xf32, #tpu.memory_space<vmem>> -> memref<128x128xf32, #tpu.memory_space<vmem>>
    %dma_wait3A_1515 = arith.constant 768 : i32
    %dma_wait3A_1516 = tpu.memref_slice %arg13[%dma_wait3A_1515] : memref<1536xi32, #tpu.memory_space<vmem>> -> memref<128xi32, #tpu.memory_space<vmem>>
    %dma_wait3A_1517 = arith.constant 0 : i32
    %dma_wait3A_1518 = arith.constant 0 : i32
    %dma_wait3A_1519 = tpu.memref_slice %arg3[%dma_wait3A_1517, %dma_wait3A_1518] : memref<100000x128xf32, #tpu.memory_space<hbm>> -> memref<100000x128xf32, #tpu.memory_space<hbm>>
    tpu.wait_indirect_dma semaphore(%arg17 : memref<!tpu.dma_semaphore, #tpu.memory_space<semaphore_mem>>) src(%dma_wait3A_1519 : memref<100000x128xf32, #tpu.memory_space<hbm>>) dst(%dma_wait3A_1514 : memref<128x128xf32, #tpu.memory_space<vmem>>)
    %dma_start3A_1520 = arith.constant 2 : i32
    %dma_start3A_1521 = arith.constant 0 : i32
    %dma_start3A_1522 = arith.constant 0 : i32
    %dma_start3A_1523 = tpu.memref_slice %arg14[%dma_start3A_1520, %dma_start3A_1521, %dma_start3A_1522] : memref<4x128x128xf32, #tpu.memory_space<vmem>> -> memref<1x128x128xf32, #tpu.memory_space<vmem>>
    %dma_start3A_1524 = tpu.memref_squeeze %dma_start3A_1523 : memref<1x128x128xf32, #tpu.memory_space<vmem>> -> memref<128x128xf32, #tpu.memory_space<vmem>>
    %dma_start3A_1525 = arith.constant 0 : i32
    %dma_start3A_1526 = arith.constant 0 : i32
    %dma_start3A_1527 = tpu.memref_slice %arg9[%add3A_74, %dma_start3A_1525, %dma_start3A_1526] : memref<384x128x128xf32, #tpu.memory_space<hbm>> -> memref<1x128x128xf32, #tpu.memory_space<hbm>>
    %dma_start3A_1528 = tpu.memref_squeeze %dma_start3A_1527 : memref<1x128x128xf32, #tpu.memory_space<hbm>> -> memref<128x128xf32, #tpu.memory_space<hbm>>
    %dma_start3A_1529 = arith.constant 0 : i32
    %dma_start3A_1530 = arith.constant 0 : i32
    %dma_start3A_1531 = tpu.memref_slice %arg9[%add3A_74, %dma_start3A_1529, %dma_start3A_1530] : memref<384x128x128xf32, #tpu.memory_space<hbm>> -> memref<1x128x128xf32, #tpu.memory_space<hbm>>
    %dma_start3A_1532 = tpu.memref_squeeze %dma_start3A_1531 : memref<1x128x128xf32, #tpu.memory_space<hbm>> -> memref<128x128xf32, #tpu.memory_space<hbm>>
    %dma_start3A_1533 = arith.constant 0 : i32
    %dma_start3A_1534 = arith.constant 0 : i32
    %dma_start3A_1535 = tpu.memref_slice %arg14[%dma_start3A_1520, %dma_start3A_1533, %dma_start3A_1534] : memref<4x128x128xf32, #tpu.memory_space<vmem>> -> memref<1x128x128xf32, #tpu.memory_space<vmem>>
    %dma_start3A_1536 = tpu.memref_squeeze %dma_start3A_1535 : memref<1x128x128xf32, #tpu.memory_space<vmem>> -> memref<128x128xf32, #tpu.memory_space<vmem>>
    tpu.enqueue_dma source(%dma_start3A_1536 : memref<128x128xf32, #tpu.memory_space<vmem>>) target(%dma_start3A_1532 : memref<128x128xf32, #tpu.memory_space<hbm>>) target_semaphore(%arg21 : memref<!tpu.dma_semaphore, #tpu.memory_space<semaphore_mem>>)
    %dma_wait3A_1537 = arith.constant 2 : i32
    %dma_wait3A_1538 = arith.constant 0 : i32
    %dma_wait3A_1539 = arith.constant 0 : i32
    %dma_wait3A_1540 = tpu.memref_slice %arg14[%dma_wait3A_1537, %dma_wait3A_1538, %dma_wait3A_1539] : memref<4x128x128xf32, #tpu.memory_space<vmem>> -> memref<1x128x128xf32, #tpu.memory_space<vmem>>
    %dma_wait3A_1541 = tpu.memref_squeeze %dma_wait3A_1540 : memref<1x128x128xf32, #tpu.memory_space<vmem>> -> memref<128x128xf32, #tpu.memory_space<vmem>>
    %dma_wait3A_1542 = arith.constant 0 : i32
    %dma_wait3A_1543 = arith.constant 0 : i32
    %dma_wait3A_1544 = tpu.memref_slice %arg9[%add3A_74, %dma_wait3A_1542, %dma_wait3A_1543] : memref<384x128x128xf32, #tpu.memory_space<hbm>> -> memref<1x128x128xf32, #tpu.memory_space<hbm>>
    %dma_wait3A_1545 = tpu.memref_squeeze %dma_wait3A_1544 : memref<1x128x128xf32, #tpu.memory_space<hbm>> -> memref<128x128xf32, #tpu.memory_space<hbm>>
    %dma_wait3A_1546 = arith.constant 0 : i32
    %dma_wait3A_1547 = arith.constant 0 : i32
    %dma_wait3A_1548 = tpu.memref_slice %arg9[%add3A_74, %dma_wait3A_1546, %dma_wait3A_1547] : memref<384x128x128xf32, #tpu.memory_space<hbm>> -> memref<1x128x128xf32, #tpu.memory_space<hbm>>
    %dma_wait3A_1549 = tpu.memref_squeeze %dma_wait3A_1548 : memref<1x128x128xf32, #tpu.memory_space<hbm>> -> memref<128x128xf32, #tpu.memory_space<hbm>>
    %dma_wait3A_1550 = arith.constant 0 : i32
    %dma_wait3A_1551 = arith.constant 0 : i32
    %dma_wait3A_1552 = tpu.memref_slice %arg14[%dma_wait3A_1537, %dma_wait3A_1550, %dma_wait3A_1551] : memref<4x128x128xf32, #tpu.memory_space<vmem>> -> memref<1x128x128xf32, #tpu.memory_space<vmem>>
    %dma_wait3A_1553 = tpu.memref_squeeze %dma_wait3A_1552 : memref<1x128x128xf32, #tpu.memory_space<vmem>> -> memref<128x128xf32, #tpu.memory_space<vmem>>
    tpu.wait_dma2 semaphore(%arg21 : memref<!tpu.dma_semaphore, #tpu.memory_space<semaphore_mem>>) src(%dma_wait3A_1553 : memref<128x128xf32, #tpu.memory_space<vmem>>) dst(%dma_wait3A_1549 : memref<128x128xf32, #tpu.memory_space<hbm>>)
    %dma_start3A_1554 = arith.constant 2 : i32
    %dma_start3A_1555 = arith.constant 0 : i32
    %dma_start3A_1556 = arith.constant 0 : i32
    %dma_start3A_1557 = tpu.memref_slice %arg14[%dma_start3A_1554, %dma_start3A_1555, %dma_start3A_1556] : memref<4x128x128xf32, #tpu.memory_space<vmem>> -> memref<1x128x128xf32, #tpu.memory_space<vmem>>
    %dma_start3A_1558 = tpu.memref_squeeze %dma_start3A_1557 : memref<1x128x128xf32, #tpu.memory_space<vmem>> -> memref<128x128xf32, #tpu.memory_space<vmem>>
    %dma_start3A_1559 = arith.constant 1280 : i32
    %dma_start3A_1560 = tpu.memref_slice %arg13[%dma_start3A_1559] : memref<1536xi32, #tpu.memory_space<vmem>> -> memref<128xi32, #tpu.memory_space<vmem>>
    %dma_start3A_1561 = arith.constant 0 : i32
    %dma_start3A_1562 = arith.constant 0 : i32
    %dma_start3A_1563 = tpu.memref_slice %arg3[%dma_start3A_1561, %dma_start3A_1562] : memref<100000x128xf32, #tpu.memory_space<hbm>> -> memref<100000x128xf32, #tpu.memory_space<hbm>>
    tpu.enqueue_indirect_dma source(%dma_start3A_1563 : memref<100000x128xf32, #tpu.memory_space<hbm>>) target(%dma_start3A_1558 : memref<128x128xf32, #tpu.memory_space<vmem>>) offsets(%dma_start3A_1560 : memref<128xi32, #tpu.memory_space<vmem>>) semaphore(%arg17 : memref<!tpu.dma_semaphore, #tpu.memory_space<semaphore_mem>>)
    %dma_wait3A_1564 = arith.constant 3 : i32
    %dma_wait3A_1565 = arith.constant 0 : i32
    %dma_wait3A_1566 = arith.constant 0 : i32
    %dma_wait3A_1567 = tpu.memref_slice %arg14[%dma_wait3A_1564, %dma_wait3A_1565, %dma_wait3A_1566] : memref<4x128x128xf32, #tpu.memory_space<vmem>> -> memref<1x128x128xf32, #tpu.memory_space<vmem>>
    %dma_wait3A_1568 = tpu.memref_squeeze %dma_wait3A_1567 : memref<1x128x128xf32, #tpu.memory_space<vmem>> -> memref<128x128xf32, #tpu.memory_space<vmem>>
    %dma_wait3A_1569 = arith.constant 896 : i32
    %dma_wait3A_1570 = tpu.memref_slice %arg13[%dma_wait3A_1569] : memref<1536xi32, #tpu.memory_space<vmem>> -> memref<128xi32, #tpu.memory_space<vmem>>
    %dma_wait3A_1571 = arith.constant 0 : i32
    %dma_wait3A_1572 = arith.constant 0 : i32
    %dma_wait3A_1573 = tpu.memref_slice %arg3[%dma_wait3A_1571, %dma_wait3A_1572] : memref<100000x128xf32, #tpu.memory_space<hbm>> -> memref<100000x128xf32, #tpu.memory_space<hbm>>
    tpu.wait_indirect_dma semaphore(%arg18 : memref<!tpu.dma_semaphore, #tpu.memory_space<semaphore_mem>>) src(%dma_wait3A_1573 : memref<100000x128xf32, #tpu.memory_space<hbm>>) dst(%dma_wait3A_1568 : memref<128x128xf32, #tpu.memory_space<vmem>>)
    %dma_start3A_1574 = arith.constant 3 : i32
    %dma_start3A_1575 = arith.constant 0 : i32
    %dma_start3A_1576 = arith.constant 0 : i32
    %dma_start3A_1577 = tpu.memref_slice %arg14[%dma_start3A_1574, %dma_start3A_1575, %dma_start3A_1576] : memref<4x128x128xf32, #tpu.memory_space<vmem>> -> memref<1x128x128xf32, #tpu.memory_space<vmem>>
    %dma_start3A_1578 = tpu.memref_squeeze %dma_start3A_1577 : memref<1x128x128xf32, #tpu.memory_space<vmem>> -> memref<128x128xf32, #tpu.memory_space<vmem>>
    %dma_start3A_1579 = arith.constant 0 : i32
    %dma_start3A_1580 = arith.constant 0 : i32
    %dma_start3A_1581 = tpu.memref_slice %arg9[%add3A_80, %dma_start3A_1579, %dma_start3A_1580] : memref<384x128x128xf32, #tpu.memory_space<hbm>> -> memref<1x128x128xf32, #tpu.memory_space<hbm>>
    %dma_start3A_1582 = tpu.memref_squeeze %dma_start3A_1581 : memref<1x128x128xf32, #tpu.memory_space<hbm>> -> memref<128x128xf32, #tpu.memory_space<hbm>>
    %dma_start3A_1583 = arith.constant 0 : i32
    %dma_start3A_1584 = arith.constant 0 : i32
    %dma_start3A_1585 = tpu.memref_slice %arg9[%add3A_80, %dma_start3A_1583, %dma_start3A_1584] : memref<384x128x128xf32, #tpu.memory_space<hbm>> -> memref<1x128x128xf32, #tpu.memory_space<hbm>>
    %dma_start3A_1586 = tpu.memref_squeeze %dma_start3A_1585 : memref<1x128x128xf32, #tpu.memory_space<hbm>> -> memref<128x128xf32, #tpu.memory_space<hbm>>
    %dma_start3A_1587 = arith.constant 0 : i32
    %dma_start3A_1588 = arith.constant 0 : i32
    %dma_start3A_1589 = tpu.memref_slice %arg14[%dma_start3A_1574, %dma_start3A_1587, %dma_start3A_1588] : memref<4x128x128xf32, #tpu.memory_space<vmem>> -> memref<1x128x128xf32, #tpu.memory_space<vmem>>
    %dma_start3A_1590 = tpu.memref_squeeze %dma_start3A_1589 : memref<1x128x128xf32, #tpu.memory_space<vmem>> -> memref<128x128xf32, #tpu.memory_space<vmem>>
    tpu.enqueue_dma source(%dma_start3A_1590 : memref<128x128xf32, #tpu.memory_space<vmem>>) target(%dma_start3A_1586 : memref<128x128xf32, #tpu.memory_space<hbm>>) target_semaphore(%arg22 : memref<!tpu.dma_semaphore, #tpu.memory_space<semaphore_mem>>)
    %dma_wait3A_1591 = arith.constant 3 : i32
    %dma_wait3A_1592 = arith.constant 0 : i32
    %dma_wait3A_1593 = arith.constant 0 : i32
    %dma_wait3A_1594 = tpu.memref_slice %arg14[%dma_wait3A_1591, %dma_wait3A_1592, %dma_wait3A_1593] : memref<4x128x128xf32, #tpu.memory_space<vmem>> -> memref<1x128x128xf32, #tpu.memory_space<vmem>>
    %dma_wait3A_1595 = tpu.memref_squeeze %dma_wait3A_1594 : memref<1x128x128xf32, #tpu.memory_space<vmem>> -> memref<128x128xf32, #tpu.memory_space<vmem>>
    %dma_wait3A_1596 = arith.constant 0 : i32
    %dma_wait3A_1597 = arith.constant 0 : i32
    %dma_wait3A_1598 = tpu.memref_slice %arg9[%add3A_80, %dma_wait3A_1596, %dma_wait3A_1597] : memref<384x128x128xf32, #tpu.memory_space<hbm>> -> memref<1x128x128xf32, #tpu.memory_space<hbm>>
    %dma_wait3A_1599 = tpu.memref_squeeze %dma_wait3A_1598 : memref<1x128x128xf32, #tpu.memory_space<hbm>> -> memref<128x128xf32, #tpu.memory_space<hbm>>
    %dma_wait3A_1600 = arith.constant 0 : i32
    %dma_wait3A_1601 = arith.constant 0 : i32
    %dma_wait3A_1602 = tpu.memref_slice %arg9[%add3A_80, %dma_wait3A_1600, %dma_wait3A_1601] : memref<384x128x128xf32, #tpu.memory_space<hbm>> -> memref<1x128x128xf32, #tpu.memory_space<hbm>>
    %dma_wait3A_1603 = tpu.memref_squeeze %dma_wait3A_1602 : memref<1x128x128xf32, #tpu.memory_space<hbm>> -> memref<128x128xf32, #tpu.memory_space<hbm>>
    %dma_wait3A_1604 = arith.constant 0 : i32
    %dma_wait3A_1605 = arith.constant 0 : i32
    %dma_wait3A_1606 = tpu.memref_slice %arg14[%dma_wait3A_1591, %dma_wait3A_1604, %dma_wait3A_1605] : memref<4x128x128xf32, #tpu.memory_space<vmem>> -> memref<1x128x128xf32, #tpu.memory_space<vmem>>
    %dma_wait3A_1607 = tpu.memref_squeeze %dma_wait3A_1606 : memref<1x128x128xf32, #tpu.memory_space<vmem>> -> memref<128x128xf32, #tpu.memory_space<vmem>>
    tpu.wait_dma2 semaphore(%arg22 : memref<!tpu.dma_semaphore, #tpu.memory_space<semaphore_mem>>) src(%dma_wait3A_1607 : memref<128x128xf32, #tpu.memory_space<vmem>>) dst(%dma_wait3A_1603 : memref<128x128xf32, #tpu.memory_space<hbm>>)
    %dma_start3A_1608 = arith.constant 3 : i32
    %dma_start3A_1609 = arith.constant 0 : i32
    %dma_start3A_1610 = arith.constant 0 : i32
    %dma_start3A_1611 = tpu.memref_slice %arg14[%dma_start3A_1608, %dma_start3A_1609, %dma_start3A_1610] : memref<4x128x128xf32, #tpu.memory_space<vmem>> -> memref<1x128x128xf32, #tpu.memory_space<vmem>>
    %dma_start3A_1612 = tpu.memref_squeeze %dma_start3A_1611 : memref<1x128x128xf32, #tpu.memory_space<vmem>> -> memref<128x128xf32, #tpu.memory_space<vmem>>
    %dma_start3A_1613 = arith.constant 1408 : i32
    %dma_start3A_1614 = tpu.memref_slice %arg13[%dma_start3A_1613] : memref<1536xi32, #tpu.memory_space<vmem>> -> memref<128xi32, #tpu.memory_space<vmem>>
    %dma_start3A_1615 = arith.constant 0 : i32
    %dma_start3A_1616 = arith.constant 0 : i32
    %dma_start3A_1617 = tpu.memref_slice %arg3[%dma_start3A_1615, %dma_start3A_1616] : memref<100000x128xf32, #tpu.memory_space<hbm>> -> memref<100000x128xf32, #tpu.memory_space<hbm>>
    tpu.enqueue_indirect_dma source(%dma_start3A_1617 : memref<100000x128xf32, #tpu.memory_space<hbm>>) target(%dma_start3A_1612 : memref<128x128xf32, #tpu.memory_space<vmem>>) offsets(%dma_start3A_1614 : memref<128xi32, #tpu.memory_space<vmem>>) semaphore(%arg18 : memref<!tpu.dma_semaphore, #tpu.memory_space<semaphore_mem>>)
    %dma_wait3A_1618 = arith.constant 0 : i32
    %dma_wait3A_1619 = arith.constant 0 : i32
    %dma_wait3A_1620 = arith.constant 0 : i32
    %dma_wait3A_1621 = tpu.memref_slice %arg14[%dma_wait3A_1618, %dma_wait3A_1619, %dma_wait3A_1620] : memref<4x128x128xf32, #tpu.memory_space<vmem>> -> memref<1x128x128xf32, #tpu.memory_space<vmem>>
    %dma_wait3A_1622 = tpu.memref_squeeze %dma_wait3A_1621 : memref<1x128x128xf32, #tpu.memory_space<vmem>> -> memref<128x128xf32, #tpu.memory_space<vmem>>
    %dma_wait3A_1623 = arith.constant 1024 : i32
    %dma_wait3A_1624 = tpu.memref_slice %arg13[%dma_wait3A_1623] : memref<1536xi32, #tpu.memory_space<vmem>> -> memref<128xi32, #tpu.memory_space<vmem>>
    %dma_wait3A_1625 = arith.constant 0 : i32
    %dma_wait3A_1626 = arith.constant 0 : i32
    %dma_wait3A_1627 = tpu.memref_slice %arg3[%dma_wait3A_1625, %dma_wait3A_1626] : memref<100000x128xf32, #tpu.memory_space<hbm>> -> memref<100000x128xf32, #tpu.memory_space<hbm>>
    tpu.wait_indirect_dma semaphore(%arg15 : memref<!tpu.dma_semaphore, #tpu.memory_space<semaphore_mem>>) src(%dma_wait3A_1627 : memref<100000x128xf32, #tpu.memory_space<hbm>>) dst(%dma_wait3A_1622 : memref<128x128xf32, #tpu.memory_space<vmem>>)
    %dma_start3A_1628 = arith.constant 0 : i32
    %dma_start3A_1629 = arith.constant 0 : i32
    %dma_start3A_1630 = arith.constant 0 : i32
    %dma_start3A_1631 = tpu.memref_slice %arg14[%dma_start3A_1628, %dma_start3A_1629, %dma_start3A_1630] : memref<4x128x128xf32, #tpu.memory_space<vmem>> -> memref<1x128x128xf32, #tpu.memory_space<vmem>>
    %dma_start3A_1632 = tpu.memref_squeeze %dma_start3A_1631 : memref<1x128x128xf32, #tpu.memory_space<vmem>> -> memref<128x128xf32, #tpu.memory_space<vmem>>
    %dma_start3A_1633 = arith.constant 0 : i32
    %dma_start3A_1634 = arith.constant 0 : i32
    %dma_start3A_1635 = tpu.memref_slice %arg9[%add3A_86, %dma_start3A_1633, %dma_start3A_1634] : memref<384x128x128xf32, #tpu.memory_space<hbm>> -> memref<1x128x128xf32, #tpu.memory_space<hbm>>
    %dma_start3A_1636 = tpu.memref_squeeze %dma_start3A_1635 : memref<1x128x128xf32, #tpu.memory_space<hbm>> -> memref<128x128xf32, #tpu.memory_space<hbm>>
    %dma_start3A_1637 = arith.constant 0 : i32
    %dma_start3A_1638 = arith.constant 0 : i32
    %dma_start3A_1639 = tpu.memref_slice %arg9[%add3A_86, %dma_start3A_1637, %dma_start3A_1638] : memref<384x128x128xf32, #tpu.memory_space<hbm>> -> memref<1x128x128xf32, #tpu.memory_space<hbm>>
    %dma_start3A_1640 = tpu.memref_squeeze %dma_start3A_1639 : memref<1x128x128xf32, #tpu.memory_space<hbm>> -> memref<128x128xf32, #tpu.memory_space<hbm>>
    %dma_start3A_1641 = arith.constant 0 : i32
    %dma_start3A_1642 = arith.constant 0 : i32
    %dma_start3A_1643 = tpu.memref_slice %arg14[%dma_start3A_1628, %dma_start3A_1641, %dma_start3A_1642] : memref<4x128x128xf32, #tpu.memory_space<vmem>> -> memref<1x128x128xf32, #tpu.memory_space<vmem>>
    %dma_start3A_1644 = tpu.memref_squeeze %dma_start3A_1643 : memref<1x128x128xf32, #tpu.memory_space<vmem>> -> memref<128x128xf32, #tpu.memory_space<vmem>>
    tpu.enqueue_dma source(%dma_start3A_1644 : memref<128x128xf32, #tpu.memory_space<vmem>>) target(%dma_start3A_1640 : memref<128x128xf32, #tpu.memory_space<hbm>>) target_semaphore(%arg19 : memref<!tpu.dma_semaphore, #tpu.memory_space<semaphore_mem>>)
    %dma_wait3A_1645 = arith.constant 1 : i32
    %dma_wait3A_1646 = arith.constant 0 : i32
    %dma_wait3A_1647 = arith.constant 0 : i32
    %dma_wait3A_1648 = tpu.memref_slice %arg14[%dma_wait3A_1645, %dma_wait3A_1646, %dma_wait3A_1647] : memref<4x128x128xf32, #tpu.memory_space<vmem>> -> memref<1x128x128xf32, #tpu.memory_space<vmem>>
    %dma_wait3A_1649 = tpu.memref_squeeze %dma_wait3A_1648 : memref<1x128x128xf32, #tpu.memory_space<vmem>> -> memref<128x128xf32, #tpu.memory_space<vmem>>
    %dma_wait3A_1650 = arith.constant 1152 : i32
    %dma_wait3A_1651 = tpu.memref_slice %arg13[%dma_wait3A_1650] : memref<1536xi32, #tpu.memory_space<vmem>> -> memref<128xi32, #tpu.memory_space<vmem>>
    %dma_wait3A_1652 = arith.constant 0 : i32
    %dma_wait3A_1653 = arith.constant 0 : i32
    %dma_wait3A_1654 = tpu.memref_slice %arg3[%dma_wait3A_1652, %dma_wait3A_1653] : memref<100000x128xf32, #tpu.memory_space<hbm>> -> memref<100000x128xf32, #tpu.memory_space<hbm>>
    tpu.wait_indirect_dma semaphore(%arg16 : memref<!tpu.dma_semaphore, #tpu.memory_space<semaphore_mem>>) src(%dma_wait3A_1654 : memref<100000x128xf32, #tpu.memory_space<hbm>>) dst(%dma_wait3A_1649 : memref<128x128xf32, #tpu.memory_space<vmem>>)
    %dma_start3A_1655 = arith.constant 1 : i32
    %dma_start3A_1656 = arith.constant 0 : i32
    %dma_start3A_1657 = arith.constant 0 : i32
    %dma_start3A_1658 = tpu.memref_slice %arg14[%dma_start3A_1655, %dma_start3A_1656, %dma_start3A_1657] : memref<4x128x128xf32, #tpu.memory_space<vmem>> -> memref<1x128x128xf32, #tpu.memory_space<vmem>>
    %dma_start3A_1659 = tpu.memref_squeeze %dma_start3A_1658 : memref<1x128x128xf32, #tpu.memory_space<vmem>> -> memref<128x128xf32, #tpu.memory_space<vmem>>
    %dma_start3A_1660 = arith.constant 0 : i32
    %dma_start3A_1661 = arith.constant 0 : i32
    %dma_start3A_1662 = tpu.memref_slice %arg9[%add3A_92, %dma_start3A_1660, %dma_start3A_1661] : memref<384x128x128xf32, #tpu.memory_space<hbm>> -> memref<1x128x128xf32, #tpu.memory_space<hbm>>
    %dma_start3A_1663 = tpu.memref_squeeze %dma_start3A_1662 : memref<1x128x128xf32, #tpu.memory_space<hbm>> -> memref<128x128xf32, #tpu.memory_space<hbm>>
    %dma_start3A_1664 = arith.constant 0 : i32
    %dma_start3A_1665 = arith.constant 0 : i32
    %dma_start3A_1666 = tpu.memref_slice %arg9[%add3A_92, %dma_start3A_1664, %dma_start3A_1665] : memref<384x128x128xf32, #tpu.memory_space<hbm>> -> memref<1x128x128xf32, #tpu.memory_space<hbm>>
    %dma_start3A_1667 = tpu.memref_squeeze %dma_start3A_1666 : memref<1x128x128xf32, #tpu.memory_space<hbm>> -> memref<128x128xf32, #tpu.memory_space<hbm>>
    %dma_start3A_1668 = arith.constant 0 : i32
    %dma_start3A_1669 = arith.constant 0 : i32
    %dma_start3A_1670 = tpu.memref_slice %arg14[%dma_start3A_1655, %dma_start3A_1668, %dma_start3A_1669] : memref<4x128x128xf32, #tpu.memory_space<vmem>> -> memref<1x128x128xf32, #tpu.memory_space<vmem>>
    %dma_start3A_1671 = tpu.memref_squeeze %dma_start3A_1670 : memref<1x128x128xf32, #tpu.memory_space<vmem>> -> memref<128x128xf32, #tpu.memory_space<vmem>>
    tpu.enqueue_dma source(%dma_start3A_1671 : memref<128x128xf32, #tpu.memory_space<vmem>>) target(%dma_start3A_1667 : memref<128x128xf32, #tpu.memory_space<hbm>>) target_semaphore(%arg20 : memref<!tpu.dma_semaphore, #tpu.memory_space<semaphore_mem>>)
    %dma_wait3A_1672 = arith.constant 2 : i32
    %dma_wait3A_1673 = arith.constant 0 : i32
    %dma_wait3A_1674 = arith.constant 0 : i32
    %dma_wait3A_1675 = tpu.memref_slice %arg14[%dma_wait3A_1672, %dma_wait3A_1673, %dma_wait3A_1674] : memref<4x128x128xf32, #tpu.memory_space<vmem>> -> memref<1x128x128xf32, #tpu.memory_space<vmem>>
    %dma_wait3A_1676 = tpu.memref_squeeze %dma_wait3A_1675 : memref<1x128x128xf32, #tpu.memory_space<vmem>> -> memref<128x128xf32, #tpu.memory_space<vmem>>
    %dma_wait3A_1677 = arith.constant 1280 : i32
    %dma_wait3A_1678 = tpu.memref_slice %arg13[%dma_wait3A_1677] : memref<1536xi32, #tpu.memory_space<vmem>> -> memref<128xi32, #tpu.memory_space<vmem>>
    %dma_wait3A_1679 = arith.constant 0 : i32
    %dma_wait3A_1680 = arith.constant 0 : i32
    %dma_wait3A_1681 = tpu.memref_slice %arg3[%dma_wait3A_1679, %dma_wait3A_1680] : memref<100000x128xf32, #tpu.memory_space<hbm>> -> memref<100000x128xf32, #tpu.memory_space<hbm>>
    tpu.wait_indirect_dma semaphore(%arg17 : memref<!tpu.dma_semaphore, #tpu.memory_space<semaphore_mem>>) src(%dma_wait3A_1681 : memref<100000x128xf32, #tpu.memory_space<hbm>>) dst(%dma_wait3A_1676 : memref<128x128xf32, #tpu.memory_space<vmem>>)
    %dma_start3A_1682 = arith.constant 2 : i32
    %dma_start3A_1683 = arith.constant 0 : i32
    %dma_start3A_1684 = arith.constant 0 : i32
    %dma_start3A_1685 = tpu.memref_slice %arg14[%dma_start3A_1682, %dma_start3A_1683, %dma_start3A_1684] : memref<4x128x128xf32, #tpu.memory_space<vmem>> -> memref<1x128x128xf32, #tpu.memory_space<vmem>>
    %dma_start3A_1686 = tpu.memref_squeeze %dma_start3A_1685 : memref<1x128x128xf32, #tpu.memory_space<vmem>> -> memref<128x128xf32, #tpu.memory_space<vmem>>
    %dma_start3A_1687 = arith.constant 0 : i32
    %dma_start3A_1688 = arith.constant 0 : i32
    %dma_start3A_1689 = tpu.memref_slice %arg9[%add3A_98, %dma_start3A_1687, %dma_start3A_1688] : memref<384x128x128xf32, #tpu.memory_space<hbm>> -> memref<1x128x128xf32, #tpu.memory_space<hbm>>
    %dma_start3A_1690 = tpu.memref_squeeze %dma_start3A_1689 : memref<1x128x128xf32, #tpu.memory_space<hbm>> -> memref<128x128xf32, #tpu.memory_space<hbm>>
    %dma_start3A_1691 = arith.constant 0 : i32
    %dma_start3A_1692 = arith.constant 0 : i32
    %dma_start3A_1693 = tpu.memref_slice %arg9[%add3A_98, %dma_start3A_1691, %dma_start3A_1692] : memref<384x128x128xf32, #tpu.memory_space<hbm>> -> memref<1x128x128xf32, #tpu.memory_space<hbm>>
    %dma_start3A_1694 = tpu.memref_squeeze %dma_start3A_1693 : memref<1x128x128xf32, #tpu.memory_space<hbm>> -> memref<128x128xf32, #tpu.memory_space<hbm>>
    %dma_start3A_1695 = arith.constant 0 : i32
    %dma_start3A_1696 = arith.constant 0 : i32
    %dma_start3A_1697 = tpu.memref_slice %arg14[%dma_start3A_1682, %dma_start3A_1695, %dma_start3A_1696] : memref<4x128x128xf32, #tpu.memory_space<vmem>> -> memref<1x128x128xf32, #tpu.memory_space<vmem>>
    %dma_start3A_1698 = tpu.memref_squeeze %dma_start3A_1697 : memref<1x128x128xf32, #tpu.memory_space<vmem>> -> memref<128x128xf32, #tpu.memory_space<vmem>>
    tpu.enqueue_dma source(%dma_start3A_1698 : memref<128x128xf32, #tpu.memory_space<vmem>>) target(%dma_start3A_1694 : memref<128x128xf32, #tpu.memory_space<hbm>>) target_semaphore(%arg21 : memref<!tpu.dma_semaphore, #tpu.memory_space<semaphore_mem>>)
    %dma_wait3A_1699 = arith.constant 3 : i32
    %dma_wait3A_1700 = arith.constant 0 : i32
    %dma_wait3A_1701 = arith.constant 0 : i32
    %dma_wait3A_1702 = tpu.memref_slice %arg14[%dma_wait3A_1699, %dma_wait3A_1700, %dma_wait3A_1701] : memref<4x128x128xf32, #tpu.memory_space<vmem>> -> memref<1x128x128xf32, #tpu.memory_space<vmem>>
    %dma_wait3A_1703 = tpu.memref_squeeze %dma_wait3A_1702 : memref<1x128x128xf32, #tpu.memory_space<vmem>> -> memref<128x128xf32, #tpu.memory_space<vmem>>
    %dma_wait3A_1704 = arith.constant 1408 : i32
    %dma_wait3A_1705 = tpu.memref_slice %arg13[%dma_wait3A_1704] : memref<1536xi32, #tpu.memory_space<vmem>> -> memref<128xi32, #tpu.memory_space<vmem>>
    %dma_wait3A_1706 = arith.constant 0 : i32
    %dma_wait3A_1707 = arith.constant 0 : i32
    %dma_wait3A_1708 = tpu.memref_slice %arg3[%dma_wait3A_1706, %dma_wait3A_1707] : memref<100000x128xf32, #tpu.memory_space<hbm>> -> memref<100000x128xf32, #tpu.memory_space<hbm>>
    tpu.wait_indirect_dma semaphore(%arg18 : memref<!tpu.dma_semaphore, #tpu.memory_space<semaphore_mem>>) src(%dma_wait3A_1708 : memref<100000x128xf32, #tpu.memory_space<hbm>>) dst(%dma_wait3A_1703 : memref<128x128xf32, #tpu.memory_space<vmem>>)
    %dma_start3A_1709 = arith.constant 3 : i32
    %dma_start3A_1710 = arith.constant 0 : i32
    %dma_start3A_1711 = arith.constant 0 : i32
    %dma_start3A_1712 = tpu.memref_slice %arg14[%dma_start3A_1709, %dma_start3A_1710, %dma_start3A_1711] : memref<4x128x128xf32, #tpu.memory_space<vmem>> -> memref<1x128x128xf32, #tpu.memory_space<vmem>>
    %dma_start3A_1713 = tpu.memref_squeeze %dma_start3A_1712 : memref<1x128x128xf32, #tpu.memory_space<vmem>> -> memref<128x128xf32, #tpu.memory_space<vmem>>
    %dma_start3A_1714 = arith.constant 0 : i32
    %dma_start3A_1715 = arith.constant 0 : i32
    %dma_start3A_1716 = tpu.memref_slice %arg9[%add3A_104, %dma_start3A_1714, %dma_start3A_1715] : memref<384x128x128xf32, #tpu.memory_space<hbm>> -> memref<1x128x128xf32, #tpu.memory_space<hbm>>
    %dma_start3A_1717 = tpu.memref_squeeze %dma_start3A_1716 : memref<1x128x128xf32, #tpu.memory_space<hbm>> -> memref<128x128xf32, #tpu.memory_space<hbm>>
    %dma_start3A_1718 = arith.constant 0 : i32
    %dma_start3A_1719 = arith.constant 0 : i32
    %dma_start3A_1720 = tpu.memref_slice %arg9[%add3A_104, %dma_start3A_1718, %dma_start3A_1719] : memref<384x128x128xf32, #tpu.memory_space<hbm>> -> memref<1x128x128xf32, #tpu.memory_space<hbm>>
    %dma_start3A_1721 = tpu.memref_squeeze %dma_start3A_1720 : memref<1x128x128xf32, #tpu.memory_space<hbm>> -> memref<128x128xf32, #tpu.memory_space<hbm>>
    %dma_start3A_1722 = arith.constant 0 : i32
    %dma_start3A_1723 = arith.constant 0 : i32
    %dma_start3A_1724 = tpu.memref_slice %arg14[%dma_start3A_1709, %dma_start3A_1722, %dma_start3A_1723] : memref<4x128x128xf32, #tpu.memory_space<vmem>> -> memref<1x128x128xf32, #tpu.memory_space<vmem>>
    %dma_start3A_1725 = tpu.memref_squeeze %dma_start3A_1724 : memref<1x128x128xf32, #tpu.memory_space<vmem>> -> memref<128x128xf32, #tpu.memory_space<vmem>>
    tpu.enqueue_dma source(%dma_start3A_1725 : memref<128x128xf32, #tpu.memory_space<vmem>>) target(%dma_start3A_1721 : memref<128x128xf32, #tpu.memory_space<hbm>>) target_semaphore(%arg22 : memref<!tpu.dma_semaphore, #tpu.memory_space<semaphore_mem>>)
    %dma_wait3A_1726 = arith.constant 0 : i32
    %dma_wait3A_1727 = arith.constant 0 : i32
    %dma_wait3A_1728 = arith.constant 0 : i32
    %dma_wait3A_1729 = tpu.memref_slice %arg14[%dma_wait3A_1726, %dma_wait3A_1727, %dma_wait3A_1728] : memref<4x128x128xf32, #tpu.memory_space<vmem>> -> memref<1x128x128xf32, #tpu.memory_space<vmem>>
    %dma_wait3A_1730 = tpu.memref_squeeze %dma_wait3A_1729 : memref<1x128x128xf32, #tpu.memory_space<vmem>> -> memref<128x128xf32, #tpu.memory_space<vmem>>
    %dma_wait3A_1731 = arith.constant 0 : i32
    %dma_wait3A_1732 = arith.constant 0 : i32
    %dma_wait3A_1733 = tpu.memref_slice %arg9[%add3A_86, %dma_wait3A_1731, %dma_wait3A_1732] : memref<384x128x128xf32, #tpu.memory_space<hbm>> -> memref<1x128x128xf32, #tpu.memory_space<hbm>>
    %dma_wait3A_1734 = tpu.memref_squeeze %dma_wait3A_1733 : memref<1x128x128xf32, #tpu.memory_space<hbm>> -> memref<128x128xf32, #tpu.memory_space<hbm>>
    %dma_wait3A_1735 = arith.constant 0 : i32
    %dma_wait3A_1736 = arith.constant 0 : i32
    %dma_wait3A_1737 = tpu.memref_slice %arg9[%add3A_86, %dma_wait3A_1735, %dma_wait3A_1736] : memref<384x128x128xf32, #tpu.memory_space<hbm>> -> memref<1x128x128xf32, #tpu.memory_space<hbm>>
    %dma_wait3A_1738 = tpu.memref_squeeze %dma_wait3A_1737 : memref<1x128x128xf32, #tpu.memory_space<hbm>> -> memref<128x128xf32, #tpu.memory_space<hbm>>
    %dma_wait3A_1739 = arith.constant 0 : i32
    %dma_wait3A_1740 = arith.constant 0 : i32
    %dma_wait3A_1741 = tpu.memref_slice %arg14[%dma_wait3A_1726, %dma_wait3A_1739, %dma_wait3A_1740] : memref<4x128x128xf32, #tpu.memory_space<vmem>> -> memref<1x128x128xf32, #tpu.memory_space<vmem>>
    %dma_wait3A_1742 = tpu.memref_squeeze %dma_wait3A_1741 : memref<1x128x128xf32, #tpu.memory_space<vmem>> -> memref<128x128xf32, #tpu.memory_space<vmem>>
    tpu.wait_dma2 semaphore(%arg19 : memref<!tpu.dma_semaphore, #tpu.memory_space<semaphore_mem>>) src(%dma_wait3A_1742 : memref<128x128xf32, #tpu.memory_space<vmem>>) dst(%dma_wait3A_1738 : memref<128x128xf32, #tpu.memory_space<hbm>>)
    %dma_wait3A_1743 = arith.constant 1 : i32
    %dma_wait3A_1744 = arith.constant 0 : i32
    %dma_wait3A_1745 = arith.constant 0 : i32
    %dma_wait3A_1746 = tpu.memref_slice %arg14[%dma_wait3A_1743, %dma_wait3A_1744, %dma_wait3A_1745] : memref<4x128x128xf32, #tpu.memory_space<vmem>> -> memref<1x128x128xf32, #tpu.memory_space<vmem>>
    %dma_wait3A_1747 = tpu.memref_squeeze %dma_wait3A_1746 : memref<1x128x128xf32, #tpu.memory_space<vmem>> -> memref<128x128xf32, #tpu.memory_space<vmem>>
    %dma_wait3A_1748 = arith.constant 0 : i32
    %dma_wait3A_1749 = arith.constant 0 : i32
    %dma_wait3A_1750 = tpu.memref_slice %arg9[%add3A_92, %dma_wait3A_1748, %dma_wait3A_1749] : memref<384x128x128xf32, #tpu.memory_space<hbm>> -> memref<1x128x128xf32, #tpu.memory_space<hbm>>
    %dma_wait3A_1751 = tpu.memref_squeeze %dma_wait3A_1750 : memref<1x128x128xf32, #tpu.memory_space<hbm>> -> memref<128x128xf32, #tpu.memory_space<hbm>>
    %dma_wait3A_1752 = arith.constant 0 : i32
    %dma_wait3A_1753 = arith.constant 0 : i32
    %dma_wait3A_1754 = tpu.memref_slice %arg9[%add3A_92, %dma_wait3A_1752, %dma_wait3A_1753] : memref<384x128x128xf32, #tpu.memory_space<hbm>> -> memref<1x128x128xf32, #tpu.memory_space<hbm>>
    %dma_wait3A_1755 = tpu.memref_squeeze %dma_wait3A_1754 : memref<1x128x128xf32, #tpu.memory_space<hbm>> -> memref<128x128xf32, #tpu.memory_space<hbm>>
    %dma_wait3A_1756 = arith.constant 0 : i32
    %dma_wait3A_1757 = arith.constant 0 : i32
    %dma_wait3A_1758 = tpu.memref_slice %arg14[%dma_wait3A_1743, %dma_wait3A_1756, %dma_wait3A_1757] : memref<4x128x128xf32, #tpu.memory_space<vmem>> -> memref<1x128x128xf32, #tpu.memory_space<vmem>>
    %dma_wait3A_1759 = tpu.memref_squeeze %dma_wait3A_1758 : memref<1x128x128xf32, #tpu.memory_space<vmem>> -> memref<128x128xf32, #tpu.memory_space<vmem>>
    tpu.wait_dma2 semaphore(%arg20 : memref<!tpu.dma_semaphore, #tpu.memory_space<semaphore_mem>>) src(%dma_wait3A_1759 : memref<128x128xf32, #tpu.memory_space<vmem>>) dst(%dma_wait3A_1755 : memref<128x128xf32, #tpu.memory_space<hbm>>)
    %dma_wait3A_1760 = arith.constant 2 : i32
    %dma_wait3A_1761 = arith.constant 0 : i32
    %dma_wait3A_1762 = arith.constant 0 : i32
    %dma_wait3A_1763 = tpu.memref_slice %arg14[%dma_wait3A_1760, %dma_wait3A_1761, %dma_wait3A_1762] : memref<4x128x128xf32, #tpu.memory_space<vmem>> -> memref<1x128x128xf32, #tpu.memory_space<vmem>>
    %dma_wait3A_1764 = tpu.memref_squeeze %dma_wait3A_1763 : memref<1x128x128xf32, #tpu.memory_space<vmem>> -> memref<128x128xf32, #tpu.memory_space<vmem>>
    %dma_wait3A_1765 = arith.constant 0 : i32
    %dma_wait3A_1766 = arith.constant 0 : i32
    %dma_wait3A_1767 = tpu.memref_slice %arg9[%add3A_98, %dma_wait3A_1765, %dma_wait3A_1766] : memref<384x128x128xf32, #tpu.memory_space<hbm>> -> memref<1x128x128xf32, #tpu.memory_space<hbm>>
    %dma_wait3A_1768 = tpu.memref_squeeze %dma_wait3A_1767 : memref<1x128x128xf32, #tpu.memory_space<hbm>> -> memref<128x128xf32, #tpu.memory_space<hbm>>
    %dma_wait3A_1769 = arith.constant 0 : i32
    %dma_wait3A_1770 = arith.constant 0 : i32
    %dma_wait3A_1771 = tpu.memref_slice %arg9[%add3A_98, %dma_wait3A_1769, %dma_wait3A_1770] : memref<384x128x128xf32, #tpu.memory_space<hbm>> -> memref<1x128x128xf32, #tpu.memory_space<hbm>>
    %dma_wait3A_1772 = tpu.memref_squeeze %dma_wait3A_1771 : memref<1x128x128xf32, #tpu.memory_space<hbm>> -> memref<128x128xf32, #tpu.memory_space<hbm>>
    %dma_wait3A_1773 = arith.constant 0 : i32
    %dma_wait3A_1774 = arith.constant 0 : i32
    %dma_wait3A_1775 = tpu.memref_slice %arg14[%dma_wait3A_1760, %dma_wait3A_1773, %dma_wait3A_1774] : memref<4x128x128xf32, #tpu.memory_space<vmem>> -> memref<1x128x128xf32, #tpu.memory_space<vmem>>
    %dma_wait3A_1776 = tpu.memref_squeeze %dma_wait3A_1775 : memref<1x128x128xf32, #tpu.memory_space<vmem>> -> memref<128x128xf32, #tpu.memory_space<vmem>>
    tpu.wait_dma2 semaphore(%arg21 : memref<!tpu.dma_semaphore, #tpu.memory_space<semaphore_mem>>) src(%dma_wait3A_1776 : memref<128x128xf32, #tpu.memory_space<vmem>>) dst(%dma_wait3A_1772 : memref<128x128xf32, #tpu.memory_space<hbm>>)
    %dma_wait3A_1777 = arith.constant 3 : i32
    %dma_wait3A_1778 = arith.constant 0 : i32
    %dma_wait3A_1779 = arith.constant 0 : i32
    %dma_wait3A_1780 = tpu.memref_slice %arg14[%dma_wait3A_1777, %dma_wait3A_1778, %dma_wait3A_1779] : memref<4x128x128xf32, #tpu.memory_space<vmem>> -> memref<1x128x128xf32, #tpu.memory_space<vmem>>
    %dma_wait3A_1781 = tpu.memref_squeeze %dma_wait3A_1780 : memref<1x128x128xf32, #tpu.memory_space<vmem>> -> memref<128x128xf32, #tpu.memory_space<vmem>>
    %dma_wait3A_1782 = arith.constant 0 : i32
    %dma_wait3A_1783 = arith.constant 0 : i32
    %dma_wait3A_1784 = tpu.memref_slice %arg9[%add3A_104, %dma_wait3A_1782, %dma_wait3A_1783] : memref<384x128x128xf32, #tpu.memory_space<hbm>> -> memref<1x128x128xf32, #tpu.memory_space<hbm>>
    %dma_wait3A_1785 = tpu.memref_squeeze %dma_wait3A_1784 : memref<1x128x128xf32, #tpu.memory_space<hbm>> -> memref<128x128xf32, #tpu.memory_space<hbm>>
    %dma_wait3A_1786 = arith.constant 0 : i32
    %dma_wait3A_1787 = arith.constant 0 : i32
    %dma_wait3A_1788 = tpu.memref_slice %arg9[%add3A_104, %dma_wait3A_1786, %dma_wait3A_1787] : memref<384x128x128xf32, #tpu.memory_space<hbm>> -> memref<1x128x128xf32, #tpu.memory_space<hbm>>
    %dma_wait3A_1789 = tpu.memref_squeeze %dma_wait3A_1788 : memref<1x128x128xf32, #tpu.memory_space<hbm>> -> memref<128x128xf32, #tpu.memory_space<hbm>>
    %dma_wait3A_1790 = arith.constant 0 : i32
    %dma_wait3A_1791 = arith.constant 0 : i32
    %dma_wait3A_1792 = tpu.memref_slice %arg14[%dma_wait3A_1777, %dma_wait3A_1790, %dma_wait3A_1791] : memref<4x128x128xf32, #tpu.memory_space<vmem>> -> memref<1x128x128xf32, #tpu.memory_space<vmem>>
    %dma_wait3A_1793 = tpu.memref_squeeze %dma_wait3A_1792 : memref<1x128x128xf32, #tpu.memory_space<vmem>> -> memref<128x128xf32, #tpu.memory_space<vmem>>
    tpu.wait_dma2 semaphore(%arg22 : memref<!tpu.dma_semaphore, #tpu.memory_space<semaphore_mem>>) src(%dma_wait3A_1793 : memref<128x128xf32, #tpu.memory_space<vmem>>) dst(%dma_wait3A_1789 : memref<128x128xf32, #tpu.memory_space<hbm>>)
    return
  }
}

</mosaic_0001>

<sc_bundles>
// kernel: kernel.3.cloned.1.call-start
scs
__scs_entry_jumppad:
0x0: {  	(pc) =	sbr.rel $0x88, $3  }
0x1: {  	(tag) =	ssettag $0x0;
	lr =	simm.s32 $0x1  }
0x2: {  	[smem:$0x3F9C] =	sst lr;
	_ =	strace $0xD0000000  }
0x3: {  	_ = 	snop  }
0x4: {  	_ = 	snop  }
0x5: {  	_ = 	snop  }
0x6: {  	_ = 	snop  }
0x7: {  	_ = 	snop  }
__scs_overlays_trampoline_lowered:
0x8: {  	[smem:$0x3FAB] =	sst s0  }
0x9: {  	[smem:$0x3FAC] =	sst s1  }
0xa: {  	[smem:$0x3FAD] =	sst s2  }
0xb: {  	[smem:$0x3FAE] =	sst s3  }
0xc: {  	[smem:$0x3FAF] =	sst s4  }
0xd: {  	[smem:$0x3FB0] =	sst s5  }
0xe: {  	[smem:$0x3FB1] =	sst s6  }
0xf: {  	[smem:$0x3FB2] =	sst s7  }
0x10: {  	[smem:$0x3FB3] =	sst s8  }
0x11: {  	[smem:$0x3FB4] =	sst s9;
	s0 =	simm.s32 @!p0 $0x0  }
0x12: {  	s1 =	sld [smem:$0x3F9A];
	s0 =	simm.s32 @p0 $0x1  }
0x13: {  	[smem:$0x3FB5] =	sst s0;
	s0 =	simm.s32 @!p1 $0x0  }
0x14: {  	s2 =	sld [smem:$0x3F99];
	s0 =	simm.s32 @p1 $0x1  }
0x15: {  	[smem:$0x3FB6] =	sst s0;
	s0 =	simm.s32 @!p2 $0x0  }
0x16: {  	s3 =	sld [smem:$0x3FDB];
	s0 =	simm.s32 @p2 $0x1  }
0x17: {  	s4 =	simm.s32 $0x1BF5;
	[smem:$0x3FB8] =	sst s0  }
0x18: {  	s0 =	sld [smem:$0x3F9B];
	_ =	swait.ge [sflag:s4], $0x0  }
0x19: {  	s7 =	sld [smem:$0x3F9C]  }
0x1a: {  	s8 =	sadd.s32 $0xFFFFE003, lr  }
0x1b: {  	s9 =	sadd.s32 $0xFFFFFEF7, lr;
	s5 =	simm.s32 $0xFFFFFFFF;
	p2 =	slt.u32 s8, $0xFFFFF086  }
0x1c: {  	p1 =	slt.u32 s9, $0xF7A;
	s5 =	simm.s32 @!p2 $0x0  }
0x1d: {  	s5 =	simm.s32 @p1 $0x1;
	p0 =	seq.s32 s7, s2  }
0x1e: {  	s7 =	smul.u32 @!p0 $0xF7A, s2;
	p2 =	seq.s32 @!p0 s5, $0x0  }
0x1f: {  	s9 =	smul.u32 $0xF7A, s1;
	s8 =	simm.s32 @!p0 $0x1BF5;
	p2 =	por !p2, p0  }
0x20: {  	[sflag:s8] =	ssyncset.s32 @!p0 $0xFFFFF086;
	s6 =	sadd.s32 @!p0 s3, s7;
	s7 =	simm.s32 @!p0 $0x108  }
0x21: {  	s3 =	sadd.s32 s3, s9;
	s6 =	sadd.s32 @!p0 $0x88, s6;
	s7 =	simm.s32 @p2 $0x1082  }
0x22: {  	[simem:s7], [sflag:s8] =	dma.local @!p0 [hbm:s6], $0xF7A  }
0x23: {  	s9 =	sor.u32 $0xD0000000, s2;
	s6 =	simm.s32 $0x108;
	_ =	swait.ge @!p0 [sflag:s8], $0x0  }
0x24: {  	s3 =	sadd.s32 $0x88, s3;
	s6 =	simm.s32 @!p1 $0x1082;
	[sflag:s4] =	ssyncset.s32 $0xFFFFF086  }
0x25: {  	[simem:s6], [sflag:s4] =	dma.local [hbm:s3], $0xF7A  }
0x26: {  	[smem:$0x3F9C] =	sst s1;
	(tag) =	ssettag s2;
	_ =	strace s9  }
0x27: {  	s1 =	sld [smem:$0x3FAC]  }
0x28: {  	s2 =	sld [smem:$0x3FAD]  }
0x29: {  	s4 =	sld [smem:$0x3FAF]  }
0x2a: {  	p0 =	seq.s32 s5, $0x0;
	s5 =	sld [smem:$0x3FB0]  }
0x2b: {  	s6 =	sld [smem:$0x3FB1]  }
0x2c: {  	s7 =	sld [smem:$0x3FB2]  }
0x2d: {  	s3 =	simm.s32 $0x108;
	s8 =	sld [smem:$0x3FB3]  }
0x2e: {  	s3 =	simm.s32 @!p0 $0x1082;
	s9 =	sld [smem:$0x3FB4]  }
0x2f: {  	lr =	sadd.s32 s0, s3;
	s0 =	sld [smem:$0x3FAB]  }
0x30: {  	s3 =	sld [smem:$0x3FAE]  }
0x31: {  	[smem:$0x3FB7] =	sst s10  }
0x32: {  	s10 =	sld [smem:$0x3FB5];
	_ =	sdelay $0x3  }
0x33: {  	p0 =	seq.s32 s10, $0x1;
	s10 =	sld [smem:$0x3FB7];
	_ =	sdelay $0x3  }
0x34: {  	[smem:$0x3FB7] =	sst s10  }
0x35: {  	s10 =	sld [smem:$0x3FB6];
	_ =	sdelay $0x3  }
0x36: {  	p1 =	seq.s32 s10, $0x1;
	s10 =	sld [smem:$0x3FB7];
	_ =	sdelay $0x3  }
0x37: {  	[smem:$0x3FB7] =	sst s10  }
0x38: {  	s10 =	sld [smem:$0x3FB8]  }
0x39: {  	_ = 	snop;
	(pc) =	sbr.ind lr, $3  }
0x3a: {  	_ = 	snop  }
0x3b: {  	_ = 	snop  }
0x3c: {  	p2 =	seq.s32 s10, $0x1;
	s10 =	sld [smem:$0x3FB7]  }
0x3d: {  	_ =	shalt  }
0x3e: {  	_ =	shalt  }
0x3f: {  	_ =	shalt  }
0x40: {  	_ =	shalt  }
0x41: {  	_ =	shalt  }
0x42: {  	_ =	shalt  }
0x43: {  	_ =	shalt  }
0x44: {  	_ =	shalt  }
0x45: {  	_ =	shalt  }
0x46: {  	_ =	shalt  }
0x47: {  	_ =	shalt  }
0x48: {  	_ =	shalt  }
0x49: {  	_ =	shalt  }
0x4a: {  	_ =	shalt  }
0x4b: {  	_ =	shalt  }
0x4c: {  	_ =	shalt  }
0x4d: {  	_ =	shalt  }
0x4e: {  	_ =	shalt  }
0x4f: {  	_ =	shalt  }
0x50: {  	_ =	shalt  }
0x51: {  	_ =	shalt  }
0x52: {  	_ =	shalt  }
0x53: {  	_ =	shalt  }
0x54: {  	_ =	shalt  }
0x55: {  	_ =	shalt  }
0x56: {  	_ =	shalt  }
0x57: {  	_ =	shalt  }
0x58: {  	_ =	shalt  }
0x59: {  	_ =	shalt  }
0x5a: {  	_ =	shalt  }
0x5b: {  	_ =	shalt  }
0x5c: {  	_ =	shalt  }
0x5d: {  	_ =	shalt  }
0x5e: {  	_ =	shalt  }
0x5f: {  	_ =	shalt  }
0x60: {  	_ =	shalt  }
0x61: {  	_ =	shalt  }
0x62: {  	_ =	shalt  }
0x63: {  	_ =	shalt  }
0x64: {  	_ =	shalt  }
0x65: {  	_ =	shalt  }
0x66: {  	_ =	shalt  }
0x67: {  	_ =	shalt  }
0x68: {  	_ =	shalt  }
0x69: {  	_ =	shalt  }
0x6a: {  	_ =	shalt  }
0x6b: {  	_ =	shalt  }
0x6c: {  	_ =	shalt  }
0x6d: {  	_ =	shalt  }
0x6e: {  	_ =	shalt  }
0x6f: {  	_ =	shalt  }
0x70: {  	_ =	shalt  }
0x71: {  	_ =	shalt  }
0x72: {  	_ =	shalt  }
0x73: {  	_ =	shalt  }
0x74: {  	_ =	shalt  }
0x75: {  	_ =	shalt  }
0x76: {  	_ =	shalt  }
0x77: {  	_ =	shalt  }
0x78: {  	_ =	shalt  }
0x79: {  	_ =	shalt  }
0x7a: {  	_ =	shalt  }
0x7b: {  	_ =	shalt  }
0x7c: {  	_ =	shalt  }
0x7d: {  	_ =	shalt  }
0x7e: {  	_ =	shalt  }
0x7f: {  	_ =	shalt  }
0x80: {  	_ =	shalt  }
0x81: {  	_ =	shalt  }
0x82: {  	_ =	shalt  }
0x83: {  	_ =	shalt  }
0x84: {  	_ =	shalt  }
0x85: {  	_ =	shalt  }
0x86: {  	_ =	shalt  }
0x87: {  	_ =	shalt  }
.Lfunc_end0:
.L_simem_size_0:
called_computation_lowered:
.L_overlay_start_0:
0x88: {  	s2 =	sld [smem:$0x3FD9]  }
0x89: {  	s3 =	sld [smem:$0x3FFE];
	_ =	sdelay $0x1  }
0x8a: {  	s1 =	srdreg.scid  }
0x8b: {  	s0 =	sand.u32 $0x1, s1  }
0x8c: {  	s15 =	sshll.u32 s0, $0xA;
	s2 =	sadd.s32 s3, s2  }
0x8d: {  	s2 =	sadd.s32 s2, s15  }
0x8e: {  	[smem:$0x3FC3] =	sst s2  }
0x8f: {  	_ = 	snop  }
0x90: {  	s2 =	sld [smem:$0x3FC9]  }
0x91: {  	s16 =	sld [smem:$0x3FC8]  }
0x92: {  	s4 =	sld [smem:$0x3FD0]  }
0x93: {  	s5 =	sld [smem:$0x3FC7]  }
0x94: {  	s6 =	sld [smem:$0x3FC6]  }
0x95: {  	s8 =	simm.s32 $0xA;
	s9 =	simm.s32 $0x10;
	s7 =	sld [smem:$0x3FC5]  }
0x96: {  	[smem:s9], [sflag:s8] =	dma.local [hbm:s4], $0x1  }
0x97: {  	_ =	swait.eq [sflag:s8], $0x1  }
0x98: {  	s17 =	sld [smem:$0x10];
	[sflag:s8] =	ssyncset.done $0x0  }
0x99: {  	s18 =	sld [smem:$0x11];
	[sflag:s8] =	ssyncadd.s32 $0xFFFFFFFF  }
0x9a: {  	s19 =	sld [smem:$0x12];
	(tm) =	ssettm $0x1  }
0x9b: {  	s10 =	sld [smem:$0x3FFB];
	_ =	sdelay $0x3  }
0x9c: {  	_ =	strace s10  }
0x9d: {  	s10 =	sld [smem:$0x3FFC];
	_ =	sdelay $0x3  }
0x9e: {  	_ =	strace s10  }
0x9f: {  	s10 =	sld [smem:$0x3FFD];
	_ =	sdelay $0x3  }
0xa0: {  	_ =	strace s10  }
0xa1: {  	_ =	strace $0x8FFFFFFF  }
0xa2: {  	s20 =	sld [smem:$0x3FDB];
	_ =	sdelay $0x1  }
0xa3: {  	s11 =	simm.s32 $_scs_section_size  }
0xa4: {  	s12 =	simm.s32 $_size__tile_overlayer_lowered;
	s13 =	simm.s32 $_tile_overlayer_lowered  }
0xa5: {  	s23 =	simm.s32 $0x1BFF;
	s22 =	sshll.u32 s13, $0x1;
	s10 =	sadd.s32 s11, s20  }
0xa6: {  	s14 =	simm.s32 $0x0;
	s21 =	sshll.u32 s12, $0x1;
	s12 =	sadd.s32 s22, s10  }
0xa7: {  	[timem:s14], [sflag:s23] =	dma.local [hbm:s12], s21  }
0xa8: {  	_ =	swait.ge [sflag:s23], s21  }
0xa9: {  	s11 =	ssub.s32 $0x0, s21;
	[sflag:s23] =	ssyncset.done $0x0  }
0xaa: {  	[sflag:s23] =	ssyncadd.s32 s11;
	_ =	sdelay $0x1  }
0xab: {  	s24 =	simm.s32 $0x1B8B  }
0xac: {  	_ =	swait.ge [sflag:s24], $0x1  }
0xad: {  	[sflag:s24] =	ssyncset.done $0x0  }
0xae: {  	s25 =	simm.s32 $0x1B8E;
	[sflag:s24] =	ssyncadd.s32 $0xFFFFFFFF  }
0xaf: {  	s26 =	simm.s32 $execute0_lowered;
	[smem:$0x3FD2] =	sst s25  }
0xb0: {  	s11 =	sshll.u32 s26, $0x1;
	_ =	strace $0x80000046;
	[dreg:$0x1] =	wrdreg $0xFFFFFFFF  }
0xb1: {  	s28 =	simm.s32 $_size_execute0_lowered;
	s10 =	sadd.s32 s10, s11;
	[dreg:$0x0] =	wrdreg $0x0  }
0xb2: {  	s11 =	sshll.u32 s28, $0x1;
	[dreg:$0x2] =	wrdreg s10  }
0xb3: {  	[dreg:$0x3] =	wrdreg s11  }
0xb4: {  	[dreg:$0x4] =	wrdreg $0xC0  }
0xb5: {  	_ =	task [dreg:s14], $0x5FFFF  }
0xb6: {  	[dreg:$0x1] =	wrdreg $0xFFFFFFFF  }
0xb7: {  	[dreg:$0x0] =	wrdreg $0x60  }
0xb8: {  	[dreg:$0x2] =	wrdreg s6  }
0xb9: {  	[dreg:$0x3] =	wrdreg s7  }
0xba: {  	[dreg:$0x4] =	wrdreg s2  }
0xbb: {  	[dreg:$0x5] =	wrdreg s16  }
0xbc: {  	[dreg:$0x6] =	wrdreg s5  }
0xbd: {  	[dreg:$0x7] =	wrdreg s17  }
0xbe: {  	[dreg:$0x8] =	wrdreg s18  }
0xbf: {  	[dreg:$0x9] =	wrdreg s19  }
0xc0: {  	[dreg:$0xa] =	wrdreg $0x9  }
0xc1: {  	_ =	task.clear_ibuf [dreg:s14], $0xBFFFF;
	_ =	strace $0x90000046  }
0xc2: {  	s29 =	simm.s32 $0x9;
	_ =	strace $0x80000048  }
0xc3: {  	_ =	swait.ge [sflag:s29], $0x1  }
0xc4: {  	[sflag:s29] =	ssyncadd.s32 $0xFFFFFFFF  }
0xc5: {  	_ =	strace $0x90000048  }
0xc6: {  	_ =	sfence  }
0xc7: {  	s30 =	sld [smem:$0x0];
	_ =	sdelay $0x2  }
0xc8: {  	s31 =	sshll.u32 s1, $0xD;
	s1 =	sshrl.u32 s1, $0x2  }
0xc9: {  	s3 =	sand.u32 $0x4000, s31;
	s1 =	sadd.s32 s1, s30  }
0xca: {  	s0 =	sor.u32 s3, s0;
	s1 =	sshll.u32 s1, $0x11  }
0xcb: {  	s0 =	sor.u32 s1, s0  }
0xcc: {  	s0 =	sadd.s32 $0x8F2B, s0  }
0xcd: {  	[sflag:s0] =	ssyncadd.remote.s32 $0x1  }
0xce: {  	_ =	sfence.sel $0xFFFF  }
0xcf: {  	[dreg:$0x0] =	wrdreg $0xFFFFFFFF;
	(pc) =	sbr.abs _section_cstart, $3  }
0xd0: {  	[dreg:$0x1] =	wrdreg $0xFFFFFFFF  }
0xd1: {  	_ =	task.clear_ibuf [dreg:s14], $0x2FFFF;
	_ =	strace $0x9FFFFFFF  }
0xd2: {  	(tm) =	ssettm $0x7FFFFFFF  }
0xd3: {  	_ =	shalt  }
tec
execute0_lowered:
.L_overlay_start_1:
0x0: {  	(tag) =	ssettag $0x1  }
0x1: {  	s0 =	rddreg [dreg:$0x0]  }
0x2: {  	s1 =	rddreg [dreg:$0x1]  }
0x3: {  	s5 =	rddreg [dreg:$0x2]  }
0x4: {  	s6 =	rddreg [dreg:$0x3]  }
0x5: {  	s7 =	rddreg [dreg:$0x4]  }
0x6: {  	s3 =	srdreg.scid;
	s2 =	stileid.u32  }
0x7: {  	s8 =	rddreg [dreg:$0x5];
	s3 =	sand.u32 $0x1, s3;
	s11 =	sshll.u32 s2, $0x1  }
0x8: {  	s9 =	rddreg [dreg:$0x6];
	s4 =	simm.s32 $0x0;
	s11 =	sor.u32 s3, s11  }
0x9: {  	[smem:$0x7FF] =	sst s4;
	s12 =	sshll.u32 s11, $0x6  }
0xa: {  	s10 =	rddreg [dreg:$0x7];
	_ =	strace $0x80000047;
	s5 =	sadd.s32 s5, s12  }
0xb: {  	s16 =	sshll.u32 s11, $0xD;
	s15 =	sadd.s32 s6, s12;
	[dreg:$0x9] =	wrdreg s5  }
0xc: {  	s13 =	smul.u32 $0xC0, s11;
	s18 =	sadd.s32 s8, s16;
	[dreg:$0xa] =	wrdreg s15  }
0xd: {  	s28 =	simm.s32 $0xD80;
	s24 =	sadd.s32 s9, s16;
	[dreg:$0xc] =	wrdreg s18  }
0xe: {  	s19 =	sor.u32 $0x800, s16;
	s17 =	sadd.s32 s7, s13;
	[dreg:$0x10] =	wrdreg s24  }
0xf: {  	s11 =	sor.u32 $0x1000, s16;
	s20 =	sadd.s32 s8, s19;
	[dreg:$0xb] =	wrdreg s17  }
0x10: {  	s22 =	sor.u32 $0x1800, s16;
	s21 =	sadd.s32 s8, s11;
	[dreg:$0xd] =	wrdreg s20  }
0x11: {  	s29 =	simm.s32 $0xE00;
	s23 =	sadd.s32 s8, s22;
	[dreg:$0xe] =	wrdreg s21  }
0x12: {  	v0 =	vlaneseq.u32;
	s30 =	simm.s32 $0xE80;
	s25 =	sadd.s32 s9, s19;
	[dreg:$0xf] =	wrdreg s23  }
0x13: {  	s31 =	simm.s32 $0xF00;
	v0 =	vmul.u32 $0x3, v0;
	s26 =	sadd.s32 s9, s11;
	[dreg:$0x11] =	wrdreg s25  }
0x14: {  	s3 =	ssub.s32 $0x2, s3;
	s2 =	sadd.s32 s9, s22;
	[dreg:$0x12] =	wrdreg s26  }
0x15: {  	v1 =	vadd.s32 $0x30, v0;
	v3 =	vadd.s32 $0x90, v0;
	v4 =	vor.u32 $0xC0, v0;
	s7 =	sadd.s32 s10, s19;
	s8 =	sadd.s32 s10, s11;
	[dreg:$0x13] =	wrdreg s2  }
0x16: {  	v5 =	vadd.s32 $0xF0, v0;
	v6 =	vadd.s32 $0x120, v0;
	v7 =	vadd.s32 $0x150, v0;
	s5 =	sadd.s32 s10, s16;
	s9 =	sadd.s32 s10, s22;
	[dreg:$0x14] =	wrdreg s7  }
0x17: {  	v8 =	vor.u32 $0x180, v0;
	v9 =	vadd.s32 $0x1B0, v0;
	v10 =	vadd.s32 $0x1E0, v0;
	s19 =	simm.s32 $0x100;
	s22 =	simm.s32 $0x300;
	[dreg:$0x15] =	wrdreg s8  }
0x18: {  	v11 =	vadd.s32 $0x210, v0;
	v12 =	vor.u32 $0x240, v0;
	v13 =	vadd.s32 $0x270, v0;
	s24 =	simm.s32 $0xA00;
	[dreg:$0x16] =	wrdreg s9;
	s10 =	sadd.s32 $0x40000, s5  }
0x19: {  	v14 =	vadd.s32 $0x2A0, v0;
	v15 =	vadd.s32 $0x2D0, v0;
	v16 =	vor.u32 $0x300, v0;
	s11 =	sadd.s32 $0x40800, s5;
	s12 =	sadd.s32 $0x41000, s5;
	[dreg:$0x1f] =	wrdreg s19  }
0x1a: {  	v17 =	vadd.s32 $0x330, v0;
	v18 =	vadd.s32 $0x360, v0;
	v19 =	vadd.s32 $0x390, v0;
	s13 =	sadd.s32 $0x41800, s5;
	s14 =	sadd.s32 $0x80000, s5;
	[smem:$0x7F9] =	sst s22  }
0x1b: {  	v20 =	vor.u32 $0x3C0, v0;
	v21 =	vadd.s32 $0x3F0, v0;
	v22 =	vadd.s32 $0x420, v0;
	s15 =	sadd.s32 $0x80800, s5;
	s16 =	sadd.s32 $0x81000, s5;
	[smem:$0x7FB] =	sst s24  }
0x1c: {  	v23 =	vadd.s32 $0x450, v0;
	v24 =	vor.u32 $0x480, v0;
	v25 =	vadd.s32 $0x4B0, v0;
	s17 =	sshrl.u32 s3, $0x1;
	s18 =	sadd.s32 $0x81800, s5;
	[dreg:$0x17] =	wrdreg s10  }
0x1d: {  	v26 =	vadd.s32 $0x4E0, v0;
	v27 =	vadd.s32 $0x510, v0;
	v28 =	vor.u32 $0x540, v0;
	s7 =	simm.s32 $0x9;
	s8 =	simm.s32 $0x80;
	[dreg:$0x18] =	wrdreg s11  }
0x1e: {  	v29 =	vadd.s32 $0x570, v0;
	v30 =	vadd.s32 $0x5A0, v0;
	v31 =	vadd.s32 $0x5D0, v0;
	s9 =	simm.s32 $0x1000;
	s20 =	simm.s32 $0x180;
	[dreg:$0x19] =	wrdreg s12  }
0x1f: {  	v32 =	vadd.s32 $0x1, v0;
	v33 =	vadd.s32 $0x31, v0;
	v34 =	vadd.s32 $0x61, v0;
	s21 =	simm.s32 $0x280;
	s23 =	simm.s32 $0x380;
	[dreg:$0x1a] =	wrdreg s13  }
0x20: {  	v35 =	vadd.s32 $0x91, v0;
	v36 =	vadd.s32 $0xC1, v0;
	v37 =	vadd.s32 $0xF1, v0;
	s19 =	simm.s32 $0x3;
	s25 =	simm.s32 $0xA80;
	[dreg:$0x1b] =	wrdreg s14  }
0x21: {  	v38 =	vadd.s32 $0x121, v0;
	v39 =	vadd.s32 $0x151, v0;
	v40 =	vadd.s32 $0x181, v0;
	s26 =	simm.s32 $0xB00;
	s22 =	simm.s32 $0x8;
	[dreg:$0x1c] =	wrdreg s15  }
0x22: {  	v41 =	vadd.s32 $0x1B1, v0;
	v42 =	vadd.s32 $0x1E1, v0;
	v43 =	vadd.s32 $0x211, v0;
	s24 =	simm.s32 $0xC00;
	[dreg:$0x1d] =	wrdreg s16;
	s3 =	ssub.s32 s3, s17  }
0x23: {  	v44 =	vadd.s32 $0x241, v0;
	v45 =	vadd.s32 $0x271, v0;
	v46 =	vadd.s32 $0x2A1, v0;
	[dreg:$0x1e] =	wrdreg s18;
	s10 =	simm.s32 $0x5000;
	s11 =	simm.s32 $0x9000  }
0x24: {  	v47 =	vadd.s32 $0x2D1, v0;
	v48 =	vadd.s32 $0x301, v0;
	v49 =	vadd.s32 $0x331, v0;
	s12 =	simm.s32 $0x200;
	s13 =	simm.s32 $0x400;
	[smem:$0x7F7] =	sst s20  }
0x25: {  	v50 =	vadd.s32 $0x361, v0;
	v51 =	vadd.s32 $0x391, v0;
	v52 =	vadd.s32 $0x3C1, v0;
	s14 =	simm.s32 $0xD000;
	s15 =	simm.s32 $0x1;
	[smem:$0x7F8] =	sst s21  }
0x26: {  	v53 =	vadd.s32 $0x3F1, v0;
	v54 =	vadd.s32 $0x421, v0;
	v55 =	vadd.s32 $0x451, v0;
	s16 =	simm.s32 $0x5;
	s17 =	simm.s32 $0x2;
	[smem:$0x7FA] =	sst s23  }
0x27: {  	v56 =	vadd.s32 $0x481, v0;
	v57 =	vadd.s32 $0x4B1, v0;
	v58 =	vadd.s32 $0x4E1, v0;
	s18 =	simm.s32 $0x6;
	s20 =	simm.s32 $0x7;
	[smem:$0x7FC] =	sst s25  }
0x28: {  	v59 =	vadd.s32 $0x511, v0;
	v60 =	vadd.s32 $0x541, v0;
	[tilespmem:$0x1FFE0] =	vst v1;
	v1 =	vadd.s32 $0x60, v0;
	s21 =	simm.s32 $0x4;
	[smem:$0x7FD] =	sst s26;
	s25 =	simm.s32 $0xC80  }
0x29: {  	v61 =	vadd.s32 $0x571, v0;
	v62 =	vadd.s32 $0x5A1, v0;
	v63 =	vadd.s32 $0x5D1, v0;
	[tilespmem:$0x1FFF0] =	vst v1;
	s26 =	simm.s32 $0xD00;
	s6 =	smax.u32 s3, $0x1;
	s3 =	simm.s32 $0xF80  }
.LBB2_1:
0x2a: {  	s2 =	rddreg [dreg:$0x9]  }
0x2b: {  	[tilespmem:s4], [sflag:$0x9] =	stream.linear.gather [hbm4b:s2+s4], $0x200, $0x38;
	[tilespmem:$0x11000] =	vst v63  }
0x2c: {  	_ =	swait.ge [sflag:s7], $0x200  }
0x2d: {  	[sflag:s7] =	ssyncset.done $0x0  }
0x2e: {  	[sflag:s7] =	ssyncadd.s32 $0xFFFFFE00  }
0x2f: {  	[tilespmem:s9], [sflag:$0x1] =	stream.indirect.gather [hbm4b:s0+s8], $0x80, s4, s8, $0xb8;
	[tilespmem:$0x11000] =	vst v63  }
0x30: {  	_ = 	snop  }
0x31: {  	[tilespmem:s10], [sflag:$0x2] =	stream.indirect.gather [hbm4b:s0+s8], $0x80, s8, s8, $0xb8;
	[tilespmem:$0x11000] =	vst v63  }
0x32: {  	s2 =	rddreg [dreg:$0x1f]  }
0x33: {  	[tilespmem:s11], [sflag:$0x3] =	stream.indirect.gather [hbm4b:s0+s8], $0x80, s2, s8, $0xb8;
	[tilespmem:$0x11000] =	vst v63  }
0x34: {  	s23 =	rddreg [dreg:$0xa]  }
0x35: {  	[tilespmem:s12], [sflag:$0x9] =	stream.linear.gather [hbm4b:s23+s4], $0x200, $0x38;
	[tilespmem:$0x11000] =	vst v63  }
0x36: {  	_ =	swait.ge [sflag:s7], $0x200  }
0x37: {  	[sflag:s7] =	ssyncset.done $0x0  }
0x38: {  	s23 =	rddreg [dreg:$0xb];
	[sflag:s7] =	ssyncadd.s32 $0xFFFFFE00  }
0x39: {  	[tilespmem:s13], [sflag:$0x9] =	stream.linear.gather [hbm4b:s23+s4], $0x600, $0x38;
	[tilespmem:$0x11000] =	vst v63  }
0x3a: {  	_ =	swait.ge [sflag:s7], $0x600  }
0x3b: {  	[sflag:s7] =	ssyncset.done $0x0  }
0x3c: {  	[sflag:s7] =	ssyncadd.s32 $0xFFFFFA00  }
0x3d: {  	v1 =	vld.idx.msk [tilespmem:v0+s13+$0x0], $0xffff;
	_ =	sdelay $0x4  }
0x3e: {  	[tilespmem:$0xA00] =	vst v1;
	v1 =	vld [tilespmem:$0x1FFE0];
	_ =	sdelay $0x7  }
0x3f: {  	v1 =	vld.idx.msk [tilespmem:v1+s13+$0x0], $0xffff;
	_ =	sdelay $0x4  }
0x40: {  	[tilespmem:$0xA10] =	vst v1;
	v1 =	vld [tilespmem:$0x1FFF0];
	_ =	sdelay $0x7  }
0x41: {  	v1 =	vld.idx.msk [tilespmem:v1+s13+$0x0], $0xffff;
	_ =	sdelay $0x4  }
0x42: {  	[tilespmem:$0xA20] =	vst v1  }
0x43: {  	v1 =	vld.idx.msk [tilespmem:v3+s13+$0x0], $0xffff;
	_ =	sdelay $0x4  }
0x44: {  	[tilespmem:$0xA30] =	vst v1  }
0x45: {  	v1 =	vld.idx.msk [tilespmem:v4+s13+$0x0], $0xffff;
	_ =	sdelay $0x4  }
0x46: {  	[tilespmem:$0xA40] =	vst v1  }
0x47: {  	v1 =	vld.idx.msk [tilespmem:v5+s13+$0x0], $0xffff;
	_ =	sdelay $0x4  }
0x48: {  	[tilespmem:$0xA50] =	vst v1  }
0x49: {  	v1 =	vld.idx.msk [tilespmem:v6+s13+$0x0], $0xffff;
	_ =	sdelay $0x4  }
0x4a: {  	[tilespmem:$0xA60] =	vst v1  }
0x4b: {  	v1 =	vld.idx.msk [tilespmem:v7+s13+$0x0], $0xffff;
	_ =	sdelay $0x4  }
0x4c: {  	[tilespmem:$0xA70] =	vst v1  }
0x4d: {  	v1 =	vld.idx.msk [tilespmem:v8+s13+$0x0], $0xffff;
	_ =	sdelay $0x4  }
0x4e: {  	[tilespmem:$0xA80] =	vst v1  }
0x4f: {  	v1 =	vld.idx.msk [tilespmem:v9+s13+$0x0], $0xffff;
	_ =	sdelay $0x4  }
0x50: {  	[tilespmem:$0xA90] =	vst v1  }
0x51: {  	v1 =	vld.idx.msk [tilespmem:v10+s13+$0x0], $0xffff;
	_ =	sdelay $0x4  }
0x52: {  	[tilespmem:$0xAA0] =	vst v1  }
0x53: {  	v1 =	vld.idx.msk [tilespmem:v11+s13+$0x0], $0xffff;
	_ =	sdelay $0x4  }
0x54: {  	[tilespmem:$0xAB0] =	vst v1  }
0x55: {  	v1 =	vld.idx.msk [tilespmem:v12+s13+$0x0], $0xffff;
	_ =	sdelay $0x4  }
0x56: {  	[tilespmem:$0xAC0] =	vst v1  }
0x57: {  	v1 =	vld.idx.msk [tilespmem:v13+s13+$0x0], $0xffff;
	_ =	sdelay $0x4  }
0x58: {  	[tilespmem:$0xAD0] =	vst v1  }
0x59: {  	v1 =	vld.idx.msk [tilespmem:v14+s13+$0x0], $0xffff;
	_ =	sdelay $0x4  }
0x5a: {  	[tilespmem:$0xAE0] =	vst v1  }
0x5b: {  	v1 =	vld.idx.msk [tilespmem:v15+s13+$0x0], $0xffff;
	_ =	sdelay $0x4  }
0x5c: {  	[tilespmem:$0xAF0] =	vst v1  }
0x5d: {  	v1 =	vld.idx.msk [tilespmem:v16+s13+$0x0], $0xffff;
	_ =	sdelay $0x4  }
0x5e: {  	[tilespmem:$0xB00] =	vst v1  }
0x5f: {  	v1 =	vld.idx.msk [tilespmem:v17+s13+$0x0], $0xffff;
	_ =	sdelay $0x4  }
0x60: {  	[tilespmem:$0xB10] =	vst v1  }
0x61: {  	v1 =	vld.idx.msk [tilespmem:v18+s13+$0x0], $0xffff;
	_ =	sdelay $0x4  }
0x62: {  	[tilespmem:$0xB20] =	vst v1  }
0x63: {  	v1 =	vld.idx.msk [tilespmem:v19+s13+$0x0], $0xffff;
	_ =	sdelay $0x4  }
0x64: {  	[tilespmem:$0xB30] =	vst v1  }
0x65: {  	v1 =	vld.idx.msk [tilespmem:v20+s13+$0x0], $0xffff;
	_ =	sdelay $0x4  }
0x66: {  	[tilespmem:$0xB40] =	vst v1  }
0x67: {  	v1 =	vld.idx.msk [tilespmem:v21+s13+$0x0], $0xffff;
	_ =	sdelay $0x4  }
0x68: {  	[tilespmem:$0xB50] =	vst v1  }
0x69: {  	v1 =	vld.idx.msk [tilespmem:v22+s13+$0x0], $0xffff;
	_ =	sdelay $0x4  }
0x6a: {  	[tilespmem:$0xB60] =	vst v1  }
0x6b: {  	v1 =	vld.idx.msk [tilespmem:v23+s13+$0x0], $0xffff;
	_ =	sdelay $0x4  }
0x6c: {  	[tilespmem:$0xB70] =	vst v1  }
0x6d: {  	v1 =	vld.idx.msk [tilespmem:v24+s13+$0x0], $0xffff;
	_ =	sdelay $0x4  }
0x6e: {  	[tilespmem:$0xB80] =	vst v1  }
0x6f: {  	v1 =	vld.idx.msk [tilespmem:v25+s13+$0x0], $0xffff;
	_ =	sdelay $0x4  }
0x70: {  	[tilespmem:$0xB90] =	vst v1  }
0x71: {  	v1 =	vld.idx.msk [tilespmem:v26+s13+$0x0], $0xffff;
	_ =	sdelay $0x4  }
0x72: {  	[tilespmem:$0xBA0] =	vst v1  }
0x73: {  	v1 =	vld.idx.msk [tilespmem:v27+s13+$0x0], $0xffff;
	_ =	sdelay $0x4  }
0x74: {  	[tilespmem:$0xBB0] =	vst v1  }
0x75: {  	v1 =	vld.idx.msk [tilespmem:v28+s13+$0x0], $0xffff;
	_ =	sdelay $0x4  }
0x76: {  	[tilespmem:$0xBC0] =	vst v1  }
0x77: {  	v1 =	vld.idx.msk [tilespmem:v29+s13+$0x0], $0xffff;
	_ =	sdelay $0x4  }
0x78: {  	[tilespmem:$0xBD0] =	vst v1  }
0x79: {  	v1 =	vld.idx.msk [tilespmem:v30+s13+$0x0], $0xffff;
	_ =	sdelay $0x4  }
0x7a: {  	[tilespmem:$0xBE0] =	vst v1  }
0x7b: {  	v1 =	vld.idx.msk [tilespmem:v31+s13+$0x0], $0xffff;
	_ =	sdelay $0x4  }
0x7c: {  	[tilespmem:$0xBF0] =	vst v1  }
0x7d: {  	v1 =	vld.idx.msk [tilespmem:v32+s13+$0x0], $0xffff;
	_ =	sdelay $0x4  }
0x7e: {  	[tilespmem:$0xC00] =	vst v1  }
0x7f: {  	v1 =	vld.idx.msk [tilespmem:v33+s13+$0x0], $0xffff;
	_ =	sdelay $0x4  }
0x80: {  	[tilespmem:$0xC10] =	vst v1  }
0x81: {  	v1 =	vld.idx.msk [tilespmem:v34+s13+$0x0], $0xffff;
	_ =	sdelay $0x4  }
0x82: {  	[tilespmem:$0xC20] =	vst v1  }
0x83: {  	v1 =	vld.idx.msk [tilespmem:v35+s13+$0x0], $0xffff;
	_ =	sdelay $0x4  }
0x84: {  	[tilespmem:$0xC30] =	vst v1  }
0x85: {  	v1 =	vld.idx.msk [tilespmem:v36+s13+$0x0], $0xffff;
	_ =	sdelay $0x4  }
0x86: {  	[tilespmem:$0xC40] =	vst v1  }
0x87: {  	v1 =	vld.idx.msk [tilespmem:v37+s13+$0x0], $0xffff;
	_ =	sdelay $0x4  }
0x88: {  	[tilespmem:$0xC50] =	vst v1  }
0x89: {  	v1 =	vld.idx.msk [tilespmem:v38+s13+$0x0], $0xffff;
	_ =	sdelay $0x4  }
0x8a: {  	[tilespmem:$0xC60] =	vst v1  }
0x8b: {  	v1 =	vld.idx.msk [tilespmem:v39+s13+$0x0], $0xffff;
	_ =	sdelay $0x4  }
0x8c: {  	[tilespmem:$0xC70] =	vst v1  }
0x8d: {  	v1 =	vld.idx.msk [tilespmem:v40+s13+$0x0], $0xffff;
	_ =	sdelay $0x4  }
0x8e: {  	[tilespmem:$0xC80] =	vst v1  }
0x8f: {  	v1 =	vld.idx.msk [tilespmem:v41+s13+$0x0], $0xffff;
	_ =	sdelay $0x4  }
0x90: {  	[tilespmem:$0xC90] =	vst v1  }
0x91: {  	v1 =	vld.idx.msk [tilespmem:v42+s13+$0x0], $0xffff;
	_ =	sdelay $0x4  }
0x92: {  	[tilespmem:$0xCA0] =	vst v1  }
0x93: {  	v1 =	vld.idx.msk [tilespmem:v43+s13+$0x0], $0xffff;
	_ =	sdelay $0x4  }
0x94: {  	[tilespmem:$0xCB0] =	vst v1  }
0x95: {  	v1 =	vld.idx.msk [tilespmem:v44+s13+$0x0], $0xffff;
	_ =	sdelay $0x4  }
0x96: {  	[tilespmem:$0xCC0] =	vst v1  }
0x97: {  	v1 =	vld.idx.msk [tilespmem:v45+s13+$0x0], $0xffff;
	_ =	sdelay $0x4  }
0x98: {  	[tilespmem:$0xCD0] =	vst v1  }
0x99: {  	v1 =	vld.idx.msk [tilespmem:v46+s13+$0x0], $0xffff;
	_ =	sdelay $0x4  }
0x9a: {  	[tilespmem:$0xCE0] =	vst v1  }
0x9b: {  	v1 =	vld.idx.msk [tilespmem:v47+s13+$0x0], $0xffff;
	_ =	sdelay $0x4  }
0x9c: {  	[tilespmem:$0xCF0] =	vst v1  }
0x9d: {  	v1 =	vld.idx.msk [tilespmem:v48+s13+$0x0], $0xffff;
	_ =	sdelay $0x4  }
0x9e: {  	[tilespmem:$0xD00] =	vst v1  }
0x9f: {  	v1 =	vld.idx.msk [tilespmem:v49+s13+$0x0], $0xffff;
	_ =	sdelay $0x4  }
0xa0: {  	[tilespmem:$0xD10] =	vst v1  }
0xa1: {  	v1 =	vld.idx.msk [tilespmem:v50+s13+$0x0], $0xffff;
	_ =	sdelay $0x4  }
0xa2: {  	[tilespmem:$0xD20] =	vst v1  }
0xa3: {  	v1 =	vld.idx.msk [tilespmem:v51+s13+$0x0], $0xffff;
	_ =	sdelay $0x4  }
0xa4: {  	[tilespmem:$0xD30] =	vst v1  }
0xa5: {  	v1 =	vld.idx.msk [tilespmem:v52+s13+$0x0], $0xffff;
	_ =	sdelay $0x4  }
0xa6: {  	[tilespmem:$0xD40] =	vst v1  }
0xa7: {  	v1 =	vld.idx.msk [tilespmem:v53+s13+$0x0], $0xffff;
	_ =	sdelay $0x4  }
0xa8: {  	[tilespmem:$0xD50] =	vst v1  }
0xa9: {  	v1 =	vld.idx.msk [tilespmem:v54+s13+$0x0], $0xffff;
	_ =	sdelay $0x4  }
0xaa: {  	[tilespmem:$0xD60] =	vst v1  }
0xab: {  	v1 =	vld.idx.msk [tilespmem:v55+s13+$0x0], $0xffff;
	_ =	sdelay $0x4  }
0xac: {  	[tilespmem:$0xD70] =	vst v1  }
0xad: {  	v1 =	vld.idx.msk [tilespmem:v56+s13+$0x0], $0xffff;
	_ =	sdelay $0x4  }
0xae: {  	[tilespmem:$0xD80] =	vst v1  }
0xaf: {  	v1 =	vld.idx.msk [tilespmem:v57+s13+$0x0], $0xffff;
	_ =	sdelay $0x4  }
0xb0: {  	[tilespmem:$0xD90] =	vst v1  }
0xb1: {  	v1 =	vld.idx.msk [tilespmem:v58+s13+$0x0], $0xffff;
	_ =	sdelay $0x4  }
0xb2: {  	[tilespmem:$0xDA0] =	vst v1  }
0xb3: {  	v1 =	vld.idx.msk [tilespmem:v59+s13+$0x0], $0xffff;
	_ =	sdelay $0x4  }
0xb4: {  	[tilespmem:$0xDB0] =	vst v1  }
0xb5: {  	v1 =	vld.idx.msk [tilespmem:v60+s13+$0x0], $0xffff;
	_ =	sdelay $0x4  }
0xb6: {  	[tilespmem:$0xDC0] =	vst v1  }
0xb7: {  	v1 =	vld.idx.msk [tilespmem:v61+s13+$0x0], $0xffff;
	_ =	sdelay $0x4  }
0xb8: {  	[tilespmem:$0xDD0] =	vst v1  }
0xb9: {  	v1 =	vld.idx.msk [tilespmem:v62+s13+$0x0], $0xffff;
	_ =	sdelay $0x4  }
0xba: {  	[tilespmem:$0xDE0] =	vst v1  }
0xbb: {  	v1 =	vld.idx.msk [tilespmem:v63+s13+$0x0], $0xffff  }
0xbc: {  	v2 =	vadd.s32 $0x2, v0;
	_ =	sdelay $0x3  }
0xbd: {  	[tilespmem:$0xDF0] =	vst v1  }
0xbe: {  	v1 =	vld.idx.msk [tilespmem:v2+s13+$0x0], $0xffff  }
0xbf: {  	v2 =	vadd.s32 $0x32, v0;
	_ =	sdelay $0x3  }
0xc0: {  	[tilespmem:$0xE00] =	vst v1  }
0xc1: {  	v1 =	vld.idx.msk [tilespmem:v2+s13+$0x0], $0xffff  }
0xc2: {  	v2 =	vadd.s32 $0x62, v0;
	_ =	sdelay $0x3  }
0xc3: {  	[tilespmem:$0xE10] =	vst v1  }
0xc4: {  	v1 =	vld.idx.msk [tilespmem:v2+s13+$0x0], $0xffff  }
0xc5: {  	v2 =	vadd.s32 $0x92, v0;
	_ =	sdelay $0x3  }
0xc6: {  	[tilespmem:$0xE20] =	vst v1  }
0xc7: {  	v1 =	vld.idx.msk [tilespmem:v2+s13+$0x0], $0xffff  }
0xc8: {  	v2 =	vadd.s32 $0xC2, v0;
	_ =	sdelay $0x3  }
0xc9: {  	[tilespmem:$0xE30] =	vst v1  }
0xca: {  	v1 =	vld.idx.msk [tilespmem:v2+s13+$0x0], $0xffff  }
0xcb: {  	v2 =	vadd.s32 $0xF2, v0;
	_ =	sdelay $0x3  }
0xcc: {  	[tilespmem:$0xE40] =	vst v1  }
0xcd: {  	v1 =	vld.idx.msk [tilespmem:v2+s13+$0x0], $0xffff  }
0xce: {  	v2 =	vadd.s32 $0x122, v0;
	_ =	sdelay $0x3  }
0xcf: {  	[tilespmem:$0xE50] =	vst v1  }
0xd0: {  	v1 =	vld.idx.msk [tilespmem:v2+s13+$0x0], $0xffff  }
0xd1: {  	v2 =	vadd.s32 $0x152, v0;
	_ =	sdelay $0x3  }
0xd2: {  	[tilespmem:$0xE60] =	vst v1  }
0xd3: {  	v1 =	vld.idx.msk [tilespmem:v2+s13+$0x0], $0xffff  }
0xd4: {  	v2 =	vadd.s32 $0x182, v0;
	_ =	sdelay $0x3  }
0xd5: {  	[tilespmem:$0xE70] =	vst v1  }
0xd6: {  	v1 =	vld.idx.msk [tilespmem:v2+s13+$0x0], $0xffff  }
0xd7: {  	v2 =	vadd.s32 $0x1B2, v0;
	_ =	sdelay $0x3  }
0xd8: {  	[tilespmem:$0xE80] =	vst v1  }
0xd9: {  	v1 =	vld.idx.msk [tilespmem:v2+s13+$0x0], $0xffff  }
0xda: {  	v2 =	vadd.s32 $0x1E2, v0;
	_ =	sdelay $0x3  }
0xdb: {  	[tilespmem:$0xE90] =	vst v1  }
0xdc: {  	v1 =	vld.idx.msk [tilespmem:v2+s13+$0x0], $0xffff  }
0xdd: {  	v2 =	vadd.s32 $0x212, v0;
	_ =	sdelay $0x3  }
0xde: {  	[tilespmem:$0xEA0] =	vst v1  }
0xdf: {  	v1 =	vld.idx.msk [tilespmem:v2+s13+$0x0], $0xffff  }
0xe0: {  	v2 =	vadd.s32 $0x242, v0;
	_ =	sdelay $0x3  }
0xe1: {  	[tilespmem:$0xEB0] =	vst v1  }
0xe2: {  	v1 =	vld.idx.msk [tilespmem:v2+s13+$0x0], $0xffff  }
0xe3: {  	v2 =	vadd.s32 $0x272, v0;
	_ =	sdelay $0x3  }
0xe4: {  	[tilespmem:$0xEC0] =	vst v1  }
0xe5: {  	v1 =	vld.idx.msk [tilespmem:v2+s13+$0x0], $0xffff  }
0xe6: {  	v2 =	vadd.s32 $0x2A2, v0;
	_ =	sdelay $0x3  }
0xe7: {  	[tilespmem:$0xED0] =	vst v1  }
0xe8: {  	v1 =	vld.idx.msk [tilespmem:v2+s13+$0x0], $0xffff  }
0xe9: {  	v2 =	vadd.s32 $0x2D2, v0;
	_ =	sdelay $0x3  }
0xea: {  	[tilespmem:$0xEE0] =	vst v1  }
0xeb: {  	v1 =	vld.idx.msk [tilespmem:v2+s13+$0x0], $0xffff  }
0xec: {  	v2 =	vadd.s32 $0x302, v0;
	_ =	sdelay $0x3  }
0xed: {  	[tilespmem:$0xEF0] =	vst v1  }
0xee: {  	v1 =	vld.idx.msk [tilespmem:v2+s13+$0x0], $0xffff  }
0xef: {  	v2 =	vadd.s32 $0x332, v0;
	_ =	sdelay $0x3  }
0xf0: {  	[tilespmem:$0xF00] =	vst v1  }
0xf1: {  	v1 =	vld.idx.msk [tilespmem:v2+s13+$0x0], $0xffff  }
0xf2: {  	v2 =	vadd.s32 $0x362, v0;
	_ =	sdelay $0x3  }
0xf3: {  	[tilespmem:$0xF10] =	vst v1  }
0xf4: {  	v1 =	vld.idx.msk [tilespmem:v2+s13+$0x0], $0xffff  }
0xf5: {  	v2 =	vadd.s32 $0x392, v0;
	_ =	sdelay $0x3  }
0xf6: {  	[tilespmem:$0xF20] =	vst v1  }
0xf7: {  	v1 =	vld.idx.msk [tilespmem:v2+s13+$0x0], $0xffff  }
0xf8: {  	v2 =	vadd.s32 $0x3C2, v0;
	_ =	sdelay $0x3  }
0xf9: {  	[tilespmem:$0xF30] =	vst v1  }
0xfa: {  	v1 =	vld.idx.msk [tilespmem:v2+s13+$0x0], $0xffff  }
0xfb: {  	v2 =	vadd.s32 $0x3F2, v0;
	_ =	sdelay $0x3  }
0xfc: {  	[tilespmem:$0xF40] =	vst v1  }
0xfd: {  	v1 =	vld.idx.msk [tilespmem:v2+s13+$0x0], $0xffff  }
0xfe: {  	v2 =	vadd.s32 $0x422, v0;
	_ =	sdelay $0x3  }
0xff: {  	[tilespmem:$0xF50] =	vst v1  }
0x100: {  	v1 =	vld.idx.msk [tilespmem:v2+s13+$0x0], $0xffff  }
0x101: {  	v2 =	vadd.s32 $0x452, v0;
	_ =	sdelay $0x3  }
0x102: {  	[tilespmem:$0xF60] =	vst v1  }
0x103: {  	v1 =	vld.idx.msk [tilespmem:v2+s13+$0x0], $0xffff  }
0x104: {  	v2 =	vadd.s32 $0x482, v0;
	_ =	sdelay $0x3  }
0x105: {  	[tilespmem:$0xF70] =	vst v1  }
0x106: {  	v1 =	vld.idx.msk [tilespmem:v2+s13+$0x0], $0xffff  }
0x107: {  	v2 =	vadd.s32 $0x4B2, v0;
	_ =	sdelay $0x3  }
0x108: {  	[tilespmem:$0xF80] =	vst v1  }
0x109: {  	v1 =	vld.idx.msk [tilespmem:v2+s13+$0x0], $0xffff  }
0x10a: {  	v2 =	vadd.s32 $0x4E2, v0;
	_ =	sdelay $0x3  }
0x10b: {  	[tilespmem:$0xF90] =	vst v1  }
0x10c: {  	v1 =	vld.idx.msk [tilespmem:v2+s13+$0x0], $0xffff  }
0x10d: {  	v2 =	vadd.s32 $0x512, v0;
	_ =	sdelay $0x3  }
0x10e: {  	[tilespmem:$0xFA0] =	vst v1  }
0x10f: {  	v1 =	vld.idx.msk [tilespmem:v2+s13+$0x0], $0xffff  }
0x110: {  	v2 =	vadd.s32 $0x542, v0;
	_ =	sdelay $0x3  }
0x111: {  	[tilespmem:$0xFB0] =	vst v1  }
0x112: {  	v1 =	vld.idx.msk [tilespmem:v2+s13+$0x0], $0xffff  }
0x113: {  	v2 =	vadd.s32 $0x572, v0;
	_ =	sdelay $0x3  }
0x114: {  	[tilespmem:$0xFC0] =	vst v1  }
0x115: {  	v1 =	vld.idx.msk [tilespmem:v2+s13+$0x0], $0xffff  }
0x116: {  	v2 =	vadd.s32 $0x5A2, v0;
	_ =	sdelay $0x3  }
0x117: {  	[tilespmem:$0xFD0] =	vst v1  }
0x118: {  	v1 =	vld.idx.msk [tilespmem:v2+s13+$0x0], $0xffff  }
0x119: {  	v2 =	vadd.s32 $0x5D2, v0;
	_ =	sdelay $0x3  }
0x11a: {  	[tilespmem:$0xFE0] =	vst v1  }
0x11b: {  	v1 =	vld.idx.msk [tilespmem:v2+s13+$0x0], $0xffff;
	_ =	sdelay $0x2  }
0x11c: {  	s23 =	sld [smem:$0x7F7];
	_ =	sdelay $0x1  }
0x11d: {  	[tilespmem:$0xFF0] =	vst v1  }
0x11e: {  	[tilespmem:s14], [sflag:$0x4] =	stream.indirect.gather [hbm4b:s0+s8], $0x80, s23, s8, $0xb8;
	[tilespmem:$0x11000] =	vst v63  }
0x11f: {  	_ =	swait.ge [sflag:s15], $0x4000  }
0x120: {  	[sflag:s15] =	ssyncset.done $0x0  }
0x121: {  	s23 =	rddreg [dreg:$0xc];
	[sflag:s15] =	ssyncadd.s32 $0xFFFFC000  }
0x122: {  	[hbm4b:s23+s4] =	stream.linear.scatter [tilespmem:s9], [sflag:$0x5], $0x4000, $0x38;
	[tilespmem:$0x11000] =	vst v63  }
0x123: {  	_ =	swait.ge [sflag:s16], $0x4000  }
0x124: {  	[sflag:s16] =	ssyncset.done $0x0  }
0x125: {  	[sflag:s16] =	ssyncadd.s32 $0xFFFFC000  }
0x126: {  	[tilespmem:s9], [sflag:$0x1] =	stream.indirect.gather [hbm4b:s1+s8], $0x80, s12, s8, $0xb8;
	[tilespmem:$0x11000] =	vst v63  }
0x127: {  	_ =	swait.ge [sflag:s17], $0x4000  }
0x128: {  	[sflag:s17] =	ssyncset.done $0x0  }
0x129: {  	s23 =	rddreg [dreg:$0xd];
	[sflag:s17] =	ssyncadd.s32 $0xFFFFC000  }
0x12a: {  	[hbm4b:s23+s4] =	stream.linear.scatter [tilespmem:s10], [sflag:$0x6], $0x4000, $0x38;
	[tilespmem:$0x11000] =	vst v63  }
0x12b: {  	_ =	swait.ge [sflag:s18], $0x4000  }
0x12c: {  	s23 =	sld [smem:$0x7F8]  }
0x12d: {  	[sflag:s18] =	ssyncset.done $0x0  }
0x12e: {  	[sflag:s18] =	ssyncadd.s32 $0xFFFFC000  }
0x12f: {  	[tilespmem:s10], [sflag:$0x2] =	stream.indirect.gather [hbm4b:s1+s8], $0x80, s23, s8, $0xb8;
	[tilespmem:$0x11000] =	vst v63  }
0x130: {  	_ =	swait.ge [sflag:s19], $0x4000  }
0x131: {  	[sflag:s19] =	ssyncset.done $0x0  }
0x132: {  	s23 =	rddreg [dreg:$0xe];
	[sflag:s19] =	ssyncadd.s32 $0xFFFFC000  }
0x133: {  	[hbm4b:s23+s4] =	stream.linear.scatter [tilespmem:s11], [sflag:$0x7], $0x4000, $0x38;
	[tilespmem:$0x11000] =	vst v63  }
0x134: {  	_ =	swait.ge [sflag:s20], $0x4000  }
0x135: {  	s23 =	sld [smem:$0x7F9]  }
0x136: {  	[sflag:s20] =	ssyncset.done $0x0  }
0x137: {  	[sflag:s20] =	ssyncadd.s32 $0xFFFFC000  }
0x138: {  	[tilespmem:s11], [sflag:$0x3] =	stream.indirect.gather [hbm4b:s1+s8], $0x80, s23, s8, $0xb8;
	[tilespmem:$0x11000] =	vst v63  }
0x139: {  	_ =	swait.ge [sflag:s21], $0x4000  }
0x13a: {  	[sflag:s21] =	ssyncset.done $0x0  }
0x13b: {  	s23 =	rddreg [dreg:$0xf];
	[sflag:s21] =	ssyncadd.s32 $0xFFFFC000  }
0x13c: {  	[hbm4b:s23+s4] =	stream.linear.scatter [tilespmem:s14], [sflag:$0x8], $0x4000, $0x38;
	[tilespmem:$0x11000] =	vst v63  }
0x13d: {  	_ =	swait.ge [sflag:s22], $0x4000  }
0x13e: {  	s23 =	sld [smem:$0x7FA]  }
0x13f: {  	[sflag:s22] =	ssyncset.done $0x0  }
0x140: {  	[sflag:s22] =	ssyncadd.s32 $0xFFFFC000  }
0x141: {  	[tilespmem:s14], [sflag:$0x4] =	stream.indirect.gather [hbm4b:s1+s8], $0x80, s23, s8, $0xb8;
	[tilespmem:$0x11000] =	vst v63  }
0x142: {  	_ =	swait.ge [sflag:s15], $0x4000  }
0x143: {  	[sflag:s15] =	ssyncset.done $0x0  }
0x144: {  	s23 =	rddreg [dreg:$0x10];
	[sflag:s15] =	ssyncadd.s32 $0xFFFFC000  }
0x145: {  	[hbm4b:s23+s4] =	stream.linear.scatter [tilespmem:s9], [sflag:$0x5], $0x4000, $0x38;
	[tilespmem:$0x11000] =	vst v63  }
0x146: {  	_ =	swait.ge [sflag:s16], $0x4000  }
0x147: {  	s23 =	sld [smem:$0x7FB]  }
0x148: {  	[sflag:s16] =	ssyncset.done $0x0  }
0x149: {  	[sflag:s16] =	ssyncadd.s32 $0xFFFFC000  }
0x14a: {  	[tilespmem:s9], [sflag:$0x1] =	stream.indirect.gather [hbm4b:s1+s8], $0x80, s23, s8, $0xb8;
	[tilespmem:$0x11000] =	vst v63  }
0x14b: {  	_ =	swait.ge [sflag:s17], $0x4000  }
0x14c: {  	[sflag:s17] =	ssyncset.done $0x0  }
0x14d: {  	s23 =	rddreg [dreg:$0x11];
	[sflag:s17] =	ssyncadd.s32 $0xFFFFC000  }
0x14e: {  	[hbm4b:s23+s4] =	stream.linear.scatter [tilespmem:s10], [sflag:$0x6], $0x4000, $0x38;
	[tilespmem:$0x11000] =	vst v63  }
0x14f: {  	_ =	swait.ge [sflag:s18], $0x4000  }
0x150: {  	s23 =	sld [smem:$0x7FC]  }
0x151: {  	[sflag:s18] =	ssyncset.done $0x0  }
0x152: {  	[sflag:s18] =	ssyncadd.s32 $0xFFFFC000  }
0x153: {  	[tilespmem:s10], [sflag:$0x2] =	stream.indirect.gather [hbm4b:s1+s8], $0x80, s23, s8, $0xb8;
	[tilespmem:$0x11000] =	vst v63  }
0x154: {  	_ =	swait.ge [sflag:s19], $0x4000  }
0x155: {  	[sflag:s19] =	ssyncset.done $0x0  }
0x156: {  	s23 =	rddreg [dreg:$0x12];
	[sflag:s19] =	ssyncadd.s32 $0xFFFFC000  }
0x157: {  	[hbm4b:s23+s4] =	stream.linear.scatter [tilespmem:s11], [sflag:$0x7], $0x4000, $0x38;
	[tilespmem:$0x11000] =	vst v63  }
0x158: {  	_ =	swait.ge [sflag:s20], $0x4000  }
0x159: {  	s23 =	sld [smem:$0x7FD]  }
0x15a: {  	[sflag:s20] =	ssyncset.done $0x0  }
0x15b: {  	[sflag:s20] =	ssyncadd.s32 $0xFFFFC000  }
0x15c: {  	[tilespmem:s11], [sflag:$0x3] =	stream.indirect.gather [hbm4b:s1+s8], $0x80, s23, s8, $0xb8;
	[tilespmem:$0x11000] =	vst v63  }
0x15d: {  	_ =	swait.ge [sflag:s21], $0x4000  }
0x15e: {  	[sflag:s21] =	ssyncset.done $0x0  }
0x15f: {  	s23 =	rddreg [dreg:$0x13];
	[sflag:s21] =	ssyncadd.s32 $0xFFFFC000  }
0x160: {  	[hbm4b:s23+s4] =	stream.linear.scatter [tilespmem:s14], [sflag:$0x8], $0x4000, $0x38;
	[tilespmem:$0x11000] =	vst v63  }
0x161: {  	_ =	swait.ge [sflag:s22], $0x4000  }
0x162: {  	[sflag:s22] =	ssyncset.done $0x0  }
0x163: {  	s23 =	simm.s32 $0xB80;
	[sflag:s22] =	ssyncadd.s32 $0xFFFFC000  }
0x164: {  	[tilespmem:s14], [sflag:$0x4] =	stream.indirect.gather [hbm4b:s1+s8], $0x80, s23, s8, $0xb8;
	[tilespmem:$0x11000] =	vst v63  }
0x165: {  	_ =	swait.ge [sflag:s15], $0x4000  }
0x166: {  	[sflag:s15] =	ssyncset.done $0x0  }
0x167: {  	[sflag:s15] =	ssyncadd.s32 $0xFFFFC000  }
0x168: {  	[hbm4b:s5+s4] =	stream.linear.scatter [tilespmem:s9], [sflag:$0x5], $0x4000, $0x38;
	[tilespmem:$0x11000] =	vst v63  }
0x169: {  	_ =	swait.ge [sflag:s16], $0x4000  }
0x16a: {  	[sflag:s16] =	ssyncset.done $0x0  }
0x16b: {  	[sflag:s16] =	ssyncadd.s32 $0xFFFFC000  }
0x16c: {  	[tilespmem:s9], [sflag:$0x1] =	stream.indirect.gather [hbm4b:s1+s8], $0x80, s24, s8, $0xb8;
	[tilespmem:$0x11000] =	vst v63  }
0x16d: {  	_ =	swait.ge [sflag:s17], $0x4000  }
0x16e: {  	[sflag:s17] =	ssyncset.done $0x0  }
0x16f: {  	s23 =	rddreg [dreg:$0x14];
	[sflag:s17] =	ssyncadd.s32 $0xFFFFC000  }
0x170: {  	[hbm4b:s23+s4] =	stream.linear.scatter [tilespmem:s10], [sflag:$0x6], $0x4000, $0x38;
	[tilespmem:$0x11000] =	vst v63  }
0x171: {  	_ =	swait.ge [sflag:s18], $0x4000  }
0x172: {  	[sflag:s18] =	ssyncset.done $0x0  }
0x173: {  	[sflag:s18] =	ssyncadd.s32 $0xFFFFC000  }
0x174: {  	[tilespmem:s10], [sflag:$0x2] =	stream.indirect.gather [hbm4b:s1+s8], $0x80, s25, s8, $0xb8;
	[tilespmem:$0x11000] =	vst v63  }
0x175: {  	_ =	swait.ge [sflag:s19], $0x4000  }
0x176: {  	[sflag:s19] =	ssyncset.done $0x0  }
0x177: {  	s23 =	rddreg [dreg:$0x15];
	[sflag:s19] =	ssyncadd.s32 $0xFFFFC000  }
0x178: {  	[hbm4b:s23+s4] =	stream.linear.scatter [tilespmem:s11], [sflag:$0x7], $0x4000, $0x38;
	[tilespmem:$0x11000] =	vst v63  }
0x179: {  	_ =	swait.ge [sflag:s20], $0x4000  }
0x17a: {  	[sflag:s20] =	ssyncset.done $0x0  }
0x17b: {  	[sflag:s20] =	ssyncadd.s32 $0xFFFFC000  }
0x17c: {  	[tilespmem:s11], [sflag:$0x3] =	stream.indirect.gather [hbm4b:s1+s8], $0x80, s26, s8, $0xb8;
	[tilespmem:$0x11000] =	vst v63  }
0x17d: {  	_ =	swait.ge [sflag:s21], $0x4000  }
0x17e: {  	[sflag:s21] =	ssyncset.done $0x0  }
0x17f: {  	s23 =	rddreg [dreg:$0x16];
	[sflag:s21] =	ssyncadd.s32 $0xFFFFC000  }
0x180: {  	[hbm4b:s23+s4] =	stream.linear.scatter [tilespmem:s14], [sflag:$0x8], $0x4000, $0x38;
	[tilespmem:$0x11000] =	vst v63  }
0x181: {  	_ =	swait.ge [sflag:s22], $0x4000  }
0x182: {  	[sflag:s22] =	ssyncset.done $0x0  }
0x183: {  	[sflag:s22] =	ssyncadd.s32 $0xFFFFC000  }
0x184: {  	[tilespmem:s14], [sflag:$0x4] =	stream.indirect.gather [hbm4b:s1+s8], $0x80, s28, s8, $0xb8;
	[tilespmem:$0x11000] =	vst v63  }
0x185: {  	_ =	swait.ge [sflag:s15], $0x4000  }
0x186: {  	[sflag:s15] =	ssyncset.done $0x0  }
0x187: {  	s23 =	rddreg [dreg:$0x17];
	[sflag:s15] =	ssyncadd.s32 $0xFFFFC000  }
0x188: {  	[hbm4b:s23+s4] =	stream.linear.scatter [tilespmem:s9], [sflag:$0x5], $0x4000, $0x38;
	[tilespmem:$0x11000] =	vst v63  }
0x189: {  	_ =	swait.ge [sflag:s16], $0x4000  }
0x18a: {  	[sflag:s16] =	ssyncset.done $0x0  }
0x18b: {  	[sflag:s16] =	ssyncadd.s32 $0xFFFFC000  }
0x18c: {  	[tilespmem:s9], [sflag:$0x1] =	stream.indirect.gather [hbm4b:s1+s8], $0x80, s29, s8, $0xb8;
	[tilespmem:$0x11000] =	vst v63  }
0x18d: {  	_ =	swait.ge [sflag:s17], $0x4000  }
0x18e: {  	[sflag:s17] =	ssyncset.done $0x0  }
0x18f: {  	s23 =	rddreg [dreg:$0x18];
	[sflag:s17] =	ssyncadd.s32 $0xFFFFC000  }
0x190: {  	[hbm4b:s23+s4] =	stream.linear.scatter [tilespmem:s10], [sflag:$0x6], $0x4000, $0x38;
	[tilespmem:$0x11000] =	vst v63  }
0x191: {  	_ =	swait.ge [sflag:s18], $0x4000  }
0x192: {  	[sflag:s18] =	ssyncset.done $0x0  }
0x193: {  	[sflag:s18] =	ssyncadd.s32 $0xFFFFC000  }
0x194: {  	[tilespmem:s10], [sflag:$0x2] =	stream.indirect.gather [hbm4b:s1+s8], $0x80, s30, s8, $0xb8;
	[tilespmem:$0x11000] =	vst v63  }
0x195: {  	_ =	swait.ge [sflag:s19], $0x4000  }
0x196: {  	[sflag:s19] =	ssyncset.done $0x0  }
0x197: {  	s23 =	rddreg [dreg:$0x19];
	[sflag:s19] =	ssyncadd.s32 $0xFFFFC000  }
0x198: {  	[hbm4b:s23+s4] =	stream.linear.scatter [tilespmem:s11], [sflag:$0x7], $0x4000, $0x38;
	[tilespmem:$0x11000] =	vst v63  }
0x199: {  	_ =	swait.ge [sflag:s20], $0x4000  }
0x19a: {  	[sflag:s20] =	ssyncset.done $0x0  }
0x19b: {  	[sflag:s20] =	ssyncadd.s32 $0xFFFFC000  }
0x19c: {  	[tilespmem:s11], [sflag:$0x3] =	stream.indirect.gather [hbm4b:s1+s8], $0x80, s31, s8, $0xb8;
	[tilespmem:$0x11000] =	vst v63  }
0x19d: {  	_ =	swait.ge [sflag:s21], $0x4000  }
0x19e: {  	[sflag:s21] =	ssyncset.done $0x0  }
0x19f: {  	s23 =	rddreg [dreg:$0x1a];
	[sflag:s21] =	ssyncadd.s32 $0xFFFFC000  }
0x1a0: {  	[hbm4b:s23+s4] =	stream.linear.scatter [tilespmem:s14], [sflag:$0x8], $0x4000, $0x38;
	[tilespmem:$0x11000] =	vst v63  }
0x1a1: {  	_ =	swait.ge [sflag:s22], $0x4000  }
0x1a2: {  	[sflag:s22] =	ssyncset.done $0x0  }
0x1a3: {  	[sflag:s22] =	ssyncadd.s32 $0xFFFFC000  }
0x1a4: {  	[tilespmem:s14], [sflag:$0x4] =	stream.indirect.gather [hbm4b:s1+s8], $0x80, s3, s8, $0xb8;
	[tilespmem:$0x11000] =	vst v63  }
0x1a5: {  	_ =	swait.ge [sflag:s15], $0x4000  }
0x1a6: {  	[sflag:s15] =	ssyncset.done $0x0  }
0x1a7: {  	s23 =	rddreg [dreg:$0x1b];
	[sflag:s15] =	ssyncadd.s32 $0xFFFFC000  }
0x1a8: {  	[hbm4b:s23+s4] =	stream.linear.scatter [tilespmem:s9], [sflag:$0x5], $0x4000, $0x38;
	[tilespmem:$0x11000] =	vst v63  }
0x1a9: {  	_ =	swait.ge [sflag:s17], $0x4000  }
0x1aa: {  	[sflag:s17] =	ssyncset.done $0x0  }
0x1ab: {  	s23 =	rddreg [dreg:$0x1c];
	[sflag:s17] =	ssyncadd.s32 $0xFFFFC000  }
0x1ac: {  	[hbm4b:s23+s4] =	stream.linear.scatter [tilespmem:s10], [sflag:$0x6], $0x4000, $0x38;
	[tilespmem:$0x11000] =	vst v63  }
0x1ad: {  	_ =	swait.ge [sflag:s19], $0x4000  }
0x1ae: {  	[sflag:s19] =	ssyncset.done $0x0  }
0x1af: {  	s23 =	rddreg [dreg:$0x1d];
	[sflag:s19] =	ssyncadd.s32 $0xFFFFC000  }
0x1b0: {  	[hbm4b:s23+s4] =	stream.linear.scatter [tilespmem:s11], [sflag:$0x7], $0x4000, $0x38;
	[tilespmem:$0x11000] =	vst v63  }
0x1b1: {  	_ =	swait.ge [sflag:s21], $0x4000  }
0x1b2: {  	[sflag:s21] =	ssyncset.done $0x0  }
0x1b3: {  	s23 =	rddreg [dreg:$0x1e];
	[sflag:s21] =	ssyncadd.s32 $0xFFFFC000  }
0x1b4: {  	[hbm4b:s23+s4] =	stream.linear.scatter [tilespmem:s14], [sflag:$0x8], $0x4000, $0x38;
	[tilespmem:$0x11000] =	vst v63  }
0x1b5: {  	_ =	swait.ge [sflag:s16], $0x4000  }
0x1b6: {  	[sflag:s16] =	ssyncset.done $0x0  }
0x1b7: {  	[sflag:s16] =	ssyncadd.s32 $0xFFFFC000  }
0x1b8: {  	_ =	swait.ge [sflag:s18], $0x4000  }
0x1b9: {  	[sflag:s18] =	ssyncset.done $0x0  }
0x1ba: {  	[sflag:s18] =	ssyncadd.s32 $0xFFFFC000  }
0x1bb: {  	p0 =	sne.s32 s6, $0x1;
	_ =	swait.ge [sflag:s20], $0x4000  }
.Ltmp0:
0x1bc: {  	[sflag:s20] =	ssyncset.done $0x0;
	(pc) =	sbr.rel @p0 .LBB2_1-.Ltmp0, $4  }
0x1bd: {  	[sflag:s20] =	ssyncadd.s32 $0xFFFFC000  }
0x1be: {  	_ =	swait.ge [sflag:s22], $0x4000  }
0x1bf: {  	[sflag:s22] =	ssyncset.done $0x0  }
0x1c0: {  	s6 =	sadd.s32 $0xFFFFFFFF, s6;
	[sflag:s22] =	ssyncadd.s32 $0xFFFFC000  }
0x1c1: {  	_ =	sfence.sel $0x180000  }
0x1c2: {  	[bflag:$0x0] =	sbarrier.arrive $0xFFFF  }
0x1c3: {  	_ =	strace $0x90000047  }
0x1c4: {  	s0 =	stileid.u32;
	[bflag:$0x2] =	sbarrier.arrive $0xFFFF  }
0x1c5: {  	p0 =	sne.s32 s0, $0x0;
	s0 =	rddreg [dreg:$0x8]  }
0x1c6: {  	s0 =	sadd.s32 @!p0 $0x100000, s0  }
0x1c7: {  	[sflag:s0] =	ssyncadd.tile.s32 @!p0 $0x1;
	_ =	shalt  }
.Lfunc_end2:
_tile_overlayer_lowered:
.L_overlay_start_2:
0x1c8: {  	(tag) =	ssettag $0x2  }
0x1c9: {  	s0 =	rddreg [dreg:$0x0];
	s2 =	stileid.u32  }
0x1ca: {  	s1 =	rddreg [dreg:$0x1];
	p0 =	sne.s32 s2, $0x0  }
0x1cb: {  	s3 =	rddreg [dreg:$0x2];
	[bflag:$0x3] =	sbarrier.arrive $0xFFFF;
	s2 =	simm.s32 @!p0 $0x1C09  }
0x1cc: {  	[timem:s3], [sflag:s2] =	dma.local @!p0 [hbm:s0], s1  }
0x1cd: {  	s0 =	simm.s32 @!p0 $0x9  }
0x1ce: {  	_ =	swait.ge @!p0 [sflag:s0], s1  }
0x1cf: {  	s1 =	ssub.s32 @!p0 $0x0, s1;
	[sflag:s0] =	ssyncset.done @!p0 $0x0  }
0x1d0: {  	[sflag:s0] =	ssyncadd.s32 @!p0 s1  }
0x1d1: {  	[bflag:$0x3] =	sbarrier.arrive $0xFFFF  }
0x1d2: {  	_ =	shalt  }

</sc_bundles>
